<compile_context>
chip_gen: v7x
topology: tpu7x:2x2x1
jax: 0.10.2.dev20260603
libtpu: 0.0.44.dev20260713+nightly
codegen_flags: <defaults>
</compile_context>

<pallas_src>
import functools

import jax
import jax.numpy as jnp
from jax import lax
from jax.experimental import pallas as pl
from jax.experimental.pallas import tpu as pltpu
from jax.experimental.pallas import tpu_sc as plsc

N = 1024
C = 32
D = 3 * C
E = N * (N - 1) // 2
NC = 2
NS = 16
NW = NC * NS
EPW = E // NW
WIN = 88
NWIN = EPW // WIN


def _find_start(e0):
    def body(ic, c):
        i, rem, done = c
        rowlen = (N - 1) - ic
        take = jnp.logical_and(jnp.logical_not(done), rem >= rowlen)
        i = jnp.where(take, i + 1, i)
        rem = jnp.where(take, rem - rowlen, rem)
        return i, rem, jnp.logical_or(done, jnp.logical_not(take))

    i, rem, _ = lax.fori_loop(0, N, body, (jnp.int32(0), e0, False))
    return i, i + 1 + rem


def _sqrt16(q):
    bits = lax.bitcast_convert_type(q, jnp.int32)
    seed = jnp.int32(0x5F3759DF) - lax.shift_right_logical(bits, 1)
    y = lax.bitcast_convert_type(seed, jnp.float32)
    u = q * y
    return u * (jnp.float32(1.5) - jnp.float32(0.5) * (u * y))


def _body(geoms_hbm, out_hbm, geoms_v, ob0, ob1, sem0, sem1):
    cid = lax.axis_index("c")
    sid = lax.axis_index("s")
    wid = sid * NC + cid
    pltpu.sync_copy(geoms_hbm, geoms_v)
    e0 = wid * jnp.int32(EPW)
    i0, j0 = _find_start(e0)

    def fill(win, buf, i, j):
        trip = jnp.minimum(14, WIN // jnp.maximum(1, 1010 - i) + 2)

        def fill_body(_, cr):
            i, j, ptr = cr
            seg = jnp.maximum(0, jnp.minimum(N - j, WIN - ptr))
            src = [geoms_v[pl.ds(i * D + r * 16, 16)] for r in range(6)]

            @plsc.parallel_loop(0, seg, unroll=1)
            def _edge(t):
                jbase = (j + t) * D
                p = ptr + t
                for h in range(2):
                    acc = None
                    for k in range(3):
                        d = geoms_v[pl.ds(jbase + k * 32 + h * 16, 16)] - src[2 * k + h]
                        sq = d * d
                        acc = sq if acc is None else acc + sq
                    buf[p, pl.ds(h * 16, 16)] = _sqrt16(acc)
            jn = j + seg
            wrapped = jnp.logical_and(jn >= N, seg > 0)
            i2 = jnp.where(wrapped, i + 1, i)
            j2 = jnp.where(wrapped, i + 2, jn)
            return i2, j2, ptr + seg

        i, j, _ = lax.fori_loop(0, trip, fill_body, (i, j, jnp.int32(0)))
        return i, j

    def dst(win):
        return out_hbm.at[pl.ds(e0 + win * WIN, WIN)]

    def flush(win, buf, sem):
        pltpu.async_copy(buf, dst(win), sem)

    def wait(buf, sem):
        pltpu.make_async_copy(buf, dst(0), sem).wait()

    i, j = fill(0, ob0, i0, j0)
    flush(0, ob0, sem0)
    i, j = fill(1, ob1, i, j)
    flush(1, ob1, sem1)

    def pair(p, c):
        i, j = c
        w0 = 2 + 2 * p
        wait(ob0, sem0)
        i, j = fill(w0, ob0, i, j)
        flush(w0, ob0, sem0)
        wait(ob1, sem1)
        i, j = fill(w0 + 1, ob1, i, j)
        flush(w0 + 1, ob1, sem1)
        return i, j

    lax.fori_loop(0, (NWIN - 2) // 2, pair, (i, j))
    wait(ob0, sem0)
    wait(ob1, sem1)


_sc_distances = functools.partial(
    pl.kernel,
    mesh=plsc.VectorSubcoreMesh(core_axis_name="c", subcore_axis_name="s"),
    out_type=jax.ShapeDtypeStruct((E, C), jnp.float32),
    scratch_types=[
        pltpu.VMEM((N * D,), jnp.float32),
        pltpu.VMEM((WIN, C), jnp.float32),
        pltpu.VMEM((WIN, C), jnp.float32),
        pltpu.SemaphoreType.DMA,
        pltpu.SemaphoreType.DMA,
    ],
)(_body)


def kernel(geoms, bonds):
    del bonds
    return _sc_distances(geoms.reshape(N * D))

# --- scband reference (transcript-rebuilt; emitter-appended) ---
"""Pipeline reference for scband-nbdistances-dense-58574763983735 (READ-ONLY COPY).

The authoritative reference and input builder live on the scoring server;
editing this copy changes nothing except your own understanding.
"""

import jax, jax.numpy as jnp
import numpy as np

N_ATOMS = 1024
N_CONF = 32

def _complete_graph_edges(n):
    # matches networkx complete_graph edge enumeration: (a, b) with a < b
    i, j = np.triu_indices(n, k=1)
    return np.stack([i, j], axis=1).astype(np.int64)

def setup_inputs(seed: int = 0) -> dict:
    key = jax.random.key(seed)
    geoms = jax.random.normal(key, (N_ATOMS, 3, N_CONF), dtype=jnp.float32)
    bonds = jnp.asarray(_complete_graph_edges(N_ATOMS))
    return {"geoms": geoms, "bonds": bonds}

def reference(geoms, bonds):
    # BondsModel.forward: gather endpoint coordinates, diff, L2 norm over xyz axis
    src = jnp.take(geoms, bonds[:, 0], axis=0)  # [E, 3, C]
    dst = jnp.take(geoms, bonds[:, 1], axis=0)  # [E, 3, C]
    diffs = src - dst
    return jnp.sqrt(jnp.sum(diffs * diffs, axis=1))  # [E, C]

if __name__ == "__main__":
    import jax
    _d = setup_inputs()
    print(jax.jit(kernel)(*tuple(_d.values())))

</pallas_src>

<mosaic_0001>
#map = affine_map<(d0, d1) -> (0)>
#map1 = affine_map<(d0, d1) -> (0, 0)>
module attributes {stable_mosaic.version = 14 : i64} {
  func.func @_body(%arg0: i32, %arg1: i32, %arg2: memref<98304xf32, #tpu.memory_space<hbm>>, %arg3: memref<523776x32xf32, #tpu.memory_space<hbm>>, %arg4: memref<98304xf32, #tpu.memory_space<vmem>>, %arg5: memref<88x32xf32, #tpu.memory_space<vmem>>, %arg6: memref<88x32xf32, #tpu.memory_space<vmem>>, %arg7: memref<!tpu.dma_semaphore, #tpu.memory_space<semaphore_mem>>, %arg8: memref<!tpu.dma_semaphore, #tpu.memory_space<semaphore_mem>>) attributes {dimension_semantics = [#tpu.dimension_semantics<core_parallel>, #tpu.dimension_semantics<subcore_parallel>], iteration_bounds = array<i64: 2, 16>, scalar_prefetch = 0 : i64, scratch_operands = 5 : i64, tpu.core_type = #tpu.core_type<sc_vector_subcore>, window_params = [{transform_indices = #map}, {transform_indices = #map1}]} {
    %mul3A = arith.constant 2 : i32
    %mul3A_0 = arith.muli %arg1, %mul3A : i32
    %add3A = arith.addi %mul3A_0, %arg0 : i32
    "tpu.region"() ({
      %run_scoped3A = tpu.sem_alloc : memref<!tpu.dma_semaphore, #tpu.memory_space<semaphore_mem>>
      tpu.enqueue_dma source(%arg2 : memref<98304xf32, #tpu.memory_space<hbm>>) target(%arg4 : memref<98304xf32, #tpu.memory_space<vmem>>) target_semaphore(%run_scoped3A : memref<!tpu.dma_semaphore, #tpu.memory_space<semaphore_mem>>)
      tpu.wait_dma2 semaphore(%run_scoped3A : memref<!tpu.dma_semaphore, #tpu.memory_space<semaphore_mem>>) src(%arg2 : memref<98304xf32, #tpu.memory_space<hbm>>) dst(%arg4 : memref<98304xf32, #tpu.memory_space<vmem>>)
      tpu.yield
    }) : () -> ()
    %mul3A_1 = arith.constant 16368 : i32
    %mul3A_2 = arith.muli %add3A, %mul3A_1 : i32
    %scan3A = arith.constant 0 : i32
    %scan3A_3 = arith.constant false
    %scan3A_4 = arith.constant 0 : i32
    %scan3A_5 = arith.constant 1024 : i32
    %scan3A_6 = arith.addi %scan3A_4, %scan3A_5 : i32
    %scan3A_7 = arith.constant 1 : i32
    %scan3A_8:3 = scf.for %scan3A_118 = %scan3A_4 to %scan3A_6 step %scan3A_7 iter_args(%scan3A_119 = %scan3A, %scan3A_120 = %mul3A_2, %scan3A_121 = %scan3A_3) -> (i32, i32, i1)  : i32 {
      %sub3A_122 = arith.constant 1023 : i32
      %sub3A_123 = arith.subi %sub3A_122, %scan3A_118 : i32
      %not3A = arith.constant true
      %not3A_124 = arith.xori %scan3A_121, %not3A : i1
      %ge3A = arith.cmpi sge, %scan3A_120, %sub3A_123 : i32
      %and3A_125 = arith.andi %not3A_124, %ge3A : i1
      %add3A_126 = arith.constant 1 : i32
      %add3A_127 = arith.addi %scan3A_119, %add3A_126 : i32
      %select_n3A_128 = arith.select %and3A_125, %add3A_127, %scan3A_119 : i32
      %sub3A_129 = arith.subi %scan3A_120, %sub3A_123 : i32
      %select_n3A_130 = arith.select %and3A_125, %sub3A_129, %scan3A_120 : i32
      %not3A_131 = arith.constant true
      %not3A_132 = arith.xori %and3A_125, %not3A_131 : i1
      %or3A = arith.ori %scan3A_121, %not3A_132 : i1
      scf.yield %select_n3A_128, %select_n3A_130, %or3A : i32, i32, i1
    }
    %scan3A_9 = arith.constant 1024 : i32
    %add3A_10 = arith.constant 1 : i32
    %add3A_11 = arith.addi %scan3A_8#0, %add3A_10 : i32
    %add3A_12 = arith.addi %add3A_11, %scan3A_8#1 : i32
    %sub3A = arith.constant 1010 : i32
    %sub3A_13 = arith.subi %sub3A, %scan3A_8#0 : i32
    %max3A = arith.constant 1 : i32
    %max3A_14 = arith.maxsi %max3A, %sub3A_13 : i32
    %jit3A = arith.constant 88 : i32
    %div3A = arith.divsi %jit3A, %max3A_14 : i32
    %sign3A = arith.constant 0 : i32
    %sign3A_15 = arith.cmpi sgt, %jit3A, %sign3A : i32
    %sign3A_16 = arith.extui %sign3A_15 : i1 to i32
    %sign3A_17 = arith.constant 0 : i32
    %sign3A_18 = arith.cmpi slt, %jit3A, %sign3A_17 : i32
    %sign3A_19 = arith.extui %sign3A_18 : i1 to i32
    %sign3A_20 = arith.subi %sign3A_16, %sign3A_19 : i32
    %sign3A_21 = arith.constant 0 : i32
    %sign3A_22 = arith.cmpi sgt, %max3A_14, %sign3A_21 : i32
    %sign3A_23 = arith.extui %sign3A_22 : i1 to i32
    %sign3A_24 = arith.constant 0 : i32
    %sign3A_25 = arith.cmpi slt, %max3A_14, %sign3A_24 : i32
    %sign3A_26 = arith.extui %sign3A_25 : i1 to i32
    %sign3A_27 = arith.subi %sign3A_23, %sign3A_26 : i32
    %ne3A = arith.cmpi ne, %sign3A_20, %sign3A_27 : i32
    %rem3A = arith.remsi %jit3A, %max3A_14 : i32
    %ne3A_28 = arith.constant 0 : i32
    %ne3A_29 = arith.cmpi ne, %rem3A, %ne3A_28 : i32
    %and3A = arith.andi %ne3A, %ne3A_29 : i1
    %sub3A_30 = arith.constant 1 : i32
    %sub3A_31 = arith.subi %div3A, %sub3A_30 : i32
    %select_n3A = arith.select %and3A, %sub3A_31, %div3A : i32
    %add3A_32 = arith.constant 2 : i32
    %add3A_33 = arith.addi %select_n3A, %add3A_32 : i32
    %min3A = arith.constant 14 : i32
    %min3A_34 = arith.minsi %min3A, %add3A_33 : i32
    %while3A = arith.constant 0 : i32
    %while3A_35 = arith.constant 0 : i32
    %while3A_36 = arith.subi %min3A_34, %while3A : i32
    %while3A_37 = arith.addi %while3A, %while3A_36 : i32
    %while3A_38 = arith.constant 1 : i32
    %while3A_39 = arith.divsi %while3A_36, %while3A_38 : i32
    %while3A_40 = arith.muli %while3A_39, %while3A_38 : i32
    %while3A_41 = arith.addi %while3A, %while3A_40 : i32
    %while3A_42 = arith.constant 1 : i32
    %while3A_43:3 = scf.for %while3A_118 = %while3A to %while3A_41 step %while3A_42 iter_args(%while3A_119 = %scan3A_8#0, %while3A_120 = %add3A_12, %while3A_121 = %while3A_35) -> (i32, i32, i32)  : i32 {
      %sub3A_122 = arith.constant 1024 : i32
      %sub3A_123 = arith.subi %sub3A_122, %while3A_120 : i32
      %sub3A_124 = arith.constant 88 : i32
      %sub3A_125 = arith.subi %sub3A_124, %while3A_121 : i32
      %min3A_126 = arith.minsi %sub3A_123, %sub3A_125 : i32
      %max3A_127 = arith.constant 0 : i32
      %max3A_128 = arith.maxsi %max3A_127, %min3A_126 : i32
      %mul3A_129 = arith.constant 96 : i32
      %mul3A_130 = arith.muli %while3A_119, %mul3A_129 : i32
      %add3A_131 = arith.constant 0 : i32
      %add3A_132 = arith.addi %mul3A_130, %add3A_131 : i32
      %get3A = arith.index_cast %add3A_132 : i32 to index
      %get3A_133 = tpu.vector_load %arg4[%get3A] {strides = array<i32>} : memref<98304xf32, #tpu.memory_space<vmem>>, vector<16xf32>,
      %get3A_134 = vector.shape_cast %get3A_133 : vector<16xf32> to vector<16xf32>
      %mul3A_135 = arith.constant 96 : i32
      %mul3A_136 = arith.muli %while3A_119, %mul3A_135 : i32
      %add3A_137 = arith.constant 16 : i32
      %add3A_138 = arith.addi %mul3A_136, %add3A_137 : i32
      %get3A_139 = arith.index_cast %add3A_138 : i32 to index
      %get3A_140 = tpu.vector_load %arg4[%get3A_139] {strides = array<i32>} : memref<98304xf32, #tpu.memory_space<vmem>>, vector<16xf32>,
      %get3A_141 = vector.shape_cast %get3A_140 : vector<16xf32> to vector<16xf32>
      %mul3A_142 = arith.constant 96 : i32
      %mul3A_143 = arith.muli %while3A_119, %mul3A_142 : i32
      %add3A_144 = arith.constant 32 : i32
      %add3A_145 = arith.addi %mul3A_143, %add3A_144 : i32
      %get3A_146 = arith.index_cast %add3A_145 : i32 to index
      %get3A_147 = tpu.vector_load %arg4[%get3A_146] {strides = array<i32>} : memref<98304xf32, #tpu.memory_space<vmem>>, vector<16xf32>,
      %get3A_148 = vector.shape_cast %get3A_147 : vector<16xf32> to vector<16xf32>
      %mul3A_149 = arith.constant 96 : i32
      %mul3A_150 = arith.muli %while3A_119, %mul3A_149 : i32
      %add3A_151 = arith.constant 48 : i32
      %add3A_152 = arith.addi %mul3A_150, %add3A_151 : i32
      %get3A_153 = arith.index_cast %add3A_152 : i32 to index
      %get3A_154 = tpu.vector_load %arg4[%get3A_153] {strides = array<i32>} : memref<98304xf32, #tpu.memory_space<vmem>>, vector<16xf32>,
      %get3A_155 = vector.shape_cast %get3A_154 : vector<16xf32> to vector<16xf32>
      %mul3A_156 = arith.constant 96 : i32
      %mul3A_157 = arith.muli %while3A_119, %mul3A_156 : i32
      %add3A_158 = arith.constant 64 : i32
      %add3A_159 = arith.addi %mul3A_157, %add3A_158 : i32
      %get3A_160 = arith.index_cast %add3A_159 : i32 to index
      %get3A_161 = tpu.vector_load %arg4[%get3A_160] {strides = array<i32>} : memref<98304xf32, #tpu.memory_space<vmem>>, vector<16xf32>,
      %get3A_162 = vector.shape_cast %get3A_161 : vector<16xf32> to vector<16xf32>
      %mul3A_163 = arith.constant 96 : i32
      %mul3A_164 = arith.muli %while3A_119, %mul3A_163 : i32
      %add3A_165 = arith.constant 80 : i32
      %add3A_166 = arith.addi %mul3A_164, %add3A_165 : i32
      %get3A_167 = arith.index_cast %add3A_166 : i32 to index
      %get3A_168 = tpu.vector_load %arg4[%get3A_167] {strides = array<i32>} : memref<98304xf32, #tpu.memory_space<vmem>>, vector<16xf32>,
      %get3A_169 = vector.shape_cast %get3A_168 : vector<16xf32> to vector<16xf32>
      %parallel_loop3A = arith.constant 0 : i32
      %parallel_loop3A_170 = arith.constant 1 : i32
      scf.for %parallel_loop3A_182 = %parallel_loop3A to %max3A_128 step %parallel_loop3A_170  : i32 {
        %parallel_loop3A_183 = arith.addi %while3A_120, %parallel_loop3A_182 : i32
        %parallel_loop3A_184 = arith.constant 96 : i32
        %parallel_loop3A_185 = arith.muli %parallel_loop3A_183, %parallel_loop3A_184 : i32
        %parallel_loop3A_186 = arith.addi %while3A_121, %parallel_loop3A_182 : i32
        %parallel_loop3A_187 = arith.constant 0 : i32
        %parallel_loop3A_188 = arith.addi %parallel_loop3A_185, %parallel_loop3A_187 : i32
        %parallel_loop3A_189 = arith.constant 0 : i32
        %parallel_loop3A_190 = arith.addi %parallel_loop3A_188, %parallel_loop3A_189 : i32
        %parallel_loop3A_191 = arith.index_cast %parallel_loop3A_190 : i32 to index
        %parallel_loop3A_192 = tpu.vector_load %arg4[%parallel_loop3A_191] {strides = array<i32>} : memref<98304xf32, #tpu.memory_space<vmem>>, vector<16xf32>,
        %parallel_loop3A_193 = vector.shape_cast %parallel_loop3A_192 : vector<16xf32> to vector<16xf32>
        %parallel_loop3A_194 = arith.subf %parallel_loop3A_193, %get3A_134 : vector<16xf32>
        %parallel_loop3A_195 = arith.mulf %parallel_loop3A_194, %parallel_loop3A_194 : vector<16xf32>
        %parallel_loop3A_196 = arith.constant 32 : i32
        %parallel_loop3A_197 = arith.addi %parallel_loop3A_185, %parallel_loop3A_196 : i32
        %parallel_loop3A_198 = arith.constant 0 : i32
        %parallel_loop3A_199 = arith.addi %parallel_loop3A_197, %parallel_loop3A_198 : i32
        %parallel_loop3A_200 = arith.index_cast %parallel_loop3A_199 : i32 to index
        %parallel_loop3A_201 = tpu.vector_load %arg4[%parallel_loop3A_200] {strides = array<i32>} : memref<98304xf32, #tpu.memory_space<vmem>>, vector<16xf32>,
        %parallel_loop3A_202 = vector.shape_cast %parallel_loop3A_201 : vector<16xf32> to vector<16xf32>
        %parallel_loop3A_203 = arith.subf %parallel_loop3A_202, %get3A_148 : vector<16xf32>
        %parallel_loop3A_204 = arith.mulf %parallel_loop3A_203, %parallel_loop3A_203 : vector<16xf32>
        %parallel_loop3A_205 = arith.addf %parallel_loop3A_195, %parallel_loop3A_204 : vector<16xf32>
        %parallel_loop3A_206 = arith.constant 64 : i32
        %parallel_loop3A_207 = arith.addi %parallel_loop3A_185, %parallel_loop3A_206 : i32
        %parallel_loop3A_208 = arith.constant 0 : i32
        %parallel_loop3A_209 = arith.addi %parallel_loop3A_207, %parallel_loop3A_208 : i32
        %parallel_loop3A_210 = arith.index_cast %parallel_loop3A_209 : i32 to index
        %parallel_loop3A_211 = tpu.vector_load %arg4[%parallel_loop3A_210] {strides = array<i32>} : memref<98304xf32, #tpu.memory_space<vmem>>, vector<16xf32>,
        %parallel_loop3A_212 = vector.shape_cast %parallel_loop3A_211 : vector<16xf32> to vector<16xf32>
        %parallel_loop3A_213 = arith.subf %parallel_loop3A_212, %get3A_162 : vector<16xf32>
        %parallel_loop3A_214 = arith.mulf %parallel_loop3A_213, %parallel_loop3A_213 : vector<16xf32>
        %parallel_loop3A_215 = arith.addf %parallel_loop3A_205, %parallel_loop3A_214 : vector<16xf32>
        %parallel_loop3A_216 = tpu.bitcast %parallel_loop3A_215 : vector<16xf32> -> vector<16xi32>
        %parallel_loop3A_217 = arith.constant 1 : i32
        %parallel_loop3A_218 = vector.broadcast %parallel_loop3A_217 : i32 to vector<16xi32>
        %parallel_loop3A_219 = arith.shrui %parallel_loop3A_216, %parallel_loop3A_218 : vector<16xi32>
        %parallel_loop3A_220 = arith.constant 1597463007 : i32
        %parallel_loop3A_221 = vector.broadcast %parallel_loop3A_220 : i32 to vector<16xi32>
        %parallel_loop3A_222 = arith.subi %parallel_loop3A_221, %parallel_loop3A_219 : vector<16xi32>
        %parallel_loop3A_223 = tpu.bitcast %parallel_loop3A_222 : vector<16xi32> -> vector<16xf32>
        %parallel_loop3A_224 = arith.mulf %parallel_loop3A_215, %parallel_loop3A_223 : vector<16xf32>
        %parallel_loop3A_225 = arith.mulf %parallel_loop3A_224, %parallel_loop3A_223 : vector<16xf32>
        %parallel_loop3A_226 = arith.constant 5.000000e-01 : f32
        %parallel_loop3A_227 = vector.broadcast %parallel_loop3A_226 : f32 to vector<16xf32>
        %parallel_loop3A_228 = arith.mulf %parallel_loop3A_227, %parallel_loop3A_225 : vector<16xf32>
        %parallel_loop3A_229 = arith.constant 1.500000e+00 : f32
        %parallel_loop3A_230 = vector.broadcast %parallel_loop3A_229 : f32 to vector<16xf32>
        %parallel_loop3A_231 = arith.subf %parallel_loop3A_230, %parallel_loop3A_228 : vector<16xf32>
        %parallel_loop3A_232 = arith.mulf %parallel_loop3A_224, %parallel_loop3A_231 : vector<16xf32>
        %parallel_loop3A_233 = arith.index_cast %parallel_loop3A_186 : i32 to index
        %parallel_loop3A_234 = arith.constant 0 : index
        %parallel_loop3A_235 = tpu.vector_load %arg5[%parallel_loop3A_233, %parallel_loop3A_234] {strides = array<i32>} : memref<88x32xf32, #tpu.memory_space<vmem>>, vector<1x16xf32>,
        %parallel_loop3A_236 = vector.shape_cast %parallel_loop3A_235 : vector<1x16xf32> to vector<16xf32>
        %parallel_loop3A_237 = vector.shape_cast %parallel_loop3A_232 : vector<16xf32> to vector<1x16xf32>
        tpu.vector_store %arg5[%parallel_loop3A_233, %parallel_loop3A_234], %parallel_loop3A_237 {strides = array<i32>} : memref<88x32xf32, #tpu.memory_space<vmem>>, vector<1x16xf32>,
        %parallel_loop3A_238 = arith.constant 0 : i32
        %parallel_loop3A_239 = arith.addi %parallel_loop3A_185, %parallel_loop3A_238 : i32
        %parallel_loop3A_240 = arith.constant 16 : i32
        %parallel_loop3A_241 = arith.addi %parallel_loop3A_239, %parallel_loop3A_240 : i32
        %parallel_loop3A_242 = arith.index_cast %parallel_loop3A_241 : i32 to index
        %parallel_loop3A_243 = tpu.vector_load %arg4[%parallel_loop3A_242] {strides = array<i32>} : memref<98304xf32, #tpu.memory_space<vmem>>, vector<16xf32>,
        %parallel_loop3A_244 = vector.shape_cast %parallel_loop3A_243 : vector<16xf32> to vector<16xf32>
        %parallel_loop3A_245 = arith.subf %parallel_loop3A_244, %get3A_141 : vector<16xf32>
        %parallel_loop3A_246 = arith.mulf %parallel_loop3A_245, %parallel_loop3A_245 : vector<16xf32>
        %parallel_loop3A_247 = arith.constant 32 : i32
        %parallel_loop3A_248 = arith.addi %parallel_loop3A_185, %parallel_loop3A_247 : i32
        %parallel_loop3A_249 = arith.constant 16 : i32
        %parallel_loop3A_250 = arith.addi %parallel_loop3A_248, %parallel_loop3A_249 : i32
        %parallel_loop3A_251 = arith.index_cast %parallel_loop3A_250 : i32 to index
        %parallel_loop3A_252 = tpu.vector_load %arg4[%parallel_loop3A_251] {strides = array<i32>} : memref<98304xf32, #tpu.memory_space<vmem>>, vector<16xf32>,
        %parallel_loop3A_253 = vector.shape_cast %parallel_loop3A_252 : vector<16xf32> to vector<16xf32>
        %parallel_loop3A_254 = arith.subf %parallel_loop3A_253, %get3A_155 : vector<16xf32>
        %parallel_loop3A_255 = arith.mulf %parallel_loop3A_254, %parallel_loop3A_254 : vector<16xf32>
        %parallel_loop3A_256 = arith.addf %parallel_loop3A_246, %parallel_loop3A_255 : vector<16xf32>
        %parallel_loop3A_257 = arith.constant 64 : i32
        %parallel_loop3A_258 = arith.addi %parallel_loop3A_185, %parallel_loop3A_257 : i32
        %parallel_loop3A_259 = arith.constant 16 : i32
        %parallel_loop3A_260 = arith.addi %parallel_loop3A_258, %parallel_loop3A_259 : i32
        %parallel_loop3A_261 = arith.index_cast %parallel_loop3A_260 : i32 to index
        %parallel_loop3A_262 = tpu.vector_load %arg4[%parallel_loop3A_261] {strides = array<i32>} : memref<98304xf32, #tpu.memory_space<vmem>>, vector<16xf32>,
        %parallel_loop3A_263 = vector.shape_cast %parallel_loop3A_262 : vector<16xf32> to vector<16xf32>
        %parallel_loop3A_264 = arith.subf %parallel_loop3A_263, %get3A_169 : vector<16xf32>
        %parallel_loop3A_265 = arith.mulf %parallel_loop3A_264, %parallel_loop3A_264 : vector<16xf32>
        %parallel_loop3A_266 = arith.addf %parallel_loop3A_256, %parallel_loop3A_265 : vector<16xf32>
        %parallel_loop3A_267 = tpu.bitcast %parallel_loop3A_266 : vector<16xf32> -> vector<16xi32>
        %parallel_loop3A_268 = arith.constant 1 : i32
        %parallel_loop3A_269 = vector.broadcast %parallel_loop3A_268 : i32 to vector<16xi32>
        %parallel_loop3A_270 = arith.shrui %parallel_loop3A_267, %parallel_loop3A_269 : vector<16xi32>
        %parallel_loop3A_271 = arith.constant 1597463007 : i32
        %parallel_loop3A_272 = vector.broadcast %parallel_loop3A_271 : i32 to vector<16xi32>
        %parallel_loop3A_273 = arith.subi %parallel_loop3A_272, %parallel_loop3A_270 : vector<16xi32>
        %parallel_loop3A_274 = tpu.bitcast %parallel_loop3A_273 : vector<16xi32> -> vector<16xf32>
        %parallel_loop3A_275 = arith.mulf %parallel_loop3A_266, %parallel_loop3A_274 : vector<16xf32>
        %parallel_loop3A_276 = arith.mulf %parallel_loop3A_275, %parallel_loop3A_274 : vector<16xf32>
        %parallel_loop3A_277 = arith.constant 5.000000e-01 : f32
        %parallel_loop3A_278 = vector.broadcast %parallel_loop3A_277 : f32 to vector<16xf32>
        %parallel_loop3A_279 = arith.mulf %parallel_loop3A_278, %parallel_loop3A_276 : vector<16xf32>
        %parallel_loop3A_280 = arith.constant 1.500000e+00 : f32
        %parallel_loop3A_281 = vector.broadcast %parallel_loop3A_280 : f32 to vector<16xf32>
        %parallel_loop3A_282 = arith.subf %parallel_loop3A_281, %parallel_loop3A_279 : vector<16xf32>
        %parallel_loop3A_283 = arith.mulf %parallel_loop3A_275, %parallel_loop3A_282 : vector<16xf32>
        %parallel_loop3A_284 = arith.index_cast %parallel_loop3A_186 : i32 to index
        %parallel_loop3A_285 = arith.constant 16 : index
        %parallel_loop3A_286 = tpu.vector_load %arg5[%parallel_loop3A_284, %parallel_loop3A_285] {strides = array<i32>} : memref<88x32xf32, #tpu.memory_space<vmem>>, vector<1x16xf32>,
        %parallel_loop3A_287 = vector.shape_cast %parallel_loop3A_286 : vector<1x16xf32> to vector<16xf32>
        %parallel_loop3A_288 = vector.shape_cast %parallel_loop3A_283 : vector<16xf32> to vector<1x16xf32>
        tpu.vector_store %arg5[%parallel_loop3A_284, %parallel_loop3A_285], %parallel_loop3A_288 {strides = array<i32>} : memref<88x32xf32, #tpu.memory_space<vmem>>, vector<1x16xf32>,
      } {sc.loop_unroll_factor = 1 : i64, sc.parallel_access}
      %add3A_171 = arith.addi %while3A_120, %max3A_128 : i32
      %ge3A = arith.constant 1024 : i32
      %ge3A_172 = arith.cmpi sge, %add3A_171, %ge3A : i32
      %gt3A = arith.constant 0 : i32
      %gt3A_173 = arith.cmpi sgt, %max3A_128, %gt3A : i32
      %and3A_174 = arith.andi %ge3A_172, %gt3A_173 : i1
      %add3A_175 = arith.constant 1 : i32
      %add3A_176 = arith.addi %while3A_119, %add3A_175 : i32
      %select_n3A_177 = arith.select %and3A_174, %add3A_176, %while3A_119 : i32
      %add3A_178 = arith.constant 2 : i32
      %add3A_179 = arith.addi %while3A_119, %add3A_178 : i32
      %select_n3A_180 = arith.select %and3A_174, %add3A_179, %add3A_171 : i32
      %add3A_181 = arith.addi %while3A_121, %max3A_128 : i32
      scf.yield %select_n3A_177, %select_n3A_180, %add3A_181 : i32, i32, i32
    }
    %while3A_44 = arith.constant 1 : i32
    %while3A_45:3 = scf.for %while3A_118 = %while3A_41 to %while3A_37 step %while3A_44 iter_args(%while3A_119 = %while3A_43#0, %while3A_120 = %while3A_43#1, %while3A_121 = %while3A_43#2) -> (i32, i32, i32)  : i32 {
      %sub3A_122 = arith.constant 1024 : i32
      %sub3A_123 = arith.subi %sub3A_122, %while3A_120 : i32
      %sub3A_124 = arith.constant 88 : i32
      %sub3A_125 = arith.subi %sub3A_124, %while3A_121 : i32
      %min3A_126 = arith.minsi %sub3A_123, %sub3A_125 : i32
      %max3A_127 = arith.constant 0 : i32
      %max3A_128 = arith.maxsi %max3A_127, %min3A_126 : i32
      %mul3A_129 = arith.constant 96 : i32
      %mul3A_130 = arith.muli %while3A_119, %mul3A_129 : i32
      %add3A_131 = arith.constant 0 : i32
      %add3A_132 = arith.addi %mul3A_130, %add3A_131 : i32
      %get3A = arith.index_cast %add3A_132 : i32 to index
      %get3A_133 = tpu.vector_load %arg4[%get3A] {strides = array<i32>} : memref<98304xf32, #tpu.memory_space<vmem>>, vector<16xf32>,
      %get3A_134 = vector.shape_cast %get3A_133 : vector<16xf32> to vector<16xf32>
      %mul3A_135 = arith.constant 96 : i32
      %mul3A_136 = arith.muli %while3A_119, %mul3A_135 : i32
      %add3A_137 = arith.constant 16 : i32
      %add3A_138 = arith.addi %mul3A_136, %add3A_137 : i32
      %get3A_139 = arith.index_cast %add3A_138 : i32 to index
      %get3A_140 = tpu.vector_load %arg4[%get3A_139] {strides = array<i32>} : memref<98304xf32, #tpu.memory_space<vmem>>, vector<16xf32>,
      %get3A_141 = vector.shape_cast %get3A_140 : vector<16xf32> to vector<16xf32>
      %mul3A_142 = arith.constant 96 : i32
      %mul3A_143 = arith.muli %while3A_119, %mul3A_142 : i32
      %add3A_144 = arith.constant 32 : i32
      %add3A_145 = arith.addi %mul3A_143, %add3A_144 : i32
      %get3A_146 = arith.index_cast %add3A_145 : i32 to index
      %get3A_147 = tpu.vector_load %arg4[%get3A_146] {strides = array<i32>} : memref<98304xf32, #tpu.memory_space<vmem>>, vector<16xf32>,
      %get3A_148 = vector.shape_cast %get3A_147 : vector<16xf32> to vector<16xf32>
      %mul3A_149 = arith.constant 96 : i32
      %mul3A_150 = arith.muli %while3A_119, %mul3A_149 : i32
      %add3A_151 = arith.constant 48 : i32
      %add3A_152 = arith.addi %mul3A_150, %add3A_151 : i32
      %get3A_153 = arith.index_cast %add3A_152 : i32 to index
      %get3A_154 = tpu.vector_load %arg4[%get3A_153] {strides = array<i32>} : memref<98304xf32, #tpu.memory_space<vmem>>, vector<16xf32>,
      %get3A_155 = vector.shape_cast %get3A_154 : vector<16xf32> to vector<16xf32>
      %mul3A_156 = arith.constant 96 : i32
      %mul3A_157 = arith.muli %while3A_119, %mul3A_156 : i32
      %add3A_158 = arith.constant 64 : i32
      %add3A_159 = arith.addi %mul3A_157, %add3A_158 : i32
      %get3A_160 = arith.index_cast %add3A_159 : i32 to index
      %get3A_161 = tpu.vector_load %arg4[%get3A_160] {strides = array<i32>} : memref<98304xf32, #tpu.memory_space<vmem>>, vector<16xf32>,
      %get3A_162 = vector.shape_cast %get3A_161 : vector<16xf32> to vector<16xf32>
      %mul3A_163 = arith.constant 96 : i32
      %mul3A_164 = arith.muli %while3A_119, %mul3A_163 : i32
      %add3A_165 = arith.constant 80 : i32
      %add3A_166 = arith.addi %mul3A_164, %add3A_165 : i32
      %get3A_167 = arith.index_cast %add3A_166 : i32 to index
      %get3A_168 = tpu.vector_load %arg4[%get3A_167] {strides = array<i32>} : memref<98304xf32, #tpu.memory_space<vmem>>, vector<16xf32>,
      %get3A_169 = vector.shape_cast %get3A_168 : vector<16xf32> to vector<16xf32>
      %parallel_loop3A = arith.constant 0 : i32
      %parallel_loop3A_170 = arith.constant 1 : i32
      scf.for %parallel_loop3A_182 = %parallel_loop3A to %max3A_128 step %parallel_loop3A_170  : i32 {
        %parallel_loop3A_183 = arith.addi %while3A_120, %parallel_loop3A_182 : i32
        %parallel_loop3A_184 = arith.constant 96 : i32
        %parallel_loop3A_185 = arith.muli %parallel_loop3A_183, %parallel_loop3A_184 : i32
        %parallel_loop3A_186 = arith.addi %while3A_121, %parallel_loop3A_182 : i32
        %parallel_loop3A_187 = arith.constant 0 : i32
        %parallel_loop3A_188 = arith.addi %parallel_loop3A_185, %parallel_loop3A_187 : i32
        %parallel_loop3A_189 = arith.constant 0 : i32
        %parallel_loop3A_190 = arith.addi %parallel_loop3A_188, %parallel_loop3A_189 : i32
        %parallel_loop3A_191 = arith.index_cast %parallel_loop3A_190 : i32 to index
        %parallel_loop3A_192 = tpu.vector_load %arg4[%parallel_loop3A_191] {strides = array<i32>} : memref<98304xf32, #tpu.memory_space<vmem>>, vector<16xf32>,
        %parallel_loop3A_193 = vector.shape_cast %parallel_loop3A_192 : vector<16xf32> to vector<16xf32>
        %parallel_loop3A_194 = arith.subf %parallel_loop3A_193, %get3A_134 : vector<16xf32>
        %parallel_loop3A_195 = arith.mulf %parallel_loop3A_194, %parallel_loop3A_194 : vector<16xf32>
        %parallel_loop3A_196 = arith.constant 32 : i32
        %parallel_loop3A_197 = arith.addi %parallel_loop3A_185, %parallel_loop3A_196 : i32
        %parallel_loop3A_198 = arith.constant 0 : i32
        %parallel_loop3A_199 = arith.addi %parallel_loop3A_197, %parallel_loop3A_198 : i32
        %parallel_loop3A_200 = arith.index_cast %parallel_loop3A_199 : i32 to index
        %parallel_loop3A_201 = tpu.vector_load %arg4[%parallel_loop3A_200] {strides = array<i32>} : memref<98304xf32, #tpu.memory_space<vmem>>, vector<16xf32>,
        %parallel_loop3A_202 = vector.shape_cast %parallel_loop3A_201 : vector<16xf32> to vector<16xf32>
        %parallel_loop3A_203 = arith.subf %parallel_loop3A_202, %get3A_148 : vector<16xf32>
        %parallel_loop3A_204 = arith.mulf %parallel_loop3A_203, %parallel_loop3A_203 : vector<16xf32>
        %parallel_loop3A_205 = arith.addf %parallel_loop3A_195, %parallel_loop3A_204 : vector<16xf32>
        %parallel_loop3A_206 = arith.constant 64 : i32
        %parallel_loop3A_207 = arith.addi %parallel_loop3A_185, %parallel_loop3A_206 : i32
        %parallel_loop3A_208 = arith.constant 0 : i32
        %parallel_loop3A_209 = arith.addi %parallel_loop3A_207, %parallel_loop3A_208 : i32
        %parallel_loop3A_210 = arith.index_cast %parallel_loop3A_209 : i32 to index
        %parallel_loop3A_211 = tpu.vector_load %arg4[%parallel_loop3A_210] {strides = array<i32>} : memref<98304xf32, #tpu.memory_space<vmem>>, vector<16xf32>,
        %parallel_loop3A_212 = vector.shape_cast %parallel_loop3A_211 : vector<16xf32> to vector<16xf32>
        %parallel_loop3A_213 = arith.subf %parallel_loop3A_212, %get3A_162 : vector<16xf32>
        %parallel_loop3A_214 = arith.mulf %parallel_loop3A_213, %parallel_loop3A_213 : vector<16xf32>
        %parallel_loop3A_215 = arith.addf %parallel_loop3A_205, %parallel_loop3A_214 : vector<16xf32>
        %parallel_loop3A_216 = tpu.bitcast %parallel_loop3A_215 : vector<16xf32> -> vector<16xi32>
        %parallel_loop3A_217 = arith.constant 1 : i32
        %parallel_loop3A_218 = vector.broadcast %parallel_loop3A_217 : i32 to vector<16xi32>
        %parallel_loop3A_219 = arith.shrui %parallel_loop3A_216, %parallel_loop3A_218 : vector<16xi32>
        %parallel_loop3A_220 = arith.constant 1597463007 : i32
        %parallel_loop3A_221 = vector.broadcast %parallel_loop3A_220 : i32 to vector<16xi32>
        %parallel_loop3A_222 = arith.subi %parallel_loop3A_221, %parallel_loop3A_219 : vector<16xi32>
        %parallel_loop3A_223 = tpu.bitcast %parallel_loop3A_222 : vector<16xi32> -> vector<16xf32>
        %parallel_loop3A_224 = arith.mulf %parallel_loop3A_215, %parallel_loop3A_223 : vector<16xf32>
        %parallel_loop3A_225 = arith.mulf %parallel_loop3A_224, %parallel_loop3A_223 : vector<16xf32>
        %parallel_loop3A_226 = arith.constant 5.000000e-01 : f32
        %parallel_loop3A_227 = vector.broadcast %parallel_loop3A_226 : f32 to vector<16xf32>
        %parallel_loop3A_228 = arith.mulf %parallel_loop3A_227, %parallel_loop3A_225 : vector<16xf32>
        %parallel_loop3A_229 = arith.constant 1.500000e+00 : f32
        %parallel_loop3A_230 = vector.broadcast %parallel_loop3A_229 : f32 to vector<16xf32>
        %parallel_loop3A_231 = arith.subf %parallel_loop3A_230, %parallel_loop3A_228 : vector<16xf32>
        %parallel_loop3A_232 = arith.mulf %parallel_loop3A_224, %parallel_loop3A_231 : vector<16xf32>
        %parallel_loop3A_233 = arith.index_cast %parallel_loop3A_186 : i32 to index
        %parallel_loop3A_234 = arith.constant 0 : index
        %parallel_loop3A_235 = tpu.vector_load %arg5[%parallel_loop3A_233, %parallel_loop3A_234] {strides = array<i32>} : memref<88x32xf32, #tpu.memory_space<vmem>>, vector<1x16xf32>,
        %parallel_loop3A_236 = vector.shape_cast %parallel_loop3A_235 : vector<1x16xf32> to vector<16xf32>
        %parallel_loop3A_237 = vector.shape_cast %parallel_loop3A_232 : vector<16xf32> to vector<1x16xf32>
        tpu.vector_store %arg5[%parallel_loop3A_233, %parallel_loop3A_234], %parallel_loop3A_237 {strides = array<i32>} : memref<88x32xf32, #tpu.memory_space<vmem>>, vector<1x16xf32>,
        %parallel_loop3A_238 = arith.constant 0 : i32
        %parallel_loop3A_239 = arith.addi %parallel_loop3A_185, %parallel_loop3A_238 : i32
        %parallel_loop3A_240 = arith.constant 16 : i32
        %parallel_loop3A_241 = arith.addi %parallel_loop3A_239, %parallel_loop3A_240 : i32
        %parallel_loop3A_242 = arith.index_cast %parallel_loop3A_241 : i32 to index
        %parallel_loop3A_243 = tpu.vector_load %arg4[%parallel_loop3A_242] {strides = array<i32>} : memref<98304xf32, #tpu.memory_space<vmem>>, vector<16xf32>,
        %parallel_loop3A_244 = vector.shape_cast %parallel_loop3A_243 : vector<16xf32> to vector<16xf32>
        %parallel_loop3A_245 = arith.subf %parallel_loop3A_244, %get3A_141 : vector<16xf32>
        %parallel_loop3A_246 = arith.mulf %parallel_loop3A_245, %parallel_loop3A_245 : vector<16xf32>
        %parallel_loop3A_247 = arith.constant 32 : i32
        %parallel_loop3A_248 = arith.addi %parallel_loop3A_185, %parallel_loop3A_247 : i32
        %parallel_loop3A_249 = arith.constant 16 : i32
        %parallel_loop3A_250 = arith.addi %parallel_loop3A_248, %parallel_loop3A_249 : i32
        %parallel_loop3A_251 = arith.index_cast %parallel_loop3A_250 : i32 to index
        %parallel_loop3A_252 = tpu.vector_load %arg4[%parallel_loop3A_251] {strides = array<i32>} : memref<98304xf32, #tpu.memory_space<vmem>>, vector<16xf32>,
        %parallel_loop3A_253 = vector.shape_cast %parallel_loop3A_252 : vector<16xf32> to vector<16xf32>
        %parallel_loop3A_254 = arith.subf %parallel_loop3A_253, %get3A_155 : vector<16xf32>
        %parallel_loop3A_255 = arith.mulf %parallel_loop3A_254, %parallel_loop3A_254 : vector<16xf32>
        %parallel_loop3A_256 = arith.addf %parallel_loop3A_246, %parallel_loop3A_255 : vector<16xf32>
        %parallel_loop3A_257 = arith.constant 64 : i32
        %parallel_loop3A_258 = arith.addi %parallel_loop3A_185, %parallel_loop3A_257 : i32
        %parallel_loop3A_259 = arith.constant 16 : i32
        %parallel_loop3A_260 = arith.addi %parallel_loop3A_258, %parallel_loop3A_259 : i32
        %parallel_loop3A_261 = arith.index_cast %parallel_loop3A_260 : i32 to index
        %parallel_loop3A_262 = tpu.vector_load %arg4[%parallel_loop3A_261] {strides = array<i32>} : memref<98304xf32, #tpu.memory_space<vmem>>, vector<16xf32>,
        %parallel_loop3A_263 = vector.shape_cast %parallel_loop3A_262 : vector<16xf32> to vector<16xf32>
        %parallel_loop3A_264 = arith.subf %parallel_loop3A_263, %get3A_169 : vector<16xf32>
        %parallel_loop3A_265 = arith.mulf %parallel_loop3A_264, %parallel_loop3A_264 : vector<16xf32>
        %parallel_loop3A_266 = arith.addf %parallel_loop3A_256, %parallel_loop3A_265 : vector<16xf32>
        %parallel_loop3A_267 = tpu.bitcast %parallel_loop3A_266 : vector<16xf32> -> vector<16xi32>
        %parallel_loop3A_268 = arith.constant 1 : i32
        %parallel_loop3A_269 = vector.broadcast %parallel_loop3A_268 : i32 to vector<16xi32>
        %parallel_loop3A_270 = arith.shrui %parallel_loop3A_267, %parallel_loop3A_269 : vector<16xi32>
        %parallel_loop3A_271 = arith.constant 1597463007 : i32
        %parallel_loop3A_272 = vector.broadcast %parallel_loop3A_271 : i32 to vector<16xi32>
        %parallel_loop3A_273 = arith.subi %parallel_loop3A_272, %parallel_loop3A_270 : vector<16xi32>
        %parallel_loop3A_274 = tpu.bitcast %parallel_loop3A_273 : vector<16xi32> -> vector<16xf32>
        %parallel_loop3A_275 = arith.mulf %parallel_loop3A_266, %parallel_loop3A_274 : vector<16xf32>
        %parallel_loop3A_276 = arith.mulf %parallel_loop3A_275, %parallel_loop3A_274 : vector<16xf32>
        %parallel_loop3A_277 = arith.constant 5.000000e-01 : f32
        %parallel_loop3A_278 = vector.broadcast %parallel_loop3A_277 : f32 to vector<16xf32>
        %parallel_loop3A_279 = arith.mulf %parallel_loop3A_278, %parallel_loop3A_276 : vector<16xf32>
        %parallel_loop3A_280 = arith.constant 1.500000e+00 : f32
        %parallel_loop3A_281 = vector.broadcast %parallel_loop3A_280 : f32 to vector<16xf32>
        %parallel_loop3A_282 = arith.subf %parallel_loop3A_281, %parallel_loop3A_279 : vector<16xf32>
        %parallel_loop3A_283 = arith.mulf %parallel_loop3A_275, %parallel_loop3A_282 : vector<16xf32>
        %parallel_loop3A_284 = arith.index_cast %parallel_loop3A_186 : i32 to index
        %parallel_loop3A_285 = arith.constant 16 : index
        %parallel_loop3A_286 = tpu.vector_load %arg5[%parallel_loop3A_284, %parallel_loop3A_285] {strides = array<i32>} : memref<88x32xf32, #tpu.memory_space<vmem>>, vector<1x16xf32>,
        %parallel_loop3A_287 = vector.shape_cast %parallel_loop3A_286 : vector<1x16xf32> to vector<16xf32>
        %parallel_loop3A_288 = vector.shape_cast %parallel_loop3A_283 : vector<16xf32> to vector<1x16xf32>
        tpu.vector_store %arg5[%parallel_loop3A_284, %parallel_loop3A_285], %parallel_loop3A_288 {strides = array<i32>} : memref<88x32xf32, #tpu.memory_space<vmem>>, vector<1x16xf32>,
      } {sc.loop_unroll_factor = 1 : i64, sc.parallel_access}
      %add3A_171 = arith.addi %while3A_120, %max3A_128 : i32
      %ge3A = arith.constant 1024 : i32
      %ge3A_172 = arith.cmpi sge, %add3A_171, %ge3A : i32
      %gt3A = arith.constant 0 : i32
      %gt3A_173 = arith.cmpi sgt, %max3A_128, %gt3A : i32
      %and3A_174 = arith.andi %ge3A_172, %gt3A_173 : i1
      %add3A_175 = arith.constant 1 : i32
      %add3A_176 = arith.addi %while3A_119, %add3A_175 : i32
      %select_n3A_177 = arith.select %and3A_174, %add3A_176, %while3A_119 : i32
      %add3A_178 = arith.constant 2 : i32
      %add3A_179 = arith.addi %while3A_119, %add3A_178 : i32
      %select_n3A_180 = arith.select %and3A_174, %add3A_179, %add3A_171 : i32
      %add3A_181 = arith.addi %while3A_121, %max3A_128 : i32
      scf.yield %select_n3A_177, %select_n3A_180, %add3A_181 : i32, i32, i32
    }
    %add3A_46 = arith.constant 0 : i32
    %add3A_47 = arith.addi %mul3A_2, %add3A_46 : i32
    %dma_start3A = arith.constant 0 : i32
    %dma_start3A_48 = tpu.memref_slice %arg3[%add3A_47, %dma_start3A] : memref<523776x32xf32, #tpu.memory_space<hbm>> -> memref<88x32xf32, #tpu.memory_space<hbm>>
    %dma_start3A_49 = arith.constant 0 : i32
    %dma_start3A_50 = tpu.memref_slice %arg3[%add3A_47, %dma_start3A_49] : memref<523776x32xf32, #tpu.memory_space<hbm>> -> memref<88x32xf32, #tpu.memory_space<hbm>>
    tpu.enqueue_dma source(%arg5 : memref<88x32xf32, #tpu.memory_space<vmem>>) target(%dma_start3A_50 : memref<88x32xf32, #tpu.memory_space<hbm>>) target_semaphore(%arg7 : memref<!tpu.dma_semaphore, #tpu.memory_space<semaphore_mem>>)
    %sub3A_51 = arith.constant 1010 : i32
    %sub3A_52 = arith.subi %sub3A_51, %while3A_45#0 : i32
    %max3A_53 = arith.constant 1 : i32
    %max3A_54 = arith.maxsi %max3A_53, %sub3A_52 : i32
    %jit3A_55 = arith.constant 88 : i32
    %div3A_56 = arith.divsi %jit3A_55, %max3A_54 : i32
    %sign3A_57 = arith.constant 0 : i32
    %sign3A_58 = arith.cmpi sgt, %jit3A_55, %sign3A_57 : i32
    %sign3A_59 = arith.extui %sign3A_58 : i1 to i32
    %sign3A_60 = arith.constant 0 : i32
    %sign3A_61 = arith.cmpi slt, %jit3A_55, %sign3A_60 : i32
    %sign3A_62 = arith.extui %sign3A_61 : i1 to i32
    %sign3A_63 = arith.subi %sign3A_59, %sign3A_62 : i32
    %sign3A_64 = arith.constant 0 : i32
    %sign3A_65 = arith.cmpi sgt, %max3A_54, %sign3A_64 : i32
    %sign3A_66 = arith.extui %sign3A_65 : i1 to i32
    %sign3A_67 = arith.constant 0 : i32
    %sign3A_68 = arith.cmpi slt, %max3A_54, %sign3A_67 : i32
    %sign3A_69 = arith.extui %sign3A_68 : i1 to i32
    %sign3A_70 = arith.subi %sign3A_66, %sign3A_69 : i32
    %ne3A_71 = arith.cmpi ne, %sign3A_63, %sign3A_70 : i32
    %rem3A_72 = arith.remsi %jit3A_55, %max3A_54 : i32
    %ne3A_73 = arith.constant 0 : i32
    %ne3A_74 = arith.cmpi ne, %rem3A_72, %ne3A_73 : i32
    %and3A_75 = arith.andi %ne3A_71, %ne3A_74 : i1
    %sub3A_76 = arith.constant 1 : i32
    %sub3A_77 = arith.subi %div3A_56, %sub3A_76 : i32
    %select_n3A_78 = arith.select %and3A_75, %sub3A_77, %div3A_56 : i32
    %add3A_79 = arith.constant 2 : i32
    %add3A_80 = arith.addi %select_n3A_78, %add3A_79 : i32
    %min3A_81 = arith.constant 14 : i32
    %min3A_82 = arith.minsi %min3A_81, %add3A_80 : i32
    %while3A_83 = arith.constant 0 : i32
    %while3A_84 = arith.constant 0 : i32
    %while3A_85 = arith.subi %min3A_82, %while3A_83 : i32
    %while3A_86 = arith.addi %while3A_83, %while3A_85 : i32
    %while3A_87 = arith.constant 1 : i32
    %while3A_88 = arith.divsi %while3A_85, %while3A_87 : i32
    %while3A_89 = arith.muli %while3A_88, %while3A_87 : i32
    %while3A_90 = arith.addi %while3A_83, %while3A_89 : i32
    %while3A_91 = arith.constant 1 : i32
    %while3A_92:3 = scf.for %while3A_118 = %while3A_83 to %while3A_90 step %while3A_91 iter_args(%while3A_119 = %while3A_45#0, %while3A_120 = %while3A_45#1, %while3A_121 = %while3A_84) -> (i32, i32, i32)  : i32 {
      %sub3A_122 = arith.constant 1024 : i32
      %sub3A_123 = arith.subi %sub3A_122, %while3A_120 : i32
      %sub3A_124 = arith.constant 88 : i32
      %sub3A_125 = arith.subi %sub3A_124, %while3A_121 : i32
      %min3A_126 = arith.minsi %sub3A_123, %sub3A_125 : i32
      %max3A_127 = arith.constant 0 : i32
      %max3A_128 = arith.maxsi %max3A_127, %min3A_126 : i32
      %mul3A_129 = arith.constant 96 : i32
      %mul3A_130 = arith.muli %while3A_119, %mul3A_129 : i32
      %add3A_131 = arith.constant 0 : i32
      %add3A_132 = arith.addi %mul3A_130, %add3A_131 : i32
      %get3A = arith.index_cast %add3A_132 : i32 to index
      %get3A_133 = tpu.vector_load %arg4[%get3A] {strides = array<i32>} : memref<98304xf32, #tpu.memory_space<vmem>>, vector<16xf32>,
      %get3A_134 = vector.shape_cast %get3A_133 : vector<16xf32> to vector<16xf32>
      %mul3A_135 = arith.constant 96 : i32
      %mul3A_136 = arith.muli %while3A_119, %mul3A_135 : i32
      %add3A_137 = arith.constant 16 : i32
      %add3A_138 = arith.addi %mul3A_136, %add3A_137 : i32
      %get3A_139 = arith.index_cast %add3A_138 : i32 to index
      %get3A_140 = tpu.vector_load %arg4[%get3A_139] {strides = array<i32>} : memref<98304xf32, #tpu.memory_space<vmem>>, vector<16xf32>,
      %get3A_141 = vector.shape_cast %get3A_140 : vector<16xf32> to vector<16xf32>
      %mul3A_142 = arith.constant 96 : i32
      %mul3A_143 = arith.muli %while3A_119, %mul3A_142 : i32
      %add3A_144 = arith.constant 32 : i32
      %add3A_145 = arith.addi %mul3A_143, %add3A_144 : i32
      %get3A_146 = arith.index_cast %add3A_145 : i32 to index
      %get3A_147 = tpu.vector_load %arg4[%get3A_146] {strides = array<i32>} : memref<98304xf32, #tpu.memory_space<vmem>>, vector<16xf32>,
      %get3A_148 = vector.shape_cast %get3A_147 : vector<16xf32> to vector<16xf32>
      %mul3A_149 = arith.constant 96 : i32
      %mul3A_150 = arith.muli %while3A_119, %mul3A_149 : i32
      %add3A_151 = arith.constant 48 : i32
      %add3A_152 = arith.addi %mul3A_150, %add3A_151 : i32
      %get3A_153 = arith.index_cast %add3A_152 : i32 to index
      %get3A_154 = tpu.vector_load %arg4[%get3A_153] {strides = array<i32>} : memref<98304xf32, #tpu.memory_space<vmem>>, vector<16xf32>,
      %get3A_155 = vector.shape_cast %get3A_154 : vector<16xf32> to vector<16xf32>
      %mul3A_156 = arith.constant 96 : i32
      %mul3A_157 = arith.muli %while3A_119, %mul3A_156 : i32
      %add3A_158 = arith.constant 64 : i32
      %add3A_159 = arith.addi %mul3A_157, %add3A_158 : i32
      %get3A_160 = arith.index_cast %add3A_159 : i32 to index
      %get3A_161 = tpu.vector_load %arg4[%get3A_160] {strides = array<i32>} : memref<98304xf32, #tpu.memory_space<vmem>>, vector<16xf32>,
      %get3A_162 = vector.shape_cast %get3A_161 : vector<16xf32> to vector<16xf32>
      %mul3A_163 = arith.constant 96 : i32
      %mul3A_164 = arith.muli %while3A_119, %mul3A_163 : i32
      %add3A_165 = arith.constant 80 : i32
      %add3A_166 = arith.addi %mul3A_164, %add3A_165 : i32
      %get3A_167 = arith.index_cast %add3A_166 : i32 to index
      %get3A_168 = tpu.vector_load %arg4[%get3A_167] {strides = array<i32>} : memref<98304xf32, #tpu.memory_space<vmem>>, vector<16xf32>,
      %get3A_169 = vector.shape_cast %get3A_168 : vector<16xf32> to vector<16xf32>
      %parallel_loop3A = arith.constant 0 : i32
      %parallel_loop3A_170 = arith.constant 1 : i32
      scf.for %parallel_loop3A_182 = %parallel_loop3A to %max3A_128 step %parallel_loop3A_170  : i32 {
        %parallel_loop3A_183 = arith.addi %while3A_120, %parallel_loop3A_182 : i32
        %parallel_loop3A_184 = arith.constant 96 : i32
        %parallel_loop3A_185 = arith.muli %parallel_loop3A_183, %parallel_loop3A_184 : i32
        %parallel_loop3A_186 = arith.addi %while3A_121, %parallel_loop3A_182 : i32
        %parallel_loop3A_187 = arith.constant 0 : i32
        %parallel_loop3A_188 = arith.addi %parallel_loop3A_185, %parallel_loop3A_187 : i32
        %parallel_loop3A_189 = arith.constant 0 : i32
        %parallel_loop3A_190 = arith.addi %parallel_loop3A_188, %parallel_loop3A_189 : i32
        %parallel_loop3A_191 = arith.index_cast %parallel_loop3A_190 : i32 to index
        %parallel_loop3A_192 = tpu.vector_load %arg4[%parallel_loop3A_191] {strides = array<i32>} : memref<98304xf32, #tpu.memory_space<vmem>>, vector<16xf32>,
        %parallel_loop3A_193 = vector.shape_cast %parallel_loop3A_192 : vector<16xf32> to vector<16xf32>
        %parallel_loop3A_194 = arith.subf %parallel_loop3A_193, %get3A_134 : vector<16xf32>
        %parallel_loop3A_195 = arith.mulf %parallel_loop3A_194, %parallel_loop3A_194 : vector<16xf32>
        %parallel_loop3A_196 = arith.constant 32 : i32
        %parallel_loop3A_197 = arith.addi %parallel_loop3A_185, %parallel_loop3A_196 : i32
        %parallel_loop3A_198 = arith.constant 0 : i32
        %parallel_loop3A_199 = arith.addi %parallel_loop3A_197, %parallel_loop3A_198 : i32
        %parallel_loop3A_200 = arith.index_cast %parallel_loop3A_199 : i32 to index
        %parallel_loop3A_201 = tpu.vector_load %arg4[%parallel_loop3A_200] {strides = array<i32>} : memref<98304xf32, #tpu.memory_space<vmem>>, vector<16xf32>,
        %parallel_loop3A_202 = vector.shape_cast %parallel_loop3A_201 : vector<16xf32> to vector<16xf32>
        %parallel_loop3A_203 = arith.subf %parallel_loop3A_202, %get3A_148 : vector<16xf32>
        %parallel_loop3A_204 = arith.mulf %parallel_loop3A_203, %parallel_loop3A_203 : vector<16xf32>
        %parallel_loop3A_205 = arith.addf %parallel_loop3A_195, %parallel_loop3A_204 : vector<16xf32>
        %parallel_loop3A_206 = arith.constant 64 : i32
        %parallel_loop3A_207 = arith.addi %parallel_loop3A_185, %parallel_loop3A_206 : i32
        %parallel_loop3A_208 = arith.constant 0 : i32
        %parallel_loop3A_209 = arith.addi %parallel_loop3A_207, %parallel_loop3A_208 : i32
        %parallel_loop3A_210 = arith.index_cast %parallel_loop3A_209 : i32 to index
        %parallel_loop3A_211 = tpu.vector_load %arg4[%parallel_loop3A_210] {strides = array<i32>} : memref<98304xf32, #tpu.memory_space<vmem>>, vector<16xf32>,
        %parallel_loop3A_212 = vector.shape_cast %parallel_loop3A_211 : vector<16xf32> to vector<16xf32>
        %parallel_loop3A_213 = arith.subf %parallel_loop3A_212, %get3A_162 : vector<16xf32>
        %parallel_loop3A_214 = arith.mulf %parallel_loop3A_213, %parallel_loop3A_213 : vector<16xf32>
        %parallel_loop3A_215 = arith.addf %parallel_loop3A_205, %parallel_loop3A_214 : vector<16xf32>
        %parallel_loop3A_216 = tpu.bitcast %parallel_loop3A_215 : vector<16xf32> -> vector<16xi32>
        %parallel_loop3A_217 = arith.constant 1 : i32
        %parallel_loop3A_218 = vector.broadcast %parallel_loop3A_217 : i32 to vector<16xi32>
        %parallel_loop3A_219 = arith.shrui %parallel_loop3A_216, %parallel_loop3A_218 : vector<16xi32>
        %parallel_loop3A_220 = arith.constant 1597463007 : i32
        %parallel_loop3A_221 = vector.broadcast %parallel_loop3A_220 : i32 to vector<16xi32>
        %parallel_loop3A_222 = arith.subi %parallel_loop3A_221, %parallel_loop3A_219 : vector<16xi32>
        %parallel_loop3A_223 = tpu.bitcast %parallel_loop3A_222 : vector<16xi32> -> vector<16xf32>
        %parallel_loop3A_224 = arith.mulf %parallel_loop3A_215, %parallel_loop3A_223 : vector<16xf32>
        %parallel_loop3A_225 = arith.mulf %parallel_loop3A_224, %parallel_loop3A_223 : vector<16xf32>
        %parallel_loop3A_226 = arith.constant 5.000000e-01 : f32
        %parallel_loop3A_227 = vector.broadcast %parallel_loop3A_226 : f32 to vector<16xf32>
        %parallel_loop3A_228 = arith.mulf %parallel_loop3A_227, %parallel_loop3A_225 : vector<16xf32>
        %parallel_loop3A_229 = arith.constant 1.500000e+00 : f32
        %parallel_loop3A_230 = vector.broadcast %parallel_loop3A_229 : f32 to vector<16xf32>
        %parallel_loop3A_231 = arith.subf %parallel_loop3A_230, %parallel_loop3A_228 : vector<16xf32>
        %parallel_loop3A_232 = arith.mulf %parallel_loop3A_224, %parallel_loop3A_231 : vector<16xf32>
        %parallel_loop3A_233 = arith.index_cast %parallel_loop3A_186 : i32 to index
        %parallel_loop3A_234 = arith.constant 0 : index
        %parallel_loop3A_235 = tpu.vector_load %arg6[%parallel_loop3A_233, %parallel_loop3A_234] {strides = array<i32>} : memref<88x32xf32, #tpu.memory_space<vmem>>, vector<1x16xf32>,
        %parallel_loop3A_236 = vector.shape_cast %parallel_loop3A_235 : vector<1x16xf32> to vector<16xf32>
        %parallel_loop3A_237 = vector.shape_cast %parallel_loop3A_232 : vector<16xf32> to vector<1x16xf32>
        tpu.vector_store %arg6[%parallel_loop3A_233, %parallel_loop3A_234], %parallel_loop3A_237 {strides = array<i32>} : memref<88x32xf32, #tpu.memory_space<vmem>>, vector<1x16xf32>,
        %parallel_loop3A_238 = arith.constant 0 : i32
        %parallel_loop3A_239 = arith.addi %parallel_loop3A_185, %parallel_loop3A_238 : i32
        %parallel_loop3A_240 = arith.constant 16 : i32
        %parallel_loop3A_241 = arith.addi %parallel_loop3A_239, %parallel_loop3A_240 : i32
        %parallel_loop3A_242 = arith.index_cast %parallel_loop3A_241 : i32 to index
        %parallel_loop3A_243 = tpu.vector_load %arg4[%parallel_loop3A_242] {strides = array<i32>} : memref<98304xf32, #tpu.memory_space<vmem>>, vector<16xf32>,
        %parallel_loop3A_244 = vector.shape_cast %parallel_loop3A_243 : vector<16xf32> to vector<16xf32>
        %parallel_loop3A_245 = arith.subf %parallel_loop3A_244, %get3A_141 : vector<16xf32>
        %parallel_loop3A_246 = arith.mulf %parallel_loop3A_245, %parallel_loop3A_245 : vector<16xf32>
        %parallel_loop3A_247 = arith.constant 32 : i32
        %parallel_loop3A_248 = arith.addi %parallel_loop3A_185, %parallel_loop3A_247 : i32
        %parallel_loop3A_249 = arith.constant 16 : i32
        %parallel_loop3A_250 = arith.addi %parallel_loop3A_248, %parallel_loop3A_249 : i32
        %parallel_loop3A_251 = arith.index_cast %parallel_loop3A_250 : i32 to index
        %parallel_loop3A_252 = tpu.vector_load %arg4[%parallel_loop3A_251] {strides = array<i32>} : memref<98304xf32, #tpu.memory_space<vmem>>, vector<16xf32>,
        %parallel_loop3A_253 = vector.shape_cast %parallel_loop3A_252 : vector<16xf32> to vector<16xf32>
        %parallel_loop3A_254 = arith.subf %parallel_loop3A_253, %get3A_155 : vector<16xf32>
        %parallel_loop3A_255 = arith.mulf %parallel_loop3A_254, %parallel_loop3A_254 : vector<16xf32>
        %parallel_loop3A_256 = arith.addf %parallel_loop3A_246, %parallel_loop3A_255 : vector<16xf32>
        %parallel_loop3A_257 = arith.constant 64 : i32
        %parallel_loop3A_258 = arith.addi %parallel_loop3A_185, %parallel_loop3A_257 : i32
        %parallel_loop3A_259 = arith.constant 16 : i32
        %parallel_loop3A_260 = arith.addi %parallel_loop3A_258, %parallel_loop3A_259 : i32
        %parallel_loop3A_261 = arith.index_cast %parallel_loop3A_260 : i32 to index
        %parallel_loop3A_262 = tpu.vector_load %arg4[%parallel_loop3A_261] {strides = array<i32>} : memref<98304xf32, #tpu.memory_space<vmem>>, vector<16xf32>,
        %parallel_loop3A_263 = vector.shape_cast %parallel_loop3A_262 : vector<16xf32> to vector<16xf32>
        %parallel_loop3A_264 = arith.subf %parallel_loop3A_263, %get3A_169 : vector<16xf32>
        %parallel_loop3A_265 = arith.mulf %parallel_loop3A_264, %parallel_loop3A_264 : vector<16xf32>
        %parallel_loop3A_266 = arith.addf %parallel_loop3A_256, %parallel_loop3A_265 : vector<16xf32>
        %parallel_loop3A_267 = tpu.bitcast %parallel_loop3A_266 : vector<16xf32> -> vector<16xi32>
        %parallel_loop3A_268 = arith.constant 1 : i32
        %parallel_loop3A_269 = vector.broadcast %parallel_loop3A_268 : i32 to vector<16xi32>
        %parallel_loop3A_270 = arith.shrui %parallel_loop3A_267, %parallel_loop3A_269 : vector<16xi32>
        %parallel_loop3A_271 = arith.constant 1597463007 : i32
        %parallel_loop3A_272 = vector.broadcast %parallel_loop3A_271 : i32 to vector<16xi32>
        %parallel_loop3A_273 = arith.subi %parallel_loop3A_272, %parallel_loop3A_270 : vector<16xi32>
        %parallel_loop3A_274 = tpu.bitcast %parallel_loop3A_273 : vector<16xi32> -> vector<16xf32>
        %parallel_loop3A_275 = arith.mulf %parallel_loop3A_266, %parallel_loop3A_274 : vector<16xf32>
        %parallel_loop3A_276 = arith.mulf %parallel_loop3A_275, %parallel_loop3A_274 : vector<16xf32>
        %parallel_loop3A_277 = arith.constant 5.000000e-01 : f32
        %parallel_loop3A_278 = vector.broadcast %parallel_loop3A_277 : f32 to vector<16xf32>
        %parallel_loop3A_279 = arith.mulf %parallel_loop3A_278, %parallel_loop3A_276 : vector<16xf32>
        %parallel_loop3A_280 = arith.constant 1.500000e+00 : f32
        %parallel_loop3A_281 = vector.broadcast %parallel_loop3A_280 : f32 to vector<16xf32>
        %parallel_loop3A_282 = arith.subf %parallel_loop3A_281, %parallel_loop3A_279 : vector<16xf32>
        %parallel_loop3A_283 = arith.mulf %parallel_loop3A_275, %parallel_loop3A_282 : vector<16xf32>
        %parallel_loop3A_284 = arith.index_cast %parallel_loop3A_186 : i32 to index
        %parallel_loop3A_285 = arith.constant 16 : index
        %parallel_loop3A_286 = tpu.vector_load %arg6[%parallel_loop3A_284, %parallel_loop3A_285] {strides = array<i32>} : memref<88x32xf32, #tpu.memory_space<vmem>>, vector<1x16xf32>,
        %parallel_loop3A_287 = vector.shape_cast %parallel_loop3A_286 : vector<1x16xf32> to vector<16xf32>
        %parallel_loop3A_288 = vector.shape_cast %parallel_loop3A_283 : vector<16xf32> to vector<1x16xf32>
        tpu.vector_store %arg6[%parallel_loop3A_284, %parallel_loop3A_285], %parallel_loop3A_288 {strides = array<i32>} : memref<88x32xf32, #tpu.memory_space<vmem>>, vector<1x16xf32>,
      } {sc.loop_unroll_factor = 1 : i64, sc.parallel_access}
      %add3A_171 = arith.addi %while3A_120, %max3A_128 : i32
      %ge3A = arith.constant 1024 : i32
      %ge3A_172 = arith.cmpi sge, %add3A_171, %ge3A : i32
      %gt3A = arith.constant 0 : i32
      %gt3A_173 = arith.cmpi sgt, %max3A_128, %gt3A : i32
      %and3A_174 = arith.andi %ge3A_172, %gt3A_173 : i1
      %add3A_175 = arith.constant 1 : i32
      %add3A_176 = arith.addi %while3A_119, %add3A_175 : i32
      %select_n3A_177 = arith.select %and3A_174, %add3A_176, %while3A_119 : i32
      %add3A_178 = arith.constant 2 : i32
      %add3A_179 = arith.addi %while3A_119, %add3A_178 : i32
      %select_n3A_180 = arith.select %and3A_174, %add3A_179, %add3A_171 : i32
      %add3A_181 = arith.addi %while3A_121, %max3A_128 : i32
      scf.yield %select_n3A_177, %select_n3A_180, %add3A_181 : i32, i32, i32
    }
    %while3A_93 = arith.constant 1 : i32
    %while3A_94:3 = scf.for %while3A_118 = %while3A_90 to %while3A_86 step %while3A_93 iter_args(%while3A_119 = %while3A_92#0, %while3A_120 = %while3A_92#1, %while3A_121 = %while3A_92#2) -> (i32, i32, i32)  : i32 {
      %sub3A_122 = arith.constant 1024 : i32
      %sub3A_123 = arith.subi %sub3A_122, %while3A_120 : i32
      %sub3A_124 = arith.constant 88 : i32
      %sub3A_125 = arith.subi %sub3A_124, %while3A_121 : i32
      %min3A_126 = arith.minsi %sub3A_123, %sub3A_125 : i32
      %max3A_127 = arith.constant 0 : i32
      %max3A_128 = arith.maxsi %max3A_127, %min3A_126 : i32
      %mul3A_129 = arith.constant 96 : i32
      %mul3A_130 = arith.muli %while3A_119, %mul3A_129 : i32
      %add3A_131 = arith.constant 0 : i32
      %add3A_132 = arith.addi %mul3A_130, %add3A_131 : i32
      %get3A = arith.index_cast %add3A_132 : i32 to index
      %get3A_133 = tpu.vector_load %arg4[%get3A] {strides = array<i32>} : memref<98304xf32, #tpu.memory_space<vmem>>, vector<16xf32>,
      %get3A_134 = vector.shape_cast %get3A_133 : vector<16xf32> to vector<16xf32>
      %mul3A_135 = arith.constant 96 : i32
      %mul3A_136 = arith.muli %while3A_119, %mul3A_135 : i32
      %add3A_137 = arith.constant 16 : i32
      %add3A_138 = arith.addi %mul3A_136, %add3A_137 : i32
      %get3A_139 = arith.index_cast %add3A_138 : i32 to index
      %get3A_140 = tpu.vector_load %arg4[%get3A_139] {strides = array<i32>} : memref<98304xf32, #tpu.memory_space<vmem>>, vector<16xf32>,
      %get3A_141 = vector.shape_cast %get3A_140 : vector<16xf32> to vector<16xf32>
      %mul3A_142 = arith.constant 96 : i32
      %mul3A_143 = arith.muli %while3A_119, %mul3A_142 : i32
      %add3A_144 = arith.constant 32 : i32
      %add3A_145 = arith.addi %mul3A_143, %add3A_144 : i32
      %get3A_146 = arith.index_cast %add3A_145 : i32 to index
      %get3A_147 = tpu.vector_load %arg4[%get3A_146] {strides = array<i32>} : memref<98304xf32, #tpu.memory_space<vmem>>, vector<16xf32>,
      %get3A_148 = vector.shape_cast %get3A_147 : vector<16xf32> to vector<16xf32>
      %mul3A_149 = arith.constant 96 : i32
      %mul3A_150 = arith.muli %while3A_119, %mul3A_149 : i32
      %add3A_151 = arith.constant 48 : i32
      %add3A_152 = arith.addi %mul3A_150, %add3A_151 : i32
      %get3A_153 = arith.index_cast %add3A_152 : i32 to index
      %get3A_154 = tpu.vector_load %arg4[%get3A_153] {strides = array<i32>} : memref<98304xf32, #tpu.memory_space<vmem>>, vector<16xf32>,
      %get3A_155 = vector.shape_cast %get3A_154 : vector<16xf32> to vector<16xf32>
      %mul3A_156 = arith.constant 96 : i32
      %mul3A_157 = arith.muli %while3A_119, %mul3A_156 : i32
      %add3A_158 = arith.constant 64 : i32
      %add3A_159 = arith.addi %mul3A_157, %add3A_158 : i32
      %get3A_160 = arith.index_cast %add3A_159 : i32 to index
      %get3A_161 = tpu.vector_load %arg4[%get3A_160] {strides = array<i32>} : memref<98304xf32, #tpu.memory_space<vmem>>, vector<16xf32>,
      %get3A_162 = vector.shape_cast %get3A_161 : vector<16xf32> to vector<16xf32>
      %mul3A_163 = arith.constant 96 : i32
      %mul3A_164 = arith.muli %while3A_119, %mul3A_163 : i32
      %add3A_165 = arith.constant 80 : i32
      %add3A_166 = arith.addi %mul3A_164, %add3A_165 : i32
      %get3A_167 = arith.index_cast %add3A_166 : i32 to index
      %get3A_168 = tpu.vector_load %arg4[%get3A_167] {strides = array<i32>} : memref<98304xf32, #tpu.memory_space<vmem>>, vector<16xf32>,
      %get3A_169 = vector.shape_cast %get3A_168 : vector<16xf32> to vector<16xf32>
      %parallel_loop3A = arith.constant 0 : i32
      %parallel_loop3A_170 = arith.constant 1 : i32
      scf.for %parallel_loop3A_182 = %parallel_loop3A to %max3A_128 step %parallel_loop3A_170  : i32 {
        %parallel_loop3A_183 = arith.addi %while3A_120, %parallel_loop3A_182 : i32
        %parallel_loop3A_184 = arith.constant 96 : i32
        %parallel_loop3A_185 = arith.muli %parallel_loop3A_183, %parallel_loop3A_184 : i32
        %parallel_loop3A_186 = arith.addi %while3A_121, %parallel_loop3A_182 : i32
        %parallel_loop3A_187 = arith.constant 0 : i32
        %parallel_loop3A_188 = arith.addi %parallel_loop3A_185, %parallel_loop3A_187 : i32
        %parallel_loop3A_189 = arith.constant 0 : i32
        %parallel_loop3A_190 = arith.addi %parallel_loop3A_188, %parallel_loop3A_189 : i32
        %parallel_loop3A_191 = arith.index_cast %parallel_loop3A_190 : i32 to index
        %parallel_loop3A_192 = tpu.vector_load %arg4[%parallel_loop3A_191] {strides = array<i32>} : memref<98304xf32, #tpu.memory_space<vmem>>, vector<16xf32>,
        %parallel_loop3A_193 = vector.shape_cast %parallel_loop3A_192 : vector<16xf32> to vector<16xf32>
        %parallel_loop3A_194 = arith.subf %parallel_loop3A_193, %get3A_134 : vector<16xf32>
        %parallel_loop3A_195 = arith.mulf %parallel_loop3A_194, %parallel_loop3A_194 : vector<16xf32>
        %parallel_loop3A_196 = arith.constant 32 : i32
        %parallel_loop3A_197 = arith.addi %parallel_loop3A_185, %parallel_loop3A_196 : i32
        %parallel_loop3A_198 = arith.constant 0 : i32
        %parallel_loop3A_199 = arith.addi %parallel_loop3A_197, %parallel_loop3A_198 : i32
        %parallel_loop3A_200 = arith.index_cast %parallel_loop3A_199 : i32 to index
        %parallel_loop3A_201 = tpu.vector_load %arg4[%parallel_loop3A_200] {strides = array<i32>} : memref<98304xf32, #tpu.memory_space<vmem>>, vector<16xf32>,
        %parallel_loop3A_202 = vector.shape_cast %parallel_loop3A_201 : vector<16xf32> to vector<16xf32>
        %parallel_loop3A_203 = arith.subf %parallel_loop3A_202, %get3A_148 : vector<16xf32>
        %parallel_loop3A_204 = arith.mulf %parallel_loop3A_203, %parallel_loop3A_203 : vector<16xf32>
        %parallel_loop3A_205 = arith.addf %parallel_loop3A_195, %parallel_loop3A_204 : vector<16xf32>
        %parallel_loop3A_206 = arith.constant 64 : i32
        %parallel_loop3A_207 = arith.addi %parallel_loop3A_185, %parallel_loop3A_206 : i32
        %parallel_loop3A_208 = arith.constant 0 : i32
        %parallel_loop3A_209 = arith.addi %parallel_loop3A_207, %parallel_loop3A_208 : i32
        %parallel_loop3A_210 = arith.index_cast %parallel_loop3A_209 : i32 to index
        %parallel_loop3A_211 = tpu.vector_load %arg4[%parallel_loop3A_210] {strides = array<i32>} : memref<98304xf32, #tpu.memory_space<vmem>>, vector<16xf32>,
        %parallel_loop3A_212 = vector.shape_cast %parallel_loop3A_211 : vector<16xf32> to vector<16xf32>
        %parallel_loop3A_213 = arith.subf %parallel_loop3A_212, %get3A_162 : vector<16xf32>
        %parallel_loop3A_214 = arith.mulf %parallel_loop3A_213, %parallel_loop3A_213 : vector<16xf32>
        %parallel_loop3A_215 = arith.addf %parallel_loop3A_205, %parallel_loop3A_214 : vector<16xf32>
        %parallel_loop3A_216 = tpu.bitcast %parallel_loop3A_215 : vector<16xf32> -> vector<16xi32>
        %parallel_loop3A_217 = arith.constant 1 : i32
        %parallel_loop3A_218 = vector.broadcast %parallel_loop3A_217 : i32 to vector<16xi32>
        %parallel_loop3A_219 = arith.shrui %parallel_loop3A_216, %parallel_loop3A_218 : vector<16xi32>
        %parallel_loop3A_220 = arith.constant 1597463007 : i32
        %parallel_loop3A_221 = vector.broadcast %parallel_loop3A_220 : i32 to vector<16xi32>
        %parallel_loop3A_222 = arith.subi %parallel_loop3A_221, %parallel_loop3A_219 : vector<16xi32>
        %parallel_loop3A_223 = tpu.bitcast %parallel_loop3A_222 : vector<16xi32> -> vector<16xf32>
        %parallel_loop3A_224 = arith.mulf %parallel_loop3A_215, %parallel_loop3A_223 : vector<16xf32>
        %parallel_loop3A_225 = arith.mulf %parallel_loop3A_224, %parallel_loop3A_223 : vector<16xf32>
        %parallel_loop3A_226 = arith.constant 5.000000e-01 : f32
        %parallel_loop3A_227 = vector.broadcast %parallel_loop3A_226 : f32 to vector<16xf32>
        %parallel_loop3A_228 = arith.mulf %parallel_loop3A_227, %parallel_loop3A_225 : vector<16xf32>
        %parallel_loop3A_229 = arith.constant 1.500000e+00 : f32
        %parallel_loop3A_230 = vector.broadcast %parallel_loop3A_229 : f32 to vector<16xf32>
        %parallel_loop3A_231 = arith.subf %parallel_loop3A_230, %parallel_loop3A_228 : vector<16xf32>
        %parallel_loop3A_232 = arith.mulf %parallel_loop3A_224, %parallel_loop3A_231 : vector<16xf32>
        %parallel_loop3A_233 = arith.index_cast %parallel_loop3A_186 : i32 to index
        %parallel_loop3A_234 = arith.constant 0 : index
        %parallel_loop3A_235 = tpu.vector_load %arg6[%parallel_loop3A_233, %parallel_loop3A_234] {strides = array<i32>} : memref<88x32xf32, #tpu.memory_space<vmem>>, vector<1x16xf32>,
        %parallel_loop3A_236 = vector.shape_cast %parallel_loop3A_235 : vector<1x16xf32> to vector<16xf32>
        %parallel_loop3A_237 = vector.shape_cast %parallel_loop3A_232 : vector<16xf32> to vector<1x16xf32>
        tpu.vector_store %arg6[%parallel_loop3A_233, %parallel_loop3A_234], %parallel_loop3A_237 {strides = array<i32>} : memref<88x32xf32, #tpu.memory_space<vmem>>, vector<1x16xf32>,
        %parallel_loop3A_238 = arith.constant 0 : i32
        %parallel_loop3A_239 = arith.addi %parallel_loop3A_185, %parallel_loop3A_238 : i32
        %parallel_loop3A_240 = arith.constant 16 : i32
        %parallel_loop3A_241 = arith.addi %parallel_loop3A_239, %parallel_loop3A_240 : i32
        %parallel_loop3A_242 = arith.index_cast %parallel_loop3A_241 : i32 to index
        %parallel_loop3A_243 = tpu.vector_load %arg4[%parallel_loop3A_242] {strides = array<i32>} : memref<98304xf32, #tpu.memory_space<vmem>>, vector<16xf32>,
        %parallel_loop3A_244 = vector.shape_cast %parallel_loop3A_243 : vector<16xf32> to vector<16xf32>
        %parallel_loop3A_245 = arith.subf %parallel_loop3A_244, %get3A_141 : vector<16xf32>
        %parallel_loop3A_246 = arith.mulf %parallel_loop3A_245, %parallel_loop3A_245 : vector<16xf32>
        %parallel_loop3A_247 = arith.constant 32 : i32
        %parallel_loop3A_248 = arith.addi %parallel_loop3A_185, %parallel_loop3A_247 : i32
        %parallel_loop3A_249 = arith.constant 16 : i32
        %parallel_loop3A_250 = arith.addi %parallel_loop3A_248, %parallel_loop3A_249 : i32
        %parallel_loop3A_251 = arith.index_cast %parallel_loop3A_250 : i32 to index
        %parallel_loop3A_252 = tpu.vector_load %arg4[%parallel_loop3A_251] {strides = array<i32>} : memref<98304xf32, #tpu.memory_space<vmem>>, vector<16xf32>,
        %parallel_loop3A_253 = vector.shape_cast %parallel_loop3A_252 : vector<16xf32> to vector<16xf32>
        %parallel_loop3A_254 = arith.subf %parallel_loop3A_253, %get3A_155 : vector<16xf32>
        %parallel_loop3A_255 = arith.mulf %parallel_loop3A_254, %parallel_loop3A_254 : vector<16xf32>
        %parallel_loop3A_256 = arith.addf %parallel_loop3A_246, %parallel_loop3A_255 : vector<16xf32>
        %parallel_loop3A_257 = arith.constant 64 : i32
        %parallel_loop3A_258 = arith.addi %parallel_loop3A_185, %parallel_loop3A_257 : i32
        %parallel_loop3A_259 = arith.constant 16 : i32
        %parallel_loop3A_260 = arith.addi %parallel_loop3A_258, %parallel_loop3A_259 : i32
        %parallel_loop3A_261 = arith.index_cast %parallel_loop3A_260 : i32 to index
        %parallel_loop3A_262 = tpu.vector_load %arg4[%parallel_loop3A_261] {strides = array<i32>} : memref<98304xf32, #tpu.memory_space<vmem>>, vector<16xf32>,
        %parallel_loop3A_263 = vector.shape_cast %parallel_loop3A_262 : vector<16xf32> to vector<16xf32>
        %parallel_loop3A_264 = arith.subf %parallel_loop3A_263, %get3A_169 : vector<16xf32>
        %parallel_loop3A_265 = arith.mulf %parallel_loop3A_264, %parallel_loop3A_264 : vector<16xf32>
        %parallel_loop3A_266 = arith.addf %parallel_loop3A_256, %parallel_loop3A_265 : vector<16xf32>
        %parallel_loop3A_267 = tpu.bitcast %parallel_loop3A_266 : vector<16xf32> -> vector<16xi32>
        %parallel_loop3A_268 = arith.constant 1 : i32
        %parallel_loop3A_269 = vector.broadcast %parallel_loop3A_268 : i32 to vector<16xi32>
        %parallel_loop3A_270 = arith.shrui %parallel_loop3A_267, %parallel_loop3A_269 : vector<16xi32>
        %parallel_loop3A_271 = arith.constant 1597463007 : i32
        %parallel_loop3A_272 = vector.broadcast %parallel_loop3A_271 : i32 to vector<16xi32>
        %parallel_loop3A_273 = arith.subi %parallel_loop3A_272, %parallel_loop3A_270 : vector<16xi32>
        %parallel_loop3A_274 = tpu.bitcast %parallel_loop3A_273 : vector<16xi32> -> vector<16xf32>
        %parallel_loop3A_275 = arith.mulf %parallel_loop3A_266, %parallel_loop3A_274 : vector<16xf32>
        %parallel_loop3A_276 = arith.mulf %parallel_loop3A_275, %parallel_loop3A_274 : vector<16xf32>
        %parallel_loop3A_277 = arith.constant 5.000000e-01 : f32
        %parallel_loop3A_278 = vector.broadcast %parallel_loop3A_277 : f32 to vector<16xf32>
        %parallel_loop3A_279 = arith.mulf %parallel_loop3A_278, %parallel_loop3A_276 : vector<16xf32>
        %parallel_loop3A_280 = arith.constant 1.500000e+00 : f32
        %parallel_loop3A_281 = vector.broadcast %parallel_loop3A_280 : f32 to vector<16xf32>
        %parallel_loop3A_282 = arith.subf %parallel_loop3A_281, %parallel_loop3A_279 : vector<16xf32>
        %parallel_loop3A_283 = arith.mulf %parallel_loop3A_275, %parallel_loop3A_282 : vector<16xf32>
        %parallel_loop3A_284 = arith.index_cast %parallel_loop3A_186 : i32 to index
        %parallel_loop3A_285 = arith.constant 16 : index
        %parallel_loop3A_286 = tpu.vector_load %arg6[%parallel_loop3A_284, %parallel_loop3A_285] {strides = array<i32>} : memref<88x32xf32, #tpu.memory_space<vmem>>, vector<1x16xf32>,
        %parallel_loop3A_287 = vector.shape_cast %parallel_loop3A_286 : vector<1x16xf32> to vector<16xf32>
        %parallel_loop3A_288 = vector.shape_cast %parallel_loop3A_283 : vector<16xf32> to vector<1x16xf32>
        tpu.vector_store %arg6[%parallel_loop3A_284, %parallel_loop3A_285], %parallel_loop3A_288 {strides = array<i32>} : memref<88x32xf32, #tpu.memory_space<vmem>>, vector<1x16xf32>,
      } {sc.loop_unroll_factor = 1 : i64, sc.parallel_access}
      %add3A_171 = arith.addi %while3A_120, %max3A_128 : i32
      %ge3A = arith.constant 1024 : i32
      %ge3A_172 = arith.cmpi sge, %add3A_171, %ge3A : i32
      %gt3A = arith.constant 0 : i32
      %gt3A_173 = arith.cmpi sgt, %max3A_128, %gt3A : i32
      %and3A_174 = arith.andi %ge3A_172, %gt3A_173 : i1
      %add3A_175 = arith.constant 1 : i32
      %add3A_176 = arith.addi %while3A_119, %add3A_175 : i32
      %select_n3A_177 = arith.select %and3A_174, %add3A_176, %while3A_119 : i32
      %add3A_178 = arith.constant 2 : i32
      %add3A_179 = arith.addi %while3A_119, %add3A_178 : i32
      %select_n3A_180 = arith.select %and3A_174, %add3A_179, %add3A_171 : i32
      %add3A_181 = arith.addi %while3A_121, %max3A_128 : i32
      scf.yield %select_n3A_177, %select_n3A_180, %add3A_181 : i32, i32, i32
    }
    %add3A_95 = arith.constant 88 : i32
    %add3A_96 = arith.addi %mul3A_2, %add3A_95 : i32
    %dma_start3A_97 = arith.constant 0 : i32
    %dma_start3A_98 = tpu.memref_slice %arg3[%add3A_96, %dma_start3A_97] : memref<523776x32xf32, #tpu.memory_space<hbm>> -> memref<88x32xf32, #tpu.memory_space<hbm>>
    %dma_start3A_99 = arith.constant 0 : i32
    %dma_start3A_100 = tpu.memref_slice %arg3[%add3A_96, %dma_start3A_99] : memref<523776x32xf32, #tpu.memory_space<hbm>> -> memref<88x32xf32, #tpu.memory_space<hbm>>
    tpu.enqueue_dma source(%arg6 : memref<88x32xf32, #tpu.memory_space<vmem>>) target(%dma_start3A_100 : memref<88x32xf32, #tpu.memory_space<hbm>>) target_semaphore(%arg8 : memref<!tpu.dma_semaphore, #tpu.memory_space<semaphore_mem>>)
    %scan3A_101 = arith.constant 0 : i32
    %scan3A_102 = arith.constant 92 : i32
    %scan3A_103 = arith.addi %scan3A_101, %scan3A_102 : i32
    %scan3A_104 = arith.constant 1 : i32
    %scan3A_105:2 = scf.for %scan3A_118 = %scan3A_101 to %scan3A_103 step %scan3A_104 iter_args(%scan3A_119 = %while3A_94#0, %scan3A_120 = %while3A_94#1) -> (i32, i32)  : i32 {
      %mul3A_121 = arith.constant 2 : i32
      %mul3A_122 = arith.muli %mul3A_121, %scan3A_118 : i32
      %add3A_123 = arith.constant 2 : i32
      %add3A_124 = arith.addi %add3A_123, %mul3A_122 : i32
      %add3A_125 = arith.constant 0 : i32
      %add3A_126 = arith.addi %mul3A_2, %add3A_125 : i32
      %dma_wait3A_127 = arith.constant 0 : i32
      %dma_wait3A_128 = tpu.memref_slice %arg3[%add3A_126, %dma_wait3A_127] : memref<523776x32xf32, #tpu.memory_space<hbm>> -> memref<88x32xf32, #tpu.memory_space<hbm>>
      %dma_wait3A_129 = arith.constant 0 : i32
      %dma_wait3A_130 = tpu.memref_slice %arg3[%add3A_126, %dma_wait3A_129] : memref<523776x32xf32, #tpu.memory_space<hbm>> -> memref<88x32xf32, #tpu.memory_space<hbm>>
      tpu.wait_dma2 semaphore(%arg7 : memref<!tpu.dma_semaphore, #tpu.memory_space<semaphore_mem>>) src(%arg5 : memref<88x32xf32, #tpu.memory_space<vmem>>) dst(%dma_wait3A_130 : memref<88x32xf32, #tpu.memory_space<hbm>>)
      %sub3A_131 = arith.constant 1010 : i32
      %sub3A_132 = arith.subi %sub3A_131, %scan3A_119 : i32
      %max3A_133 = arith.constant 1 : i32
      %max3A_134 = arith.maxsi %max3A_133, %sub3A_132 : i32
      %jit3A_135 = arith.constant 88 : i32
      %div3A_136 = arith.divsi %jit3A_135, %max3A_134 : i32
      %sign3A_137 = arith.constant 0 : i32
      %sign3A_138 = arith.cmpi sgt, %jit3A_135, %sign3A_137 : i32
      %sign3A_139 = arith.extui %sign3A_138 : i1 to i32
      %sign3A_140 = arith.constant 0 : i32
      %sign3A_141 = arith.cmpi slt, %jit3A_135, %sign3A_140 : i32
      %sign3A_142 = arith.extui %sign3A_141 : i1 to i32
      %sign3A_143 = arith.subi %sign3A_139, %sign3A_142 : i32
      %sign3A_144 = arith.constant 0 : i32
      %sign3A_145 = arith.cmpi sgt, %max3A_134, %sign3A_144 : i32
      %sign3A_146 = arith.extui %sign3A_145 : i1 to i32
      %sign3A_147 = arith.constant 0 : i32
      %sign3A_148 = arith.cmpi slt, %max3A_134, %sign3A_147 : i32
      %sign3A_149 = arith.extui %sign3A_148 : i1 to i32
      %sign3A_150 = arith.subi %sign3A_146, %sign3A_149 : i32
      %ne3A_151 = arith.cmpi ne, %sign3A_143, %sign3A_150 : i32
      %rem3A_152 = arith.remsi %jit3A_135, %max3A_134 : i32
      %ne3A_153 = arith.constant 0 : i32
      %ne3A_154 = arith.cmpi ne, %rem3A_152, %ne3A_153 : i32
      %and3A_155 = arith.andi %ne3A_151, %ne3A_154 : i1
      %sub3A_156 = arith.constant 1 : i32
      %sub3A_157 = arith.subi %div3A_136, %sub3A_156 : i32
      %select_n3A_158 = arith.select %and3A_155, %sub3A_157, %div3A_136 : i32
      %add3A_159 = arith.constant 2 : i32
      %add3A_160 = arith.addi %select_n3A_158, %add3A_159 : i32
      %min3A_161 = arith.constant 14 : i32
      %min3A_162 = arith.minsi %min3A_161, %add3A_160 : i32
      %while3A_163 = arith.constant 0 : i32
      %while3A_164 = arith.constant 0 : i32
      %while3A_165 = arith.subi %min3A_162, %while3A_163 : i32
      %while3A_166 = arith.addi %while3A_163, %while3A_165 : i32
      %while3A_167 = arith.constant 1 : i32
      %while3A_168 = arith.divsi %while3A_165, %while3A_167 : i32
      %while3A_169 = arith.muli %while3A_168, %while3A_167 : i32
      %while3A_170 = arith.addi %while3A_163, %while3A_169 : i32
      %while3A_171 = arith.constant 1 : i32
      %while3A_172:3 = scf.for %while3A_243 = %while3A_163 to %while3A_170 step %while3A_171 iter_args(%while3A_244 = %scan3A_119, %while3A_245 = %scan3A_120, %while3A_246 = %while3A_164) -> (i32, i32, i32)  : i32 {
        %sub3A_247 = arith.constant 1024 : i32
        %sub3A_248 = arith.subi %sub3A_247, %while3A_245 : i32
        %sub3A_249 = arith.constant 88 : i32
        %sub3A_250 = arith.subi %sub3A_249, %while3A_246 : i32
        %min3A_251 = arith.minsi %sub3A_248, %sub3A_250 : i32
        %max3A_252 = arith.constant 0 : i32
        %max3A_253 = arith.maxsi %max3A_252, %min3A_251 : i32
        %mul3A_254 = arith.constant 96 : i32
        %mul3A_255 = arith.muli %while3A_244, %mul3A_254 : i32
        %add3A_256 = arith.constant 0 : i32
        %add3A_257 = arith.addi %mul3A_255, %add3A_256 : i32
        %get3A = arith.index_cast %add3A_257 : i32 to index
        %get3A_258 = tpu.vector_load %arg4[%get3A] {strides = array<i32>} : memref<98304xf32, #tpu.memory_space<vmem>>, vector<16xf32>,
        %get3A_259 = vector.shape_cast %get3A_258 : vector<16xf32> to vector<16xf32>
        %mul3A_260 = arith.constant 96 : i32
        %mul3A_261 = arith.muli %while3A_244, %mul3A_260 : i32
        %add3A_262 = arith.constant 16 : i32
        %add3A_263 = arith.addi %mul3A_261, %add3A_262 : i32
        %get3A_264 = arith.index_cast %add3A_263 : i32 to index
        %get3A_265 = tpu.vector_load %arg4[%get3A_264] {strides = array<i32>} : memref<98304xf32, #tpu.memory_space<vmem>>, vector<16xf32>,
        %get3A_266 = vector.shape_cast %get3A_265 : vector<16xf32> to vector<16xf32>
        %mul3A_267 = arith.constant 96 : i32
        %mul3A_268 = arith.muli %while3A_244, %mul3A_267 : i32
        %add3A_269 = arith.constant 32 : i32
        %add3A_270 = arith.addi %mul3A_268, %add3A_269 : i32
        %get3A_271 = arith.index_cast %add3A_270 : i32 to index
        %get3A_272 = tpu.vector_load %arg4[%get3A_271] {strides = array<i32>} : memref<98304xf32, #tpu.memory_space<vmem>>, vector<16xf32>,
        %get3A_273 = vector.shape_cast %get3A_272 : vector<16xf32> to vector<16xf32>
        %mul3A_274 = arith.constant 96 : i32
        %mul3A_275 = arith.muli %while3A_244, %mul3A_274 : i32
        %add3A_276 = arith.constant 48 : i32
        %add3A_277 = arith.addi %mul3A_275, %add3A_276 : i32
        %get3A_278 = arith.index_cast %add3A_277 : i32 to index
        %get3A_279 = tpu.vector_load %arg4[%get3A_278] {strides = array<i32>} : memref<98304xf32, #tpu.memory_space<vmem>>, vector<16xf32>,
        %get3A_280 = vector.shape_cast %get3A_279 : vector<16xf32> to vector<16xf32>
        %mul3A_281 = arith.constant 96 : i32
        %mul3A_282 = arith.muli %while3A_244, %mul3A_281 : i32
        %add3A_283 = arith.constant 64 : i32
        %add3A_284 = arith.addi %mul3A_282, %add3A_283 : i32
        %get3A_285 = arith.index_cast %add3A_284 : i32 to index
        %get3A_286 = tpu.vector_load %arg4[%get3A_285] {strides = array<i32>} : memref<98304xf32, #tpu.memory_space<vmem>>, vector<16xf32>,
        %get3A_287 = vector.shape_cast %get3A_286 : vector<16xf32> to vector<16xf32>
        %mul3A_288 = arith.constant 96 : i32
        %mul3A_289 = arith.muli %while3A_244, %mul3A_288 : i32
        %add3A_290 = arith.constant 80 : i32
        %add3A_291 = arith.addi %mul3A_289, %add3A_290 : i32
        %get3A_292 = arith.index_cast %add3A_291 : i32 to index
        %get3A_293 = tpu.vector_load %arg4[%get3A_292] {strides = array<i32>} : memref<98304xf32, #tpu.memory_space<vmem>>, vector<16xf32>,
        %get3A_294 = vector.shape_cast %get3A_293 : vector<16xf32> to vector<16xf32>
        %parallel_loop3A = arith.constant 0 : i32
        %parallel_loop3A_295 = arith.constant 1 : i32
        scf.for %parallel_loop3A_307 = %parallel_loop3A to %max3A_253 step %parallel_loop3A_295  : i32 {
          %parallel_loop3A_308 = arith.addi %while3A_245, %parallel_loop3A_307 : i32
          %parallel_loop3A_309 = arith.constant 96 : i32
          %parallel_loop3A_310 = arith.muli %parallel_loop3A_308, %parallel_loop3A_309 : i32
          %parallel_loop3A_311 = arith.addi %while3A_246, %parallel_loop3A_307 : i32
          %parallel_loop3A_312 = arith.constant 0 : i32
          %parallel_loop3A_313 = arith.addi %parallel_loop3A_310, %parallel_loop3A_312 : i32
          %parallel_loop3A_314 = arith.constant 0 : i32
          %parallel_loop3A_315 = arith.addi %parallel_loop3A_313, %parallel_loop3A_314 : i32
          %parallel_loop3A_316 = arith.index_cast %parallel_loop3A_315 : i32 to index
          %parallel_loop3A_317 = tpu.vector_load %arg4[%parallel_loop3A_316] {strides = array<i32>} : memref<98304xf32, #tpu.memory_space<vmem>>, vector<16xf32>,
          %parallel_loop3A_318 = vector.shape_cast %parallel_loop3A_317 : vector<16xf32> to vector<16xf32>
          %parallel_loop3A_319 = arith.subf %parallel_loop3A_318, %get3A_259 : vector<16xf32>
          %parallel_loop3A_320 = arith.mulf %parallel_loop3A_319, %parallel_loop3A_319 : vector<16xf32>
          %parallel_loop3A_321 = arith.constant 32 : i32
          %parallel_loop3A_322 = arith.addi %parallel_loop3A_310, %parallel_loop3A_321 : i32
          %parallel_loop3A_323 = arith.constant 0 : i32
          %parallel_loop3A_324 = arith.addi %parallel_loop3A_322, %parallel_loop3A_323 : i32
          %parallel_loop3A_325 = arith.index_cast %parallel_loop3A_324 : i32 to index
          %parallel_loop3A_326 = tpu.vector_load %arg4[%parallel_loop3A_325] {strides = array<i32>} : memref<98304xf32, #tpu.memory_space<vmem>>, vector<16xf32>,
          %parallel_loop3A_327 = vector.shape_cast %parallel_loop3A_326 : vector<16xf32> to vector<16xf32>
          %parallel_loop3A_328 = arith.subf %parallel_loop3A_327, %get3A_273 : vector<16xf32>
          %parallel_loop3A_329 = arith.mulf %parallel_loop3A_328, %parallel_loop3A_328 : vector<16xf32>
          %parallel_loop3A_330 = arith.addf %parallel_loop3A_320, %parallel_loop3A_329 : vector<16xf32>
          %parallel_loop3A_331 = arith.constant 64 : i32
          %parallel_loop3A_332 = arith.addi %parallel_loop3A_310, %parallel_loop3A_331 : i32
          %parallel_loop3A_333 = arith.constant 0 : i32
          %parallel_loop3A_334 = arith.addi %parallel_loop3A_332, %parallel_loop3A_333 : i32
          %parallel_loop3A_335 = arith.index_cast %parallel_loop3A_334 : i32 to index
          %parallel_loop3A_336 = tpu.vector_load %arg4[%parallel_loop3A_335] {strides = array<i32>} : memref<98304xf32, #tpu.memory_space<vmem>>, vector<16xf32>,
          %parallel_loop3A_337 = vector.shape_cast %parallel_loop3A_336 : vector<16xf32> to vector<16xf32>
          %parallel_loop3A_338 = arith.subf %parallel_loop3A_337, %get3A_287 : vector<16xf32>
          %parallel_loop3A_339 = arith.mulf %parallel_loop3A_338, %parallel_loop3A_338 : vector<16xf32>
          %parallel_loop3A_340 = arith.addf %parallel_loop3A_330, %parallel_loop3A_339 : vector<16xf32>
          %parallel_loop3A_341 = tpu.bitcast %parallel_loop3A_340 : vector<16xf32> -> vector<16xi32>
          %parallel_loop3A_342 = arith.constant 1 : i32
          %parallel_loop3A_343 = vector.broadcast %parallel_loop3A_342 : i32 to vector<16xi32>
          %parallel_loop3A_344 = arith.shrui %parallel_loop3A_341, %parallel_loop3A_343 : vector<16xi32>
          %parallel_loop3A_345 = arith.constant 1597463007 : i32
          %parallel_loop3A_346 = vector.broadcast %parallel_loop3A_345 : i32 to vector<16xi32>
          %parallel_loop3A_347 = arith.subi %parallel_loop3A_346, %parallel_loop3A_344 : vector<16xi32>
          %parallel_loop3A_348 = tpu.bitcast %parallel_loop3A_347 : vector<16xi32> -> vector<16xf32>
          %parallel_loop3A_349 = arith.mulf %parallel_loop3A_340, %parallel_loop3A_348 : vector<16xf32>
          %parallel_loop3A_350 = arith.mulf %parallel_loop3A_349, %parallel_loop3A_348 : vector<16xf32>
          %parallel_loop3A_351 = arith.constant 5.000000e-01 : f32
          %parallel_loop3A_352 = vector.broadcast %parallel_loop3A_351 : f32 to vector<16xf32>
          %parallel_loop3A_353 = arith.mulf %parallel_loop3A_352, %parallel_loop3A_350 : vector<16xf32>
          %parallel_loop3A_354 = arith.constant 1.500000e+00 : f32
          %parallel_loop3A_355 = vector.broadcast %parallel_loop3A_354 : f32 to vector<16xf32>
          %parallel_loop3A_356 = arith.subf %parallel_loop3A_355, %parallel_loop3A_353 : vector<16xf32>
          %parallel_loop3A_357 = arith.mulf %parallel_loop3A_349, %parallel_loop3A_356 : vector<16xf32>
          %parallel_loop3A_358 = arith.index_cast %parallel_loop3A_311 : i32 to index
          %parallel_loop3A_359 = arith.constant 0 : index
          %parallel_loop3A_360 = tpu.vector_load %arg5[%parallel_loop3A_358, %parallel_loop3A_359] {strides = array<i32>} : memref<88x32xf32, #tpu.memory_space<vmem>>, vector<1x16xf32>,
          %parallel_loop3A_361 = vector.shape_cast %parallel_loop3A_360 : vector<1x16xf32> to vector<16xf32>
          %parallel_loop3A_362 = vector.shape_cast %parallel_loop3A_357 : vector<16xf32> to vector<1x16xf32>
          tpu.vector_store %arg5[%parallel_loop3A_358, %parallel_loop3A_359], %parallel_loop3A_362 {strides = array<i32>} : memref<88x32xf32, #tpu.memory_space<vmem>>, vector<1x16xf32>,
          %parallel_loop3A_363 = arith.constant 0 : i32
          %parallel_loop3A_364 = arith.addi %parallel_loop3A_310, %parallel_loop3A_363 : i32
          %parallel_loop3A_365 = arith.constant 16 : i32
          %parallel_loop3A_366 = arith.addi %parallel_loop3A_364, %parallel_loop3A_365 : i32
          %parallel_loop3A_367 = arith.index_cast %parallel_loop3A_366 : i32 to index
          %parallel_loop3A_368 = tpu.vector_load %arg4[%parallel_loop3A_367] {strides = array<i32>} : memref<98304xf32, #tpu.memory_space<vmem>>, vector<16xf32>,
          %parallel_loop3A_369 = vector.shape_cast %parallel_loop3A_368 : vector<16xf32> to vector<16xf32>
          %parallel_loop3A_370 = arith.subf %parallel_loop3A_369, %get3A_266 : vector<16xf32>
          %parallel_loop3A_371 = arith.mulf %parallel_loop3A_370, %parallel_loop3A_370 : vector<16xf32>
          %parallel_loop3A_372 = arith.constant 32 : i32
          %parallel_loop3A_373 = arith.addi %parallel_loop3A_310, %parallel_loop3A_372 : i32
          %parallel_loop3A_374 = arith.constant 16 : i32
          %parallel_loop3A_375 = arith.addi %parallel_loop3A_373, %parallel_loop3A_374 : i32
          %parallel_loop3A_376 = arith.index_cast %parallel_loop3A_375 : i32 to index
          %parallel_loop3A_377 = tpu.vector_load %arg4[%parallel_loop3A_376] {strides = array<i32>} : memref<98304xf32, #tpu.memory_space<vmem>>, vector<16xf32>,
          %parallel_loop3A_378 = vector.shape_cast %parallel_loop3A_377 : vector<16xf32> to vector<16xf32>
          %parallel_loop3A_379 = arith.subf %parallel_loop3A_378, %get3A_280 : vector<16xf32>
          %parallel_loop3A_380 = arith.mulf %parallel_loop3A_379, %parallel_loop3A_379 : vector<16xf32>
          %parallel_loop3A_381 = arith.addf %parallel_loop3A_371, %parallel_loop3A_380 : vector<16xf32>
          %parallel_loop3A_382 = arith.constant 64 : i32
          %parallel_loop3A_383 = arith.addi %parallel_loop3A_310, %parallel_loop3A_382 : i32
          %parallel_loop3A_384 = arith.constant 16 : i32
          %parallel_loop3A_385 = arith.addi %parallel_loop3A_383, %parallel_loop3A_384 : i32
          %parallel_loop3A_386 = arith.index_cast %parallel_loop3A_385 : i32 to index
          %parallel_loop3A_387 = tpu.vector_load %arg4[%parallel_loop3A_386] {strides = array<i32>} : memref<98304xf32, #tpu.memory_space<vmem>>, vector<16xf32>,
          %parallel_loop3A_388 = vector.shape_cast %parallel_loop3A_387 : vector<16xf32> to vector<16xf32>
          %parallel_loop3A_389 = arith.subf %parallel_loop3A_388, %get3A_294 : vector<16xf32>
          %parallel_loop3A_390 = arith.mulf %parallel_loop3A_389, %parallel_loop3A_389 : vector<16xf32>
          %parallel_loop3A_391 = arith.addf %parallel_loop3A_381, %parallel_loop3A_390 : vector<16xf32>
          %parallel_loop3A_392 = tpu.bitcast %parallel_loop3A_391 : vector<16xf32> -> vector<16xi32>
          %parallel_loop3A_393 = arith.constant 1 : i32
          %parallel_loop3A_394 = vector.broadcast %parallel_loop3A_393 : i32 to vector<16xi32>
          %parallel_loop3A_395 = arith.shrui %parallel_loop3A_392, %parallel_loop3A_394 : vector<16xi32>
          %parallel_loop3A_396 = arith.constant 1597463007 : i32
          %parallel_loop3A_397 = vector.broadcast %parallel_loop3A_396 : i32 to vector<16xi32>
          %parallel_loop3A_398 = arith.subi %parallel_loop3A_397, %parallel_loop3A_395 : vector<16xi32>
          %parallel_loop3A_399 = tpu.bitcast %parallel_loop3A_398 : vector<16xi32> -> vector<16xf32>
          %parallel_loop3A_400 = arith.mulf %parallel_loop3A_391, %parallel_loop3A_399 : vector<16xf32>
          %parallel_loop3A_401 = arith.mulf %parallel_loop3A_400, %parallel_loop3A_399 : vector<16xf32>
          %parallel_loop3A_402 = arith.constant 5.000000e-01 : f32
          %parallel_loop3A_403 = vector.broadcast %parallel_loop3A_402 : f32 to vector<16xf32>
          %parallel_loop3A_404 = arith.mulf %parallel_loop3A_403, %parallel_loop3A_401 : vector<16xf32>
          %parallel_loop3A_405 = arith.constant 1.500000e+00 : f32
          %parallel_loop3A_406 = vector.broadcast %parallel_loop3A_405 : f32 to vector<16xf32>
          %parallel_loop3A_407 = arith.subf %parallel_loop3A_406, %parallel_loop3A_404 : vector<16xf32>
          %parallel_loop3A_408 = arith.mulf %parallel_loop3A_400, %parallel_loop3A_407 : vector<16xf32>
          %parallel_loop3A_409 = arith.index_cast %parallel_loop3A_311 : i32 to index
          %parallel_loop3A_410 = arith.constant 16 : index
          %parallel_loop3A_411 = tpu.vector_load %arg5[%parallel_loop3A_409, %parallel_loop3A_410] {strides = array<i32>} : memref<88x32xf32, #tpu.memory_space<vmem>>, vector<1x16xf32>,
          %parallel_loop3A_412 = vector.shape_cast %parallel_loop3A_411 : vector<1x16xf32> to vector<16xf32>
          %parallel_loop3A_413 = vector.shape_cast %parallel_loop3A_408 : vector<16xf32> to vector<1x16xf32>
          tpu.vector_store %arg5[%parallel_loop3A_409, %parallel_loop3A_410], %parallel_loop3A_413 {strides = array<i32>} : memref<88x32xf32, #tpu.memory_space<vmem>>, vector<1x16xf32>,
        } {sc.loop_unroll_factor = 1 : i64, sc.parallel_access}
        %add3A_296 = arith.addi %while3A_245, %max3A_253 : i32
        %ge3A = arith.constant 1024 : i32
        %ge3A_297 = arith.cmpi sge, %add3A_296, %ge3A : i32
        %gt3A = arith.constant 0 : i32
        %gt3A_298 = arith.cmpi sgt, %max3A_253, %gt3A : i32
        %and3A_299 = arith.andi %ge3A_297, %gt3A_298 : i1
        %add3A_300 = arith.constant 1 : i32
        %add3A_301 = arith.addi %while3A_244, %add3A_300 : i32
        %select_n3A_302 = arith.select %and3A_299, %add3A_301, %while3A_244 : i32
        %add3A_303 = arith.constant 2 : i32
        %add3A_304 = arith.addi %while3A_244, %add3A_303 : i32
        %select_n3A_305 = arith.select %and3A_299, %add3A_304, %add3A_296 : i32
        %add3A_306 = arith.addi %while3A_246, %max3A_253 : i32
        scf.yield %select_n3A_302, %select_n3A_305, %add3A_306 : i32, i32, i32
      }
      %while3A_173 = arith.constant 1 : i32
      %while3A_174:3 = scf.for %while3A_243 = %while3A_170 to %while3A_166 step %while3A_173 iter_args(%while3A_244 = %while3A_172#0, %while3A_245 = %while3A_172#1, %while3A_246 = %while3A_172#2) -> (i32, i32, i32)  : i32 {
        %sub3A_247 = arith.constant 1024 : i32
        %sub3A_248 = arith.subi %sub3A_247, %while3A_245 : i32
        %sub3A_249 = arith.constant 88 : i32
        %sub3A_250 = arith.subi %sub3A_249, %while3A_246 : i32
        %min3A_251 = arith.minsi %sub3A_248, %sub3A_250 : i32
        %max3A_252 = arith.constant 0 : i32
        %max3A_253 = arith.maxsi %max3A_252, %min3A_251 : i32
        %mul3A_254 = arith.constant 96 : i32
        %mul3A_255 = arith.muli %while3A_244, %mul3A_254 : i32
        %add3A_256 = arith.constant 0 : i32
        %add3A_257 = arith.addi %mul3A_255, %add3A_256 : i32
        %get3A = arith.index_cast %add3A_257 : i32 to index
        %get3A_258 = tpu.vector_load %arg4[%get3A] {strides = array<i32>} : memref<98304xf32, #tpu.memory_space<vmem>>, vector<16xf32>,
        %get3A_259 = vector.shape_cast %get3A_258 : vector<16xf32> to vector<16xf32>
        %mul3A_260 = arith.constant 96 : i32
        %mul3A_261 = arith.muli %while3A_244, %mul3A_260 : i32
        %add3A_262 = arith.constant 16 : i32
        %add3A_263 = arith.addi %mul3A_261, %add3A_262 : i32
        %get3A_264 = arith.index_cast %add3A_263 : i32 to index
        %get3A_265 = tpu.vector_load %arg4[%get3A_264] {strides = array<i32>} : memref<98304xf32, #tpu.memory_space<vmem>>, vector<16xf32>,
        %get3A_266 = vector.shape_cast %get3A_265 : vector<16xf32> to vector<16xf32>
        %mul3A_267 = arith.constant 96 : i32
        %mul3A_268 = arith.muli %while3A_244, %mul3A_267 : i32
        %add3A_269 = arith.constant 32 : i32
        %add3A_270 = arith.addi %mul3A_268, %add3A_269 : i32
        %get3A_271 = arith.index_cast %add3A_270 : i32 to index
        %get3A_272 = tpu.vector_load %arg4[%get3A_271] {strides = array<i32>} : memref<98304xf32, #tpu.memory_space<vmem>>, vector<16xf32>,
        %get3A_273 = vector.shape_cast %get3A_272 : vector<16xf32> to vector<16xf32>
        %mul3A_274 = arith.constant 96 : i32
        %mul3A_275 = arith.muli %while3A_244, %mul3A_274 : i32
        %add3A_276 = arith.constant 48 : i32
        %add3A_277 = arith.addi %mul3A_275, %add3A_276 : i32
        %get3A_278 = arith.index_cast %add3A_277 : i32 to index
        %get3A_279 = tpu.vector_load %arg4[%get3A_278] {strides = array<i32>} : memref<98304xf32, #tpu.memory_space<vmem>>, vector<16xf32>,
        %get3A_280 = vector.shape_cast %get3A_279 : vector<16xf32> to vector<16xf32>
        %mul3A_281 = arith.constant 96 : i32
        %mul3A_282 = arith.muli %while3A_244, %mul3A_281 : i32
        %add3A_283 = arith.constant 64 : i32
        %add3A_284 = arith.addi %mul3A_282, %add3A_283 : i32
        %get3A_285 = arith.index_cast %add3A_284 : i32 to index
        %get3A_286 = tpu.vector_load %arg4[%get3A_285] {strides = array<i32>} : memref<98304xf32, #tpu.memory_space<vmem>>, vector<16xf32>,
        %get3A_287 = vector.shape_cast %get3A_286 : vector<16xf32> to vector<16xf32>
        %mul3A_288 = arith.constant 96 : i32
        %mul3A_289 = arith.muli %while3A_244, %mul3A_288 : i32
        %add3A_290 = arith.constant 80 : i32
        %add3A_291 = arith.addi %mul3A_289, %add3A_290 : i32
        %get3A_292 = arith.index_cast %add3A_291 : i32 to index
        %get3A_293 = tpu.vector_load %arg4[%get3A_292] {strides = array<i32>} : memref<98304xf32, #tpu.memory_space<vmem>>, vector<16xf32>,
        %get3A_294 = vector.shape_cast %get3A_293 : vector<16xf32> to vector<16xf32>
        %parallel_loop3A = arith.constant 0 : i32
        %parallel_loop3A_295 = arith.constant 1 : i32
        scf.for %parallel_loop3A_307 = %parallel_loop3A to %max3A_253 step %parallel_loop3A_295  : i32 {
          %parallel_loop3A_308 = arith.addi %while3A_245, %parallel_loop3A_307 : i32
          %parallel_loop3A_309 = arith.constant 96 : i32
          %parallel_loop3A_310 = arith.muli %parallel_loop3A_308, %parallel_loop3A_309 : i32
          %parallel_loop3A_311 = arith.addi %while3A_246, %parallel_loop3A_307 : i32
          %parallel_loop3A_312 = arith.constant 0 : i32
          %parallel_loop3A_313 = arith.addi %parallel_loop3A_310, %parallel_loop3A_312 : i32
          %parallel_loop3A_314 = arith.constant 0 : i32
          %parallel_loop3A_315 = arith.addi %parallel_loop3A_313, %parallel_loop3A_314 : i32
          %parallel_loop3A_316 = arith.index_cast %parallel_loop3A_315 : i32 to index
          %parallel_loop3A_317 = tpu.vector_load %arg4[%parallel_loop3A_316] {strides = array<i32>} : memref<98304xf32, #tpu.memory_space<vmem>>, vector<16xf32>,
          %parallel_loop3A_318 = vector.shape_cast %parallel_loop3A_317 : vector<16xf32> to vector<16xf32>
          %parallel_loop3A_319 = arith.subf %parallel_loop3A_318, %get3A_259 : vector<16xf32>
          %parallel_loop3A_320 = arith.mulf %parallel_loop3A_319, %parallel_loop3A_319 : vector<16xf32>
          %parallel_loop3A_321 = arith.constant 32 : i32
          %parallel_loop3A_322 = arith.addi %parallel_loop3A_310, %parallel_loop3A_321 : i32
          %parallel_loop3A_323 = arith.constant 0 : i32
          %parallel_loop3A_324 = arith.addi %parallel_loop3A_322, %parallel_loop3A_323 : i32
          %parallel_loop3A_325 = arith.index_cast %parallel_loop3A_324 : i32 to index
          %parallel_loop3A_326 = tpu.vector_load %arg4[%parallel_loop3A_325] {strides = array<i32>} : memref<98304xf32, #tpu.memory_space<vmem>>, vector<16xf32>,
          %parallel_loop3A_327 = vector.shape_cast %parallel_loop3A_326 : vector<16xf32> to vector<16xf32>
          %parallel_loop3A_328 = arith.subf %parallel_loop3A_327, %get3A_273 : vector<16xf32>
          %parallel_loop3A_329 = arith.mulf %parallel_loop3A_328, %parallel_loop3A_328 : vector<16xf32>
          %parallel_loop3A_330 = arith.addf %parallel_loop3A_320, %parallel_loop3A_329 : vector<16xf32>
          %parallel_loop3A_331 = arith.constant 64 : i32
          %parallel_loop3A_332 = arith.addi %parallel_loop3A_310, %parallel_loop3A_331 : i32
          %parallel_loop3A_333 = arith.constant 0 : i32
          %parallel_loop3A_334 = arith.addi %parallel_loop3A_332, %parallel_loop3A_333 : i32
          %parallel_loop3A_335 = arith.index_cast %parallel_loop3A_334 : i32 to index
          %parallel_loop3A_336 = tpu.vector_load %arg4[%parallel_loop3A_335] {strides = array<i32>} : memref<98304xf32, #tpu.memory_space<vmem>>, vector<16xf32>,
          %parallel_loop3A_337 = vector.shape_cast %parallel_loop3A_336 : vector<16xf32> to vector<16xf32>
          %parallel_loop3A_338 = arith.subf %parallel_loop3A_337, %get3A_287 : vector<16xf32>
          %parallel_loop3A_339 = arith.mulf %parallel_loop3A_338, %parallel_loop3A_338 : vector<16xf32>
          %parallel_loop3A_340 = arith.addf %parallel_loop3A_330, %parallel_loop3A_339 : vector<16xf32>
          %parallel_loop3A_341 = tpu.bitcast %parallel_loop3A_340 : vector<16xf32> -> vector<16xi32>
          %parallel_loop3A_342 = arith.constant 1 : i32
          %parallel_loop3A_343 = vector.broadcast %parallel_loop3A_342 : i32 to vector<16xi32>
          %parallel_loop3A_344 = arith.shrui %parallel_loop3A_341, %parallel_loop3A_343 : vector<16xi32>
          %parallel_loop3A_345 = arith.constant 1597463007 : i32
          %parallel_loop3A_346 = vector.broadcast %parallel_loop3A_345 : i32 to vector<16xi32>
          %parallel_loop3A_347 = arith.subi %parallel_loop3A_346, %parallel_loop3A_344 : vector<16xi32>
          %parallel_loop3A_348 = tpu.bitcast %parallel_loop3A_347 : vector<16xi32> -> vector<16xf32>
          %parallel_loop3A_349 = arith.mulf %parallel_loop3A_340, %parallel_loop3A_348 : vector<16xf32>
          %parallel_loop3A_350 = arith.mulf %parallel_loop3A_349, %parallel_loop3A_348 : vector<16xf32>
          %parallel_loop3A_351 = arith.constant 5.000000e-01 : f32
          %parallel_loop3A_352 = vector.broadcast %parallel_loop3A_351 : f32 to vector<16xf32>
          %parallel_loop3A_353 = arith.mulf %parallel_loop3A_352, %parallel_loop3A_350 : vector<16xf32>
          %parallel_loop3A_354 = arith.constant 1.500000e+00 : f32
          %parallel_loop3A_355 = vector.broadcast %parallel_loop3A_354 : f32 to vector<16xf32>
          %parallel_loop3A_356 = arith.subf %parallel_loop3A_355, %parallel_loop3A_353 : vector<16xf32>
          %parallel_loop3A_357 = arith.mulf %parallel_loop3A_349, %parallel_loop3A_356 : vector<16xf32>
          %parallel_loop3A_358 = arith.index_cast %parallel_loop3A_311 : i32 to index
          %parallel_loop3A_359 = arith.constant 0 : index
          %parallel_loop3A_360 = tpu.vector_load %arg5[%parallel_loop3A_358, %parallel_loop3A_359] {strides = array<i32>} : memref<88x32xf32, #tpu.memory_space<vmem>>, vector<1x16xf32>,
          %parallel_loop3A_361 = vector.shape_cast %parallel_loop3A_360 : vector<1x16xf32> to vector<16xf32>
          %parallel_loop3A_362 = vector.shape_cast %parallel_loop3A_357 : vector<16xf32> to vector<1x16xf32>
          tpu.vector_store %arg5[%parallel_loop3A_358, %parallel_loop3A_359], %parallel_loop3A_362 {strides = array<i32>} : memref<88x32xf32, #tpu.memory_space<vmem>>, vector<1x16xf32>,
          %parallel_loop3A_363 = arith.constant 0 : i32
          %parallel_loop3A_364 = arith.addi %parallel_loop3A_310, %parallel_loop3A_363 : i32
          %parallel_loop3A_365 = arith.constant 16 : i32
          %parallel_loop3A_366 = arith.addi %parallel_loop3A_364, %parallel_loop3A_365 : i32
          %parallel_loop3A_367 = arith.index_cast %parallel_loop3A_366 : i32 to index
          %parallel_loop3A_368 = tpu.vector_load %arg4[%parallel_loop3A_367] {strides = array<i32>} : memref<98304xf32, #tpu.memory_space<vmem>>, vector<16xf32>,
          %parallel_loop3A_369 = vector.shape_cast %parallel_loop3A_368 : vector<16xf32> to vector<16xf32>
          %parallel_loop3A_370 = arith.subf %parallel_loop3A_369, %get3A_266 : vector<16xf32>
          %parallel_loop3A_371 = arith.mulf %parallel_loop3A_370, %parallel_loop3A_370 : vector<16xf32>
          %parallel_loop3A_372 = arith.constant 32 : i32
          %parallel_loop3A_373 = arith.addi %parallel_loop3A_310, %parallel_loop3A_372 : i32
          %parallel_loop3A_374 = arith.constant 16 : i32
          %parallel_loop3A_375 = arith.addi %parallel_loop3A_373, %parallel_loop3A_374 : i32
          %parallel_loop3A_376 = arith.index_cast %parallel_loop3A_375 : i32 to index
          %parallel_loop3A_377 = tpu.vector_load %arg4[%parallel_loop3A_376] {strides = array<i32>} : memref<98304xf32, #tpu.memory_space<vmem>>, vector<16xf32>,
          %parallel_loop3A_378 = vector.shape_cast %parallel_loop3A_377 : vector<16xf32> to vector<16xf32>
          %parallel_loop3A_379 = arith.subf %parallel_loop3A_378, %get3A_280 : vector<16xf32>
          %parallel_loop3A_380 = arith.mulf %parallel_loop3A_379, %parallel_loop3A_379 : vector<16xf32>
          %parallel_loop3A_381 = arith.addf %parallel_loop3A_371, %parallel_loop3A_380 : vector<16xf32>
          %parallel_loop3A_382 = arith.constant 64 : i32
          %parallel_loop3A_383 = arith.addi %parallel_loop3A_310, %parallel_loop3A_382 : i32
          %parallel_loop3A_384 = arith.constant 16 : i32
          %parallel_loop3A_385 = arith.addi %parallel_loop3A_383, %parallel_loop3A_384 : i32
          %parallel_loop3A_386 = arith.index_cast %parallel_loop3A_385 : i32 to index
          %parallel_loop3A_387 = tpu.vector_load %arg4[%parallel_loop3A_386] {strides = array<i32>} : memref<98304xf32, #tpu.memory_space<vmem>>, vector<16xf32>,
          %parallel_loop3A_388 = vector.shape_cast %parallel_loop3A_387 : vector<16xf32> to vector<16xf32>
          %parallel_loop3A_389 = arith.subf %parallel_loop3A_388, %get3A_294 : vector<16xf32>
          %parallel_loop3A_390 = arith.mulf %parallel_loop3A_389, %parallel_loop3A_389 : vector<16xf32>
          %parallel_loop3A_391 = arith.addf %parallel_loop3A_381, %parallel_loop3A_390 : vector<16xf32>
          %parallel_loop3A_392 = tpu.bitcast %parallel_loop3A_391 : vector<16xf32> -> vector<16xi32>
          %parallel_loop3A_393 = arith.constant 1 : i32
          %parallel_loop3A_394 = vector.broadcast %parallel_loop3A_393 : i32 to vector<16xi32>
          %parallel_loop3A_395 = arith.shrui %parallel_loop3A_392, %parallel_loop3A_394 : vector<16xi32>
          %parallel_loop3A_396 = arith.constant 1597463007 : i32
          %parallel_loop3A_397 = vector.broadcast %parallel_loop3A_396 : i32 to vector<16xi32>
          %parallel_loop3A_398 = arith.subi %parallel_loop3A_397, %parallel_loop3A_395 : vector<16xi32>
          %parallel_loop3A_399 = tpu.bitcast %parallel_loop3A_398 : vector<16xi32> -> vector<16xf32>
          %parallel_loop3A_400 = arith.mulf %parallel_loop3A_391, %parallel_loop3A_399 : vector<16xf32>
          %parallel_loop3A_401 = arith.mulf %parallel_loop3A_400, %parallel_loop3A_399 : vector<16xf32>
          %parallel_loop3A_402 = arith.constant 5.000000e-01 : f32
          %parallel_loop3A_403 = vector.broadcast %parallel_loop3A_402 : f32 to vector<16xf32>
          %parallel_loop3A_404 = arith.mulf %parallel_loop3A_403, %parallel_loop3A_401 : vector<16xf32>
          %parallel_loop3A_405 = arith.constant 1.500000e+00 : f32
          %parallel_loop3A_406 = vector.broadcast %parallel_loop3A_405 : f32 to vector<16xf32>
          %parallel_loop3A_407 = arith.subf %parallel_loop3A_406, %parallel_loop3A_404 : vector<16xf32>
          %parallel_loop3A_408 = arith.mulf %parallel_loop3A_400, %parallel_loop3A_407 : vector<16xf32>
          %parallel_loop3A_409 = arith.index_cast %parallel_loop3A_311 : i32 to index
          %parallel_loop3A_410 = arith.constant 16 : index
          %parallel_loop3A_411 = tpu.vector_load %arg5[%parallel_loop3A_409, %parallel_loop3A_410] {strides = array<i32>} : memref<88x32xf32, #tpu.memory_space<vmem>>, vector<1x16xf32>,
          %parallel_loop3A_412 = vector.shape_cast %parallel_loop3A_411 : vector<1x16xf32> to vector<16xf32>
          %parallel_loop3A_413 = vector.shape_cast %parallel_loop3A_408 : vector<16xf32> to vector<1x16xf32>
          tpu.vector_store %arg5[%parallel_loop3A_409, %parallel_loop3A_410], %parallel_loop3A_413 {strides = array<i32>} : memref<88x32xf32, #tpu.memory_space<vmem>>, vector<1x16xf32>,
        } {sc.loop_unroll_factor = 1 : i64, sc.parallel_access}
        %add3A_296 = arith.addi %while3A_245, %max3A_253 : i32
        %ge3A = arith.constant 1024 : i32
        %ge3A_297 = arith.cmpi sge, %add3A_296, %ge3A : i32
        %gt3A = arith.constant 0 : i32
        %gt3A_298 = arith.cmpi sgt, %max3A_253, %gt3A : i32
        %and3A_299 = arith.andi %ge3A_297, %gt3A_298 : i1
        %add3A_300 = arith.constant 1 : i32
        %add3A_301 = arith.addi %while3A_244, %add3A_300 : i32
        %select_n3A_302 = arith.select %and3A_299, %add3A_301, %while3A_244 : i32
        %add3A_303 = arith.constant 2 : i32
        %add3A_304 = arith.addi %while3A_244, %add3A_303 : i32
        %select_n3A_305 = arith.select %and3A_299, %add3A_304, %add3A_296 : i32
        %add3A_306 = arith.addi %while3A_246, %max3A_253 : i32
        scf.yield %select_n3A_302, %select_n3A_305, %add3A_306 : i32, i32, i32
      }
      %mul3A_175 = arith.constant 88 : i32
      %mul3A_176 = arith.muli %add3A_124, %mul3A_175 : i32
      %add3A_177 = arith.addi %mul3A_2, %mul3A_176 : i32
      %dma_start3A_178 = arith.constant 0 : i32
      %dma_start3A_179 = tpu.memref_slice %arg3[%add3A_177, %dma_start3A_178] : memref<523776x32xf32, #tpu.memory_space<hbm>> -> memref<88x32xf32, #tpu.memory_space<hbm>>
      %dma_start3A_180 = arith.constant 0 : i32
      %dma_start3A_181 = tpu.memref_slice %arg3[%add3A_177, %dma_start3A_180] : memref<523776x32xf32, #tpu.memory_space<hbm>> -> memref<88x32xf32, #tpu.memory_space<hbm>>
      tpu.enqueue_dma source(%arg5 : memref<88x32xf32, #tpu.memory_space<vmem>>) target(%dma_start3A_181 : memref<88x32xf32, #tpu.memory_space<hbm>>) target_semaphore(%arg7 : memref<!tpu.dma_semaphore, #tpu.memory_space<semaphore_mem>>)
      %add3A_182 = arith.constant 0 : i32
      %add3A_183 = arith.addi %mul3A_2, %add3A_182 : i32
      %dma_wait3A_184 = arith.constant 0 : i32
      %dma_wait3A_185 = tpu.memref_slice %arg3[%add3A_183, %dma_wait3A_184] : memref<523776x32xf32, #tpu.memory_space<hbm>> -> memref<88x32xf32, #tpu.memory_space<hbm>>
      %dma_wait3A_186 = arith.constant 0 : i32
      %dma_wait3A_187 = tpu.memref_slice %arg3[%add3A_183, %dma_wait3A_186] : memref<523776x32xf32, #tpu.memory_space<hbm>> -> memref<88x32xf32, #tpu.memory_space<hbm>>
      tpu.wait_dma2 semaphore(%arg8 : memref<!tpu.dma_semaphore, #tpu.memory_space<semaphore_mem>>) src(%arg6 : memref<88x32xf32, #tpu.memory_space<vmem>>) dst(%dma_wait3A_187 : memref<88x32xf32, #tpu.memory_space<hbm>>)
      %add3A_188 = arith.constant 1 : i32
      %add3A_189 = arith.addi %add3A_124, %add3A_188 : i32
      %sub3A_190 = arith.constant 1010 : i32
      %sub3A_191 = arith.subi %sub3A_190, %while3A_174#0 : i32
      %max3A_192 = arith.constant 1 : i32
      %max3A_193 = arith.maxsi %max3A_192, %sub3A_191 : i32
      %jit3A_194 = arith.constant 88 : i32
      %div3A_195 = arith.divsi %jit3A_194, %max3A_193 : i32
      %sign3A_196 = arith.constant 0 : i32
      %sign3A_197 = arith.cmpi sgt, %jit3A_194, %sign3A_196 : i32
      %sign3A_198 = arith.extui %sign3A_197 : i1 to i32
      %sign3A_199 = arith.constant 0 : i32
      %sign3A_200 = arith.cmpi slt, %jit3A_194, %sign3A_199 : i32
      %sign3A_201 = arith.extui %sign3A_200 : i1 to i32
      %sign3A_202 = arith.subi %sign3A_198, %sign3A_201 : i32
      %sign3A_203 = arith.constant 0 : i32
      %sign3A_204 = arith.cmpi sgt, %max3A_193, %sign3A_203 : i32
      %sign3A_205 = arith.extui %sign3A_204 : i1 to i32
      %sign3A_206 = arith.constant 0 : i32
      %sign3A_207 = arith.cmpi slt, %max3A_193, %sign3A_206 : i32
      %sign3A_208 = arith.extui %sign3A_207 : i1 to i32
      %sign3A_209 = arith.subi %sign3A_205, %sign3A_208 : i32
      %ne3A_210 = arith.cmpi ne, %sign3A_202, %sign3A_209 : i32
      %rem3A_211 = arith.remsi %jit3A_194, %max3A_193 : i32
      %ne3A_212 = arith.constant 0 : i32
      %ne3A_213 = arith.cmpi ne, %rem3A_211, %ne3A_212 : i32
      %and3A_214 = arith.andi %ne3A_210, %ne3A_213 : i1
      %sub3A_215 = arith.constant 1 : i32
      %sub3A_216 = arith.subi %div3A_195, %sub3A_215 : i32
      %select_n3A_217 = arith.select %and3A_214, %sub3A_216, %div3A_195 : i32
      %add3A_218 = arith.constant 2 : i32
      %add3A_219 = arith.addi %select_n3A_217, %add3A_218 : i32
      %min3A_220 = arith.constant 14 : i32
      %min3A_221 = arith.minsi %min3A_220, %add3A_219 : i32
      %while3A_222 = arith.constant 0 : i32
      %while3A_223 = arith.constant 0 : i32
      %while3A_224 = arith.subi %min3A_221, %while3A_222 : i32
      %while3A_225 = arith.addi %while3A_222, %while3A_224 : i32
      %while3A_226 = arith.constant 1 : i32
      %while3A_227 = arith.divsi %while3A_224, %while3A_226 : i32
      %while3A_228 = arith.muli %while3A_227, %while3A_226 : i32
      %while3A_229 = arith.addi %while3A_222, %while3A_228 : i32
      %while3A_230 = arith.constant 1 : i32
      %while3A_231:3 = scf.for %while3A_243 = %while3A_222 to %while3A_229 step %while3A_230 iter_args(%while3A_244 = %while3A_174#0, %while3A_245 = %while3A_174#1, %while3A_246 = %while3A_223) -> (i32, i32, i32)  : i32 {
        %sub3A_247 = arith.constant 1024 : i32
        %sub3A_248 = arith.subi %sub3A_247, %while3A_245 : i32
        %sub3A_249 = arith.constant 88 : i32
        %sub3A_250 = arith.subi %sub3A_249, %while3A_246 : i32
        %min3A_251 = arith.minsi %sub3A_248, %sub3A_250 : i32
        %max3A_252 = arith.constant 0 : i32
        %max3A_253 = arith.maxsi %max3A_252, %min3A_251 : i32
        %mul3A_254 = arith.constant 96 : i32
        %mul3A_255 = arith.muli %while3A_244, %mul3A_254 : i32
        %add3A_256 = arith.constant 0 : i32
        %add3A_257 = arith.addi %mul3A_255, %add3A_256 : i32
        %get3A = arith.index_cast %add3A_257 : i32 to index
        %get3A_258 = tpu.vector_load %arg4[%get3A] {strides = array<i32>} : memref<98304xf32, #tpu.memory_space<vmem>>, vector<16xf32>,
        %get3A_259 = vector.shape_cast %get3A_258 : vector<16xf32> to vector<16xf32>
        %mul3A_260 = arith.constant 96 : i32
        %mul3A_261 = arith.muli %while3A_244, %mul3A_260 : i32
        %add3A_262 = arith.constant 16 : i32
        %add3A_263 = arith.addi %mul3A_261, %add3A_262 : i32
        %get3A_264 = arith.index_cast %add3A_263 : i32 to index
        %get3A_265 = tpu.vector_load %arg4[%get3A_264] {strides = array<i32>} : memref<98304xf32, #tpu.memory_space<vmem>>, vector<16xf32>,
        %get3A_266 = vector.shape_cast %get3A_265 : vector<16xf32> to vector<16xf32>
        %mul3A_267 = arith.constant 96 : i32
        %mul3A_268 = arith.muli %while3A_244, %mul3A_267 : i32
        %add3A_269 = arith.constant 32 : i32
        %add3A_270 = arith.addi %mul3A_268, %add3A_269 : i32
        %get3A_271 = arith.index_cast %add3A_270 : i32 to index
        %get3A_272 = tpu.vector_load %arg4[%get3A_271] {strides = array<i32>} : memref<98304xf32, #tpu.memory_space<vmem>>, vector<16xf32>,
        %get3A_273 = vector.shape_cast %get3A_272 : vector<16xf32> to vector<16xf32>
        %mul3A_274 = arith.constant 96 : i32
        %mul3A_275 = arith.muli %while3A_244, %mul3A_274 : i32
        %add3A_276 = arith.constant 48 : i32
        %add3A_277 = arith.addi %mul3A_275, %add3A_276 : i32
        %get3A_278 = arith.index_cast %add3A_277 : i32 to index
        %get3A_279 = tpu.vector_load %arg4[%get3A_278] {strides = array<i32>} : memref<98304xf32, #tpu.memory_space<vmem>>, vector<16xf32>,
        %get3A_280 = vector.shape_cast %get3A_279 : vector<16xf32> to vector<16xf32>
        %mul3A_281 = arith.constant 96 : i32
        %mul3A_282 = arith.muli %while3A_244, %mul3A_281 : i32
        %add3A_283 = arith.constant 64 : i32
        %add3A_284 = arith.addi %mul3A_282, %add3A_283 : i32
        %get3A_285 = arith.index_cast %add3A_284 : i32 to index
        %get3A_286 = tpu.vector_load %arg4[%get3A_285] {strides = array<i32>} : memref<98304xf32, #tpu.memory_space<vmem>>, vector<16xf32>,
        %get3A_287 = vector.shape_cast %get3A_286 : vector<16xf32> to vector<16xf32>
        %mul3A_288 = arith.constant 96 : i32
        %mul3A_289 = arith.muli %while3A_244, %mul3A_288 : i32
        %add3A_290 = arith.constant 80 : i32
        %add3A_291 = arith.addi %mul3A_289, %add3A_290 : i32
        %get3A_292 = arith.index_cast %add3A_291 : i32 to index
        %get3A_293 = tpu.vector_load %arg4[%get3A_292] {strides = array<i32>} : memref<98304xf32, #tpu.memory_space<vmem>>, vector<16xf32>,
        %get3A_294 = vector.shape_cast %get3A_293 : vector<16xf32> to vector<16xf32>
        %parallel_loop3A = arith.constant 0 : i32
        %parallel_loop3A_295 = arith.constant 1 : i32
        scf.for %parallel_loop3A_307 = %parallel_loop3A to %max3A_253 step %parallel_loop3A_295  : i32 {
          %parallel_loop3A_308 = arith.addi %while3A_245, %parallel_loop3A_307 : i32
          %parallel_loop3A_309 = arith.constant 96 : i32
          %parallel_loop3A_310 = arith.muli %parallel_loop3A_308, %parallel_loop3A_309 : i32
          %parallel_loop3A_311 = arith.addi %while3A_246, %parallel_loop3A_307 : i32
          %parallel_loop3A_312 = arith.constant 0 : i32
          %parallel_loop3A_313 = arith.addi %parallel_loop3A_310, %parallel_loop3A_312 : i32
          %parallel_loop3A_314 = arith.constant 0 : i32
          %parallel_loop3A_315 = arith.addi %parallel_loop3A_313, %parallel_loop3A_314 : i32
          %parallel_loop3A_316 = arith.index_cast %parallel_loop3A_315 : i32 to index
          %parallel_loop3A_317 = tpu.vector_load %arg4[%parallel_loop3A_316] {strides = array<i32>} : memref<98304xf32, #tpu.memory_space<vmem>>, vector<16xf32>,
          %parallel_loop3A_318 = vector.shape_cast %parallel_loop3A_317 : vector<16xf32> to vector<16xf32>
          %parallel_loop3A_319 = arith.subf %parallel_loop3A_318, %get3A_259 : vector<16xf32>
          %parallel_loop3A_320 = arith.mulf %parallel_loop3A_319, %parallel_loop3A_319 : vector<16xf32>
          %parallel_loop3A_321 = arith.constant 32 : i32
          %parallel_loop3A_322 = arith.addi %parallel_loop3A_310, %parallel_loop3A_321 : i32
          %parallel_loop3A_323 = arith.constant 0 : i32
          %parallel_loop3A_324 = arith.addi %parallel_loop3A_322, %parallel_loop3A_323 : i32
          %parallel_loop3A_325 = arith.index_cast %parallel_loop3A_324 : i32 to index
          %parallel_loop3A_326 = tpu.vector_load %arg4[%parallel_loop3A_325] {strides = array<i32>} : memref<98304xf32, #tpu.memory_space<vmem>>, vector<16xf32>,
          %parallel_loop3A_327 = vector.shape_cast %parallel_loop3A_326 : vector<16xf32> to vector<16xf32>
          %parallel_loop3A_328 = arith.subf %parallel_loop3A_327, %get3A_273 : vector<16xf32>
          %parallel_loop3A_329 = arith.mulf %parallel_loop3A_328, %parallel_loop3A_328 : vector<16xf32>
          %parallel_loop3A_330 = arith.addf %parallel_loop3A_320, %parallel_loop3A_329 : vector<16xf32>
          %parallel_loop3A_331 = arith.constant 64 : i32
          %parallel_loop3A_332 = arith.addi %parallel_loop3A_310, %parallel_loop3A_331 : i32
          %parallel_loop3A_333 = arith.constant 0 : i32
          %parallel_loop3A_334 = arith.addi %parallel_loop3A_332, %parallel_loop3A_333 : i32
          %parallel_loop3A_335 = arith.index_cast %parallel_loop3A_334 : i32 to index
          %parallel_loop3A_336 = tpu.vector_load %arg4[%parallel_loop3A_335] {strides = array<i32>} : memref<98304xf32, #tpu.memory_space<vmem>>, vector<16xf32>,
          %parallel_loop3A_337 = vector.shape_cast %parallel_loop3A_336 : vector<16xf32> to vector<16xf32>
          %parallel_loop3A_338 = arith.subf %parallel_loop3A_337, %get3A_287 : vector<16xf32>
          %parallel_loop3A_339 = arith.mulf %parallel_loop3A_338, %parallel_loop3A_338 : vector<16xf32>
          %parallel_loop3A_340 = arith.addf %parallel_loop3A_330, %parallel_loop3A_339 : vector<16xf32>
          %parallel_loop3A_341 = tpu.bitcast %parallel_loop3A_340 : vector<16xf32> -> vector<16xi32>
          %parallel_loop3A_342 = arith.constant 1 : i32
          %parallel_loop3A_343 = vector.broadcast %parallel_loop3A_342 : i32 to vector<16xi32>
          %parallel_loop3A_344 = arith.shrui %parallel_loop3A_341, %parallel_loop3A_343 : vector<16xi32>
          %parallel_loop3A_345 = arith.constant 1597463007 : i32
          %parallel_loop3A_346 = vector.broadcast %parallel_loop3A_345 : i32 to vector<16xi32>
          %parallel_loop3A_347 = arith.subi %parallel_loop3A_346, %parallel_loop3A_344 : vector<16xi32>
          %parallel_loop3A_348 = tpu.bitcast %parallel_loop3A_347 : vector<16xi32> -> vector<16xf32>
          %parallel_loop3A_349 = arith.mulf %parallel_loop3A_340, %parallel_loop3A_348 : vector<16xf32>
          %parallel_loop3A_350 = arith.mulf %parallel_loop3A_349, %parallel_loop3A_348 : vector<16xf32>
          %parallel_loop3A_351 = arith.constant 5.000000e-01 : f32
          %parallel_loop3A_352 = vector.broadcast %parallel_loop3A_351 : f32 to vector<16xf32>
          %parallel_loop3A_353 = arith.mulf %parallel_loop3A_352, %parallel_loop3A_350 : vector<16xf32>
          %parallel_loop3A_354 = arith.constant 1.500000e+00 : f32
          %parallel_loop3A_355 = vector.broadcast %parallel_loop3A_354 : f32 to vector<16xf32>
          %parallel_loop3A_356 = arith.subf %parallel_loop3A_355, %parallel_loop3A_353 : vector<16xf32>
          %parallel_loop3A_357 = arith.mulf %parallel_loop3A_349, %parallel_loop3A_356 : vector<16xf32>
          %parallel_loop3A_358 = arith.index_cast %parallel_loop3A_311 : i32 to index
          %parallel_loop3A_359 = arith.constant 0 : index
          %parallel_loop3A_360 = tpu.vector_load %arg6[%parallel_loop3A_358, %parallel_loop3A_359] {strides = array<i32>} : memref<88x32xf32, #tpu.memory_space<vmem>>, vector<1x16xf32>,
          %parallel_loop3A_361 = vector.shape_cast %parallel_loop3A_360 : vector<1x16xf32> to vector<16xf32>
          %parallel_loop3A_362 = vector.shape_cast %parallel_loop3A_357 : vector<16xf32> to vector<1x16xf32>
          tpu.vector_store %arg6[%parallel_loop3A_358, %parallel_loop3A_359], %parallel_loop3A_362 {strides = array<i32>} : memref<88x32xf32, #tpu.memory_space<vmem>>, vector<1x16xf32>,
          %parallel_loop3A_363 = arith.constant 0 : i32
          %parallel_loop3A_364 = arith.addi %parallel_loop3A_310, %parallel_loop3A_363 : i32
          %parallel_loop3A_365 = arith.constant 16 : i32
          %parallel_loop3A_366 = arith.addi %parallel_loop3A_364, %parallel_loop3A_365 : i32
          %parallel_loop3A_367 = arith.index_cast %parallel_loop3A_366 : i32 to index
          %parallel_loop3A_368 = tpu.vector_load %arg4[%parallel_loop3A_367] {strides = array<i32>} : memref<98304xf32, #tpu.memory_space<vmem>>, vector<16xf32>,
          %parallel_loop3A_369 = vector.shape_cast %parallel_loop3A_368 : vector<16xf32> to vector<16xf32>
          %parallel_loop3A_370 = arith.subf %parallel_loop3A_369, %get3A_266 : vector<16xf32>
          %parallel_loop3A_371 = arith.mulf %parallel_loop3A_370, %parallel_loop3A_370 : vector<16xf32>
          %parallel_loop3A_372 = arith.constant 32 : i32
          %parallel_loop3A_373 = arith.addi %parallel_loop3A_310, %parallel_loop3A_372 : i32
          %parallel_loop3A_374 = arith.constant 16 : i32
          %parallel_loop3A_375 = arith.addi %parallel_loop3A_373, %parallel_loop3A_374 : i32
          %parallel_loop3A_376 = arith.index_cast %parallel_loop3A_375 : i32 to index
          %parallel_loop3A_377 = tpu.vector_load %arg4[%parallel_loop3A_376] {strides = array<i32>} : memref<98304xf32, #tpu.memory_space<vmem>>, vector<16xf32>,
          %parallel_loop3A_378 = vector.shape_cast %parallel_loop3A_377 : vector<16xf32> to vector<16xf32>
          %parallel_loop3A_379 = arith.subf %parallel_loop3A_378, %get3A_280 : vector<16xf32>
          %parallel_loop3A_380 = arith.mulf %parallel_loop3A_379, %parallel_loop3A_379 : vector<16xf32>
          %parallel_loop3A_381 = arith.addf %parallel_loop3A_371, %parallel_loop3A_380 : vector<16xf32>
          %parallel_loop3A_382 = arith.constant 64 : i32
          %parallel_loop3A_383 = arith.addi %parallel_loop3A_310, %parallel_loop3A_382 : i32
          %parallel_loop3A_384 = arith.constant 16 : i32
          %parallel_loop3A_385 = arith.addi %parallel_loop3A_383, %parallel_loop3A_384 : i32
          %parallel_loop3A_386 = arith.index_cast %parallel_loop3A_385 : i32 to index
          %parallel_loop3A_387 = tpu.vector_load %arg4[%parallel_loop3A_386] {strides = array<i32>} : memref<98304xf32, #tpu.memory_space<vmem>>, vector<16xf32>,
          %parallel_loop3A_388 = vector.shape_cast %parallel_loop3A_387 : vector<16xf32> to vector<16xf32>
          %parallel_loop3A_389 = arith.subf %parallel_loop3A_388, %get3A_294 : vector<16xf32>
          %parallel_loop3A_390 = arith.mulf %parallel_loop3A_389, %parallel_loop3A_389 : vector<16xf32>
          %parallel_loop3A_391 = arith.addf %parallel_loop3A_381, %parallel_loop3A_390 : vector<16xf32>
          %parallel_loop3A_392 = tpu.bitcast %parallel_loop3A_391 : vector<16xf32> -> vector<16xi32>
          %parallel_loop3A_393 = arith.constant 1 : i32
          %parallel_loop3A_394 = vector.broadcast %parallel_loop3A_393 : i32 to vector<16xi32>
          %parallel_loop3A_395 = arith.shrui %parallel_loop3A_392, %parallel_loop3A_394 : vector<16xi32>
          %parallel_loop3A_396 = arith.constant 1597463007 : i32
          %parallel_loop3A_397 = vector.broadcast %parallel_loop3A_396 : i32 to vector<16xi32>
          %parallel_loop3A_398 = arith.subi %parallel_loop3A_397, %parallel_loop3A_395 : vector<16xi32>
          %parallel_loop3A_399 = tpu.bitcast %parallel_loop3A_398 : vector<16xi32> -> vector<16xf32>
          %parallel_loop3A_400 = arith.mulf %parallel_loop3A_391, %parallel_loop3A_399 : vector<16xf32>
          %parallel_loop3A_401 = arith.mulf %parallel_loop3A_400, %parallel_loop3A_399 : vector<16xf32>
          %parallel_loop3A_402 = arith.constant 5.000000e-01 : f32
          %parallel_loop3A_403 = vector.broadcast %parallel_loop3A_402 : f32 to vector<16xf32>
          %parallel_loop3A_404 = arith.mulf %parallel_loop3A_403, %parallel_loop3A_401 : vector<16xf32>
          %parallel_loop3A_405 = arith.constant 1.500000e+00 : f32
          %parallel_loop3A_406 = vector.broadcast %parallel_loop3A_405 : f32 to vector<16xf32>
          %parallel_loop3A_407 = arith.subf %parallel_loop3A_406, %parallel_loop3A_404 : vector<16xf32>
          %parallel_loop3A_408 = arith.mulf %parallel_loop3A_400, %parallel_loop3A_407 : vector<16xf32>
          %parallel_loop3A_409 = arith.index_cast %parallel_loop3A_311 : i32 to index
          %parallel_loop3A_410 = arith.constant 16 : index
          %parallel_loop3A_411 = tpu.vector_load %arg6[%parallel_loop3A_409, %parallel_loop3A_410] {strides = array<i32>} : memref<88x32xf32, #tpu.memory_space<vmem>>, vector<1x16xf32>,
          %parallel_loop3A_412 = vector.shape_cast %parallel_loop3A_411 : vector<1x16xf32> to vector<16xf32>
          %parallel_loop3A_413 = vector.shape_cast %parallel_loop3A_408 : vector<16xf32> to vector<1x16xf32>
          tpu.vector_store %arg6[%parallel_loop3A_409, %parallel_loop3A_410], %parallel_loop3A_413 {strides = array<i32>} : memref<88x32xf32, #tpu.memory_space<vmem>>, vector<1x16xf32>,
        } {sc.loop_unroll_factor = 1 : i64, sc.parallel_access}
        %add3A_296 = arith.addi %while3A_245, %max3A_253 : i32
        %ge3A = arith.constant 1024 : i32
        %ge3A_297 = arith.cmpi sge, %add3A_296, %ge3A : i32
        %gt3A = arith.constant 0 : i32
        %gt3A_298 = arith.cmpi sgt, %max3A_253, %gt3A : i32
        %and3A_299 = arith.andi %ge3A_297, %gt3A_298 : i1
        %add3A_300 = arith.constant 1 : i32
        %add3A_301 = arith.addi %while3A_244, %add3A_300 : i32
        %select_n3A_302 = arith.select %and3A_299, %add3A_301, %while3A_244 : i32
        %add3A_303 = arith.constant 2 : i32
        %add3A_304 = arith.addi %while3A_244, %add3A_303 : i32
        %select_n3A_305 = arith.select %and3A_299, %add3A_304, %add3A_296 : i32
        %add3A_306 = arith.addi %while3A_246, %max3A_253 : i32
        scf.yield %select_n3A_302, %select_n3A_305, %add3A_306 : i32, i32, i32
      }
      %while3A_232 = arith.constant 1 : i32
      %while3A_233:3 = scf.for %while3A_243 = %while3A_229 to %while3A_225 step %while3A_232 iter_args(%while3A_244 = %while3A_231#0, %while3A_245 = %while3A_231#1, %while3A_246 = %while3A_231#2) -> (i32, i32, i32)  : i32 {
        %sub3A_247 = arith.constant 1024 : i32
        %sub3A_248 = arith.subi %sub3A_247, %while3A_245 : i32
        %sub3A_249 = arith.constant 88 : i32
        %sub3A_250 = arith.subi %sub3A_249, %while3A_246 : i32
        %min3A_251 = arith.minsi %sub3A_248, %sub3A_250 : i32
        %max3A_252 = arith.constant 0 : i32
        %max3A_253 = arith.maxsi %max3A_252, %min3A_251 : i32
        %mul3A_254 = arith.constant 96 : i32
        %mul3A_255 = arith.muli %while3A_244, %mul3A_254 : i32
        %add3A_256 = arith.constant 0 : i32
        %add3A_257 = arith.addi %mul3A_255, %add3A_256 : i32
        %get3A = arith.index_cast %add3A_257 : i32 to index
        %get3A_258 = tpu.vector_load %arg4[%get3A] {strides = array<i32>} : memref<98304xf32, #tpu.memory_space<vmem>>, vector<16xf32>,
        %get3A_259 = vector.shape_cast %get3A_258 : vector<16xf32> to vector<16xf32>
        %mul3A_260 = arith.constant 96 : i32
        %mul3A_261 = arith.muli %while3A_244, %mul3A_260 : i32
        %add3A_262 = arith.constant 16 : i32
        %add3A_263 = arith.addi %mul3A_261, %add3A_262 : i32
        %get3A_264 = arith.index_cast %add3A_263 : i32 to index
        %get3A_265 = tpu.vector_load %arg4[%get3A_264] {strides = array<i32>} : memref<98304xf32, #tpu.memory_space<vmem>>, vector<16xf32>,
        %get3A_266 = vector.shape_cast %get3A_265 : vector<16xf32> to vector<16xf32>
        %mul3A_267 = arith.constant 96 : i32
        %mul3A_268 = arith.muli %while3A_244, %mul3A_267 : i32
        %add3A_269 = arith.constant 32 : i32
        %add3A_270 = arith.addi %mul3A_268, %add3A_269 : i32
        %get3A_271 = arith.index_cast %add3A_270 : i32 to index
        %get3A_272 = tpu.vector_load %arg4[%get3A_271] {strides = array<i32>} : memref<98304xf32, #tpu.memory_space<vmem>>, vector<16xf32>,
        %get3A_273 = vector.shape_cast %get3A_272 : vector<16xf32> to vector<16xf32>
        %mul3A_274 = arith.constant 96 : i32
        %mul3A_275 = arith.muli %while3A_244, %mul3A_274 : i32
        %add3A_276 = arith.constant 48 : i32
        %add3A_277 = arith.addi %mul3A_275, %add3A_276 : i32
        %get3A_278 = arith.index_cast %add3A_277 : i32 to index
        %get3A_279 = tpu.vector_load %arg4[%get3A_278] {strides = array<i32>} : memref<98304xf32, #tpu.memory_space<vmem>>, vector<16xf32>,
        %get3A_280 = vector.shape_cast %get3A_279 : vector<16xf32> to vector<16xf32>
        %mul3A_281 = arith.constant 96 : i32
        %mul3A_282 = arith.muli %while3A_244, %mul3A_281 : i32
        %add3A_283 = arith.constant 64 : i32
        %add3A_284 = arith.addi %mul3A_282, %add3A_283 : i32
        %get3A_285 = arith.index_cast %add3A_284 : i32 to index
        %get3A_286 = tpu.vector_load %arg4[%get3A_285] {strides = array<i32>} : memref<98304xf32, #tpu.memory_space<vmem>>, vector<16xf32>,
        %get3A_287 = vector.shape_cast %get3A_286 : vector<16xf32> to vector<16xf32>
        %mul3A_288 = arith.constant 96 : i32
        %mul3A_289 = arith.muli %while3A_244, %mul3A_288 : i32
        %add3A_290 = arith.constant 80 : i32
        %add3A_291 = arith.addi %mul3A_289, %add3A_290 : i32
        %get3A_292 = arith.index_cast %add3A_291 : i32 to index
        %get3A_293 = tpu.vector_load %arg4[%get3A_292] {strides = array<i32>} : memref<98304xf32, #tpu.memory_space<vmem>>, vector<16xf32>,
        %get3A_294 = vector.shape_cast %get3A_293 : vector<16xf32> to vector<16xf32>
        %parallel_loop3A = arith.constant 0 : i32
        %parallel_loop3A_295 = arith.constant 1 : i32
        scf.for %parallel_loop3A_307 = %parallel_loop3A to %max3A_253 step %parallel_loop3A_295  : i32 {
          %parallel_loop3A_308 = arith.addi %while3A_245, %parallel_loop3A_307 : i32
          %parallel_loop3A_309 = arith.constant 96 : i32
          %parallel_loop3A_310 = arith.muli %parallel_loop3A_308, %parallel_loop3A_309 : i32
          %parallel_loop3A_311 = arith.addi %while3A_246, %parallel_loop3A_307 : i32
          %parallel_loop3A_312 = arith.constant 0 : i32
          %parallel_loop3A_313 = arith.addi %parallel_loop3A_310, %parallel_loop3A_312 : i32
          %parallel_loop3A_314 = arith.constant 0 : i32
          %parallel_loop3A_315 = arith.addi %parallel_loop3A_313, %parallel_loop3A_314 : i32
          %parallel_loop3A_316 = arith.index_cast %parallel_loop3A_315 : i32 to index
          %parallel_loop3A_317 = tpu.vector_load %arg4[%parallel_loop3A_316] {strides = array<i32>} : memref<98304xf32, #tpu.memory_space<vmem>>, vector<16xf32>,
          %parallel_loop3A_318 = vector.shape_cast %parallel_loop3A_317 : vector<16xf32> to vector<16xf32>
          %parallel_loop3A_319 = arith.subf %parallel_loop3A_318, %get3A_259 : vector<16xf32>
          %parallel_loop3A_320 = arith.mulf %parallel_loop3A_319, %parallel_loop3A_319 : vector<16xf32>
          %parallel_loop3A_321 = arith.constant 32 : i32
          %parallel_loop3A_322 = arith.addi %parallel_loop3A_310, %parallel_loop3A_321 : i32
          %parallel_loop3A_323 = arith.constant 0 : i32
          %parallel_loop3A_324 = arith.addi %parallel_loop3A_322, %parallel_loop3A_323 : i32
          %parallel_loop3A_325 = arith.index_cast %parallel_loop3A_324 : i32 to index
          %parallel_loop3A_326 = tpu.vector_load %arg4[%parallel_loop3A_325] {strides = array<i32>} : memref<98304xf32, #tpu.memory_space<vmem>>, vector<16xf32>,
          %parallel_loop3A_327 = vector.shape_cast %parallel_loop3A_326 : vector<16xf32> to vector<16xf32>
          %parallel_loop3A_328 = arith.subf %parallel_loop3A_327, %get3A_273 : vector<16xf32>
          %parallel_loop3A_329 = arith.mulf %parallel_loop3A_328, %parallel_loop3A_328 : vector<16xf32>
          %parallel_loop3A_330 = arith.addf %parallel_loop3A_320, %parallel_loop3A_329 : vector<16xf32>
          %parallel_loop3A_331 = arith.constant 64 : i32
          %parallel_loop3A_332 = arith.addi %parallel_loop3A_310, %parallel_loop3A_331 : i32
          %parallel_loop3A_333 = arith.constant 0 : i32
          %parallel_loop3A_334 = arith.addi %parallel_loop3A_332, %parallel_loop3A_333 : i32
          %parallel_loop3A_335 = arith.index_cast %parallel_loop3A_334 : i32 to index
          %parallel_loop3A_336 = tpu.vector_load %arg4[%parallel_loop3A_335] {strides = array<i32>} : memref<98304xf32, #tpu.memory_space<vmem>>, vector<16xf32>,
          %parallel_loop3A_337 = vector.shape_cast %parallel_loop3A_336 : vector<16xf32> to vector<16xf32>
          %parallel_loop3A_338 = arith.subf %parallel_loop3A_337, %get3A_287 : vector<16xf32>
          %parallel_loop3A_339 = arith.mulf %parallel_loop3A_338, %parallel_loop3A_338 : vector<16xf32>
          %parallel_loop3A_340 = arith.addf %parallel_loop3A_330, %parallel_loop3A_339 : vector<16xf32>
          %parallel_loop3A_341 = tpu.bitcast %parallel_loop3A_340 : vector<16xf32> -> vector<16xi32>
          %parallel_loop3A_342 = arith.constant 1 : i32
          %parallel_loop3A_343 = vector.broadcast %parallel_loop3A_342 : i32 to vector<16xi32>
          %parallel_loop3A_344 = arith.shrui %parallel_loop3A_341, %parallel_loop3A_343 : vector<16xi32>
          %parallel_loop3A_345 = arith.constant 1597463007 : i32
          %parallel_loop3A_346 = vector.broadcast %parallel_loop3A_345 : i32 to vector<16xi32>
          %parallel_loop3A_347 = arith.subi %parallel_loop3A_346, %parallel_loop3A_344 : vector<16xi32>
          %parallel_loop3A_348 = tpu.bitcast %parallel_loop3A_347 : vector<16xi32> -> vector<16xf32>
          %parallel_loop3A_349 = arith.mulf %parallel_loop3A_340, %parallel_loop3A_348 : vector<16xf32>
          %parallel_loop3A_350 = arith.mulf %parallel_loop3A_349, %parallel_loop3A_348 : vector<16xf32>
          %parallel_loop3A_351 = arith.constant 5.000000e-01 : f32
          %parallel_loop3A_352 = vector.broadcast %parallel_loop3A_351 : f32 to vector<16xf32>
          %parallel_loop3A_353 = arith.mulf %parallel_loop3A_352, %parallel_loop3A_350 : vector<16xf32>
          %parallel_loop3A_354 = arith.constant 1.500000e+00 : f32
          %parallel_loop3A_355 = vector.broadcast %parallel_loop3A_354 : f32 to vector<16xf32>
          %parallel_loop3A_356 = arith.subf %parallel_loop3A_355, %parallel_loop3A_353 : vector<16xf32>
          %parallel_loop3A_357 = arith.mulf %parallel_loop3A_349, %parallel_loop3A_356 : vector<16xf32>
          %parallel_loop3A_358 = arith.index_cast %parallel_loop3A_311 : i32 to index
          %parallel_loop3A_359 = arith.constant 0 : index
          %parallel_loop3A_360 = tpu.vector_load %arg6[%parallel_loop3A_358, %parallel_loop3A_359] {strides = array<i32>} : memref<88x32xf32, #tpu.memory_space<vmem>>, vector<1x16xf32>,
          %parallel_loop3A_361 = vector.shape_cast %parallel_loop3A_360 : vector<1x16xf32> to vector<16xf32>
          %parallel_loop3A_362 = vector.shape_cast %parallel_loop3A_357 : vector<16xf32> to vector<1x16xf32>
          tpu.vector_store %arg6[%parallel_loop3A_358, %parallel_loop3A_359], %parallel_loop3A_362 {strides = array<i32>} : memref<88x32xf32, #tpu.memory_space<vmem>>, vector<1x16xf32>,
          %parallel_loop3A_363 = arith.constant 0 : i32
          %parallel_loop3A_364 = arith.addi %parallel_loop3A_310, %parallel_loop3A_363 : i32
          %parallel_loop3A_365 = arith.constant 16 : i32
          %parallel_loop3A_366 = arith.addi %parallel_loop3A_364, %parallel_loop3A_365 : i32
          %parallel_loop3A_367 = arith.index_cast %parallel_loop3A_366 : i32 to index
          %parallel_loop3A_368 = tpu.vector_load %arg4[%parallel_loop3A_367] {strides = array<i32>} : memref<98304xf32, #tpu.memory_space<vmem>>, vector<16xf32>,
          %parallel_loop3A_369 = vector.shape_cast %parallel_loop3A_368 : vector<16xf32> to vector<16xf32>
          %parallel_loop3A_370 = arith.subf %parallel_loop3A_369, %get3A_266 : vector<16xf32>
          %parallel_loop3A_371 = arith.mulf %parallel_loop3A_370, %parallel_loop3A_370 : vector<16xf32>
          %parallel_loop3A_372 = arith.constant 32 : i32
          %parallel_loop3A_373 = arith.addi %parallel_loop3A_310, %parallel_loop3A_372 : i32
          %parallel_loop3A_374 = arith.constant 16 : i32
          %parallel_loop3A_375 = arith.addi %parallel_loop3A_373, %parallel_loop3A_374 : i32
          %parallel_loop3A_376 = arith.index_cast %parallel_loop3A_375 : i32 to index
          %parallel_loop3A_377 = tpu.vector_load %arg4[%parallel_loop3A_376] {strides = array<i32>} : memref<98304xf32, #tpu.memory_space<vmem>>, vector<16xf32>,
          %parallel_loop3A_378 = vector.shape_cast %parallel_loop3A_377 : vector<16xf32> to vector<16xf32>
          %parallel_loop3A_379 = arith.subf %parallel_loop3A_378, %get3A_280 : vector<16xf32>
          %parallel_loop3A_380 = arith.mulf %parallel_loop3A_379, %parallel_loop3A_379 : vector<16xf32>
          %parallel_loop3A_381 = arith.addf %parallel_loop3A_371, %parallel_loop3A_380 : vector<16xf32>
          %parallel_loop3A_382 = arith.constant 64 : i32
          %parallel_loop3A_383 = arith.addi %parallel_loop3A_310, %parallel_loop3A_382 : i32
          %parallel_loop3A_384 = arith.constant 16 : i32
          %parallel_loop3A_385 = arith.addi %parallel_loop3A_383, %parallel_loop3A_384 : i32
          %parallel_loop3A_386 = arith.index_cast %parallel_loop3A_385 : i32 to index
          %parallel_loop3A_387 = tpu.vector_load %arg4[%parallel_loop3A_386] {strides = array<i32>} : memref<98304xf32, #tpu.memory_space<vmem>>, vector<16xf32>,
          %parallel_loop3A_388 = vector.shape_cast %parallel_loop3A_387 : vector<16xf32> to vector<16xf32>
          %parallel_loop3A_389 = arith.subf %parallel_loop3A_388, %get3A_294 : vector<16xf32>
          %parallel_loop3A_390 = arith.mulf %parallel_loop3A_389, %parallel_loop3A_389 : vector<16xf32>
          %parallel_loop3A_391 = arith.addf %parallel_loop3A_381, %parallel_loop3A_390 : vector<16xf32>
          %parallel_loop3A_392 = tpu.bitcast %parallel_loop3A_391 : vector<16xf32> -> vector<16xi32>
          %parallel_loop3A_393 = arith.constant 1 : i32
          %parallel_loop3A_394 = vector.broadcast %parallel_loop3A_393 : i32 to vector<16xi32>
          %parallel_loop3A_395 = arith.shrui %parallel_loop3A_392, %parallel_loop3A_394 : vector<16xi32>
          %parallel_loop3A_396 = arith.constant 1597463007 : i32
          %parallel_loop3A_397 = vector.broadcast %parallel_loop3A_396 : i32 to vector<16xi32>
          %parallel_loop3A_398 = arith.subi %parallel_loop3A_397, %parallel_loop3A_395 : vector<16xi32>
          %parallel_loop3A_399 = tpu.bitcast %parallel_loop3A_398 : vector<16xi32> -> vector<16xf32>
          %parallel_loop3A_400 = arith.mulf %parallel_loop3A_391, %parallel_loop3A_399 : vector<16xf32>
          %parallel_loop3A_401 = arith.mulf %parallel_loop3A_400, %parallel_loop3A_399 : vector<16xf32>
          %parallel_loop3A_402 = arith.constant 5.000000e-01 : f32
          %parallel_loop3A_403 = vector.broadcast %parallel_loop3A_402 : f32 to vector<16xf32>
          %parallel_loop3A_404 = arith.mulf %parallel_loop3A_403, %parallel_loop3A_401 : vector<16xf32>
          %parallel_loop3A_405 = arith.constant 1.500000e+00 : f32
          %parallel_loop3A_406 = vector.broadcast %parallel_loop3A_405 : f32 to vector<16xf32>
          %parallel_loop3A_407 = arith.subf %parallel_loop3A_406, %parallel_loop3A_404 : vector<16xf32>
          %parallel_loop3A_408 = arith.mulf %parallel_loop3A_400, %parallel_loop3A_407 : vector<16xf32>
          %parallel_loop3A_409 = arith.index_cast %parallel_loop3A_311 : i32 to index
          %parallel_loop3A_410 = arith.constant 16 : index
          %parallel_loop3A_411 = tpu.vector_load %arg6[%parallel_loop3A_409, %parallel_loop3A_410] {strides = array<i32>} : memref<88x32xf32, #tpu.memory_space<vmem>>, vector<1x16xf32>,
          %parallel_loop3A_412 = vector.shape_cast %parallel_loop3A_411 : vector<1x16xf32> to vector<16xf32>
          %parallel_loop3A_413 = vector.shape_cast %parallel_loop3A_408 : vector<16xf32> to vector<1x16xf32>
          tpu.vector_store %arg6[%parallel_loop3A_409, %parallel_loop3A_410], %parallel_loop3A_413 {strides = array<i32>} : memref<88x32xf32, #tpu.memory_space<vmem>>, vector<1x16xf32>,
        } {sc.loop_unroll_factor = 1 : i64, sc.parallel_access}
        %add3A_296 = arith.addi %while3A_245, %max3A_253 : i32
        %ge3A = arith.constant 1024 : i32
        %ge3A_297 = arith.cmpi sge, %add3A_296, %ge3A : i32
        %gt3A = arith.constant 0 : i32
        %gt3A_298 = arith.cmpi sgt, %max3A_253, %gt3A : i32
        %and3A_299 = arith.andi %ge3A_297, %gt3A_298 : i1
        %add3A_300 = arith.constant 1 : i32
        %add3A_301 = arith.addi %while3A_244, %add3A_300 : i32
        %select_n3A_302 = arith.select %and3A_299, %add3A_301, %while3A_244 : i32
        %add3A_303 = arith.constant 2 : i32
        %add3A_304 = arith.addi %while3A_244, %add3A_303 : i32
        %select_n3A_305 = arith.select %and3A_299, %add3A_304, %add3A_296 : i32
        %add3A_306 = arith.addi %while3A_246, %max3A_253 : i32
        scf.yield %select_n3A_302, %select_n3A_305, %add3A_306 : i32, i32, i32
      }
      %add3A_234 = arith.constant 1 : i32
      %add3A_235 = arith.addi %add3A_124, %add3A_234 : i32
      %mul3A_236 = arith.constant 88 : i32
      %mul3A_237 = arith.muli %add3A_235, %mul3A_236 : i32
      %add3A_238 = arith.addi %mul3A_2, %mul3A_237 : i32
      %dma_start3A_239 = arith.constant 0 : i32
      %dma_start3A_240 = tpu.memref_slice %arg3[%add3A_238, %dma_start3A_239] : memref<523776x32xf32, #tpu.memory_space<hbm>> -> memref<88x32xf32, #tpu.memory_space<hbm>>
      %dma_start3A_241 = arith.constant 0 : i32
      %dma_start3A_242 = tpu.memref_slice %arg3[%add3A_238, %dma_start3A_241] : memref<523776x32xf32, #tpu.memory_space<hbm>> -> memref<88x32xf32, #tpu.memory_space<hbm>>
      tpu.enqueue_dma source(%arg6 : memref<88x32xf32, #tpu.memory_space<vmem>>) target(%dma_start3A_242 : memref<88x32xf32, #tpu.memory_space<hbm>>) target_semaphore(%arg8 : memref<!tpu.dma_semaphore, #tpu.memory_space<semaphore_mem>>)
      scf.yield %while3A_233#0, %while3A_233#1 : i32, i32
    }
    %scan3A_106 = arith.constant 92 : i32
    %add3A_107 = arith.constant 0 : i32
    %add3A_108 = arith.addi %mul3A_2, %add3A_107 : i32
    %dma_wait3A = arith.constant 0 : i32
    %dma_wait3A_109 = tpu.memref_slice %arg3[%add3A_108, %dma_wait3A] : memref<523776x32xf32, #tpu.memory_space<hbm>> -> memref<88x32xf32, #tpu.memory_space<hbm>>
    %dma_wait3A_110 = arith.constant 0 : i32
    %dma_wait3A_111 = tpu.memref_slice %arg3[%add3A_108, %dma_wait3A_110] : memref<523776x32xf32, #tpu.memory_space<hbm>> -> memref<88x32xf32, #tpu.memory_space<hbm>>
    tpu.wait_dma2 semaphore(%arg7 : memref<!tpu.dma_semaphore, #tpu.memory_space<semaphore_mem>>) src(%arg5 : memref<88x32xf32, #tpu.memory_space<vmem>>) dst(%dma_wait3A_111 : memref<88x32xf32, #tpu.memory_space<hbm>>)
    %add3A_112 = arith.constant 0 : i32
    %add3A_113 = arith.addi %mul3A_2, %add3A_112 : i32
    %dma_wait3A_114 = arith.constant 0 : i32
    %dma_wait3A_115 = tpu.memref_slice %arg3[%add3A_113, %dma_wait3A_114] : memref<523776x32xf32, #tpu.memory_space<hbm>> -> memref<88x32xf32, #tpu.memory_space<hbm>>
    %dma_wait3A_116 = arith.constant 0 : i32
    %dma_wait3A_117 = tpu.memref_slice %arg3[%add3A_113, %dma_wait3A_116] : memref<523776x32xf32, #tpu.memory_space<hbm>> -> memref<88x32xf32, #tpu.memory_space<hbm>>
    tpu.wait_dma2 semaphore(%arg8 : memref<!tpu.dma_semaphore, #tpu.memory_space<semaphore_mem>>) src(%arg6 : memref<88x32xf32, #tpu.memory_space<vmem>>) dst(%dma_wait3A_117 : memref<88x32xf32, #tpu.memory_space<hbm>>)
    return
  }
}

</mosaic_0001>

<sc_bundles>
// kernel: kernel.3.cloned.1.call-start
scs
__scs_entry_jumppad:
0x0: {  	(pc) =	sbr.rel $0x88, $3  }
0x1: {  	(tag) =	ssettag $0x0;
	lr =	simm.s32 $0x1  }
0x2: {  	[smem:$0x3FA0] =	sst lr;
	_ =	strace $0xD0000000  }
0x3: {  	_ = 	snop  }
0x4: {  	_ = 	snop  }
0x5: {  	_ = 	snop  }
0x6: {  	_ = 	snop  }
0x7: {  	_ = 	snop  }
__scs_overlays_trampoline_lowered:
0x8: {  	[smem:$0x3FAF] =	sst s0  }
0x9: {  	[smem:$0x3FB0] =	sst s1  }
0xa: {  	[smem:$0x3FB1] =	sst s2  }
0xb: {  	[smem:$0x3FB2] =	sst s3  }
0xc: {  	[smem:$0x3FB3] =	sst s4  }
0xd: {  	[smem:$0x3FB4] =	sst s5  }
0xe: {  	[smem:$0x3FB5] =	sst s6  }
0xf: {  	[smem:$0x3FB6] =	sst s7  }
0x10: {  	[smem:$0x3FB7] =	sst s8  }
0x11: {  	[smem:$0x3FB8] =	sst s9;
	s0 =	simm.s32 @!p0 $0x0  }
0x12: {  	s1 =	sld [smem:$0x3F9E];
	s0 =	simm.s32 @p0 $0x1  }
0x13: {  	[smem:$0x3FB9] =	sst s0;
	s0 =	simm.s32 @!p1 $0x0  }
0x14: {  	s2 =	sld [smem:$0x3F9D];
	s0 =	simm.s32 @p1 $0x1  }
0x15: {  	[smem:$0x3FBA] =	sst s0;
	s0 =	simm.s32 @!p2 $0x0  }
0x16: {  	s3 =	sld [smem:$0x3FDB];
	s0 =	simm.s32 @p2 $0x1  }
0x17: {  	s4 =	simm.s32 $0x1BF5;
	[smem:$0x3FBC] =	sst s0  }
0x18: {  	s0 =	sld [smem:$0x3F9F];
	_ =	swait.ge [sflag:s4], $0x0  }
0x19: {  	s7 =	sld [smem:$0x3FA0]  }
0x1a: {  	s8 =	sadd.s32 $0xFFFFE003, lr  }
0x1b: {  	s9 =	sadd.s32 $0xFFFFFEF7, lr;
	s5 =	simm.s32 $0xFFFFFFFF;
	p2 =	slt.u32 s8, $0xFFFFF086  }
0x1c: {  	p1 =	slt.u32 s9, $0xF7A;
	s5 =	simm.s32 @!p2 $0x0  }
0x1d: {  	s5 =	simm.s32 @p1 $0x1;
	p0 =	seq.s32 s7, s2  }
0x1e: {  	s7 =	smul.u32 @!p0 $0xF7A, s2;
	p2 =	seq.s32 @!p0 s5, $0x0  }
0x1f: {  	s9 =	smul.u32 $0xF7A, s1;
	s8 =	simm.s32 @!p0 $0x1BF5;
	p2 =	por !p2, p0  }
0x20: {  	[sflag:s8] =	ssyncset.s32 @!p0 $0xFFFFF086;
	s6 =	sadd.s32 @!p0 s3, s7;
	s7 =	simm.s32 @!p0 $0x108  }
0x21: {  	s3 =	sadd.s32 s3, s9;
	s6 =	sadd.s32 @!p0 $0x88, s6;
	s7 =	simm.s32 @p2 $0x1082  }
0x22: {  	[simem:s7], [sflag:s8] =	dma.local @!p0 [hbm:s6], $0xF7A  }
0x23: {  	s9 =	sor.u32 $0xD0000000, s2;
	s6 =	simm.s32 $0x108;
	_ =	swait.ge @!p0 [sflag:s8], $0x0  }
0x24: {  	s3 =	sadd.s32 $0x88, s3;
	s6 =	simm.s32 @!p1 $0x1082;
	[sflag:s4] =	ssyncset.s32 $0xFFFFF086  }
0x25: {  	[simem:s6], [sflag:s4] =	dma.local [hbm:s3], $0xF7A  }
0x26: {  	[smem:$0x3FA0] =	sst s1;
	(tag) =	ssettag s2;
	_ =	strace s9  }
0x27: {  	s1 =	sld [smem:$0x3FB0]  }
0x28: {  	s2 =	sld [smem:$0x3FB1]  }
0x29: {  	s4 =	sld [smem:$0x3FB3]  }
0x2a: {  	p0 =	seq.s32 s5, $0x0;
	s5 =	sld [smem:$0x3FB4]  }
0x2b: {  	s6 =	sld [smem:$0x3FB5]  }
0x2c: {  	s7 =	sld [smem:$0x3FB6]  }
0x2d: {  	s3 =	simm.s32 $0x108;
	s8 =	sld [smem:$0x3FB7]  }
0x2e: {  	s3 =	simm.s32 @!p0 $0x1082;
	s9 =	sld [smem:$0x3FB8]  }
0x2f: {  	lr =	sadd.s32 s0, s3;
	s0 =	sld [smem:$0x3FAF]  }
0x30: {  	s3 =	sld [smem:$0x3FB2]  }
0x31: {  	[smem:$0x3FBB] =	sst s10  }
0x32: {  	s10 =	sld [smem:$0x3FB9];
	_ =	sdelay $0x3  }
0x33: {  	p0 =	seq.s32 s10, $0x1;
	s10 =	sld [smem:$0x3FBB];
	_ =	sdelay $0x3  }
0x34: {  	[smem:$0x3FBB] =	sst s10  }
0x35: {  	s10 =	sld [smem:$0x3FBA];
	_ =	sdelay $0x3  }
0x36: {  	p1 =	seq.s32 s10, $0x1;
	s10 =	sld [smem:$0x3FBB];
	_ =	sdelay $0x3  }
0x37: {  	[smem:$0x3FBB] =	sst s10  }
0x38: {  	s10 =	sld [smem:$0x3FBC]  }
0x39: {  	_ = 	snop;
	(pc) =	sbr.ind lr, $3  }
0x3a: {  	_ = 	snop  }
0x3b: {  	_ = 	snop  }
0x3c: {  	p2 =	seq.s32 s10, $0x1;
	s10 =	sld [smem:$0x3FBB]  }
0x3d: {  	_ =	shalt  }
0x3e: {  	_ =	shalt  }
0x3f: {  	_ =	shalt  }
0x40: {  	_ =	shalt  }
0x41: {  	_ =	shalt  }
0x42: {  	_ =	shalt  }
0x43: {  	_ =	shalt  }
0x44: {  	_ =	shalt  }
0x45: {  	_ =	shalt  }
0x46: {  	_ =	shalt  }
0x47: {  	_ =	shalt  }
0x48: {  	_ =	shalt  }
0x49: {  	_ =	shalt  }
0x4a: {  	_ =	shalt  }
0x4b: {  	_ =	shalt  }
0x4c: {  	_ =	shalt  }
0x4d: {  	_ =	shalt  }
0x4e: {  	_ =	shalt  }
0x4f: {  	_ =	shalt  }
0x50: {  	_ =	shalt  }
0x51: {  	_ =	shalt  }
0x52: {  	_ =	shalt  }
0x53: {  	_ =	shalt  }
0x54: {  	_ =	shalt  }
0x55: {  	_ =	shalt  }
0x56: {  	_ =	shalt  }
0x57: {  	_ =	shalt  }
0x58: {  	_ =	shalt  }
0x59: {  	_ =	shalt  }
0x5a: {  	_ =	shalt  }
0x5b: {  	_ =	shalt  }
0x5c: {  	_ =	shalt  }
0x5d: {  	_ =	shalt  }
0x5e: {  	_ =	shalt  }
0x5f: {  	_ =	shalt  }
0x60: {  	_ =	shalt  }
0x61: {  	_ =	shalt  }
0x62: {  	_ =	shalt  }
0x63: {  	_ =	shalt  }
0x64: {  	_ =	shalt  }
0x65: {  	_ =	shalt  }
0x66: {  	_ =	shalt  }
0x67: {  	_ =	shalt  }
0x68: {  	_ =	shalt  }
0x69: {  	_ =	shalt  }
0x6a: {  	_ =	shalt  }
0x6b: {  	_ =	shalt  }
0x6c: {  	_ =	shalt  }
0x6d: {  	_ =	shalt  }
0x6e: {  	_ =	shalt  }
0x6f: {  	_ =	shalt  }
0x70: {  	_ =	shalt  }
0x71: {  	_ =	shalt  }
0x72: {  	_ =	shalt  }
0x73: {  	_ =	shalt  }
0x74: {  	_ =	shalt  }
0x75: {  	_ =	shalt  }
0x76: {  	_ =	shalt  }
0x77: {  	_ =	shalt  }
0x78: {  	_ =	shalt  }
0x79: {  	_ =	shalt  }
0x7a: {  	_ =	shalt  }
0x7b: {  	_ =	shalt  }
0x7c: {  	_ =	shalt  }
0x7d: {  	_ =	shalt  }
0x7e: {  	_ =	shalt  }
0x7f: {  	_ =	shalt  }
0x80: {  	_ =	shalt  }
0x81: {  	_ =	shalt  }
0x82: {  	_ =	shalt  }
0x83: {  	_ =	shalt  }
0x84: {  	_ =	shalt  }
0x85: {  	_ =	shalt  }
0x86: {  	_ =	shalt  }
0x87: {  	_ =	shalt  }
.Lfunc_end0:
.L_simem_size_0:
called_computation_lowered:
.L_overlay_start_0:
0x88: {  	s2 =	sld [smem:$0x3FD9]  }
0x89: {  	s3 =	sld [smem:$0x3FFE];
	_ =	sdelay $0x1  }
0x8a: {  	s1 =	srdreg.scid  }
0x8b: {  	s0 =	sand.u32 $0x1, s1  }
0x8c: {  	s17 =	sshll.u32 s0, $0xA;
	s2 =	sadd.s32 s3, s2  }
0x8d: {  	s2 =	sadd.s32 s2, s17  }
0x8e: {  	[smem:$0x3FC7] =	sst s2  }
0x8f: {  	_ = 	snop  }
0x90: {  	s2 =	sld [smem:$0x3FD0];
	(tm) =	ssettm $0x1  }
0x91: {  	s18 =	sld [smem:$0x3FFB];
	_ =	sdelay $0x3  }
0x92: {  	_ =	strace s18  }
0x93: {  	s3 =	sld [smem:$0x3FFC];
	_ =	sdelay $0x3  }
0x94: {  	_ =	strace s3  }
0x95: {  	s3 =	sld [smem:$0x3FFD];
	_ =	sdelay $0x3  }
0x96: {  	_ =	strace s3  }
0x97: {  	_ =	strace $0x8FFFFFFF  }
0x98: {  	s19 =	sld [smem:$0x3FDB];
	_ =	sdelay $0x1  }
0x99: {  	s4 =	simm.s32 $_scs_section_size  }
0x9a: {  	s5 =	simm.s32 $_size__tile_overlayer_lowered;
	s6 =	simm.s32 $_tile_overlayer_lowered  }
0x9b: {  	s22 =	simm.s32 $0x1BFF;
	s21 =	sshll.u32 s6, $0x1;
	s3 =	sadd.s32 s4, s19  }
0x9c: {  	s7 =	simm.s32 $0x0;
	s20 =	sshll.u32 s5, $0x1;
	s5 =	sadd.s32 s21, s3  }
0x9d: {  	[timem:s7], [sflag:s22] =	dma.local [hbm:s5], s20  }
0x9e: {  	_ =	swait.ge [sflag:s22], s20  }
0x9f: {  	s4 =	ssub.s32 $0x0, s20;
	[sflag:s22] =	ssyncset.done $0x0  }
0xa0: {  	[sflag:s22] =	ssyncadd.s32 s4;
	_ =	sdelay $0x1  }
0xa1: {  	s23 =	simm.s32 $0x1B8B  }
0xa2: {  	_ =	swait.ge [sflag:s23], $0x1  }
0xa3: {  	[sflag:s23] =	ssyncset.done $0x0  }
0xa4: {  	s25 =	simm.s32 $0x1B8E;
	s24 =	sld [smem:$0x3FFE];
	[sflag:s23] =	ssyncadd.s32 $0xFFFFFFFF  }
0xa5: {  	s26 =	simm.s32 $execute0_lowered;
	[smem:$0x3FD2] =	sst s25  }
0xa6: {  	s5 =	sshll.u32 s26, $0x1;
	_ =	strace $0x80000046;
	[dreg:$0x1] =	wrdreg $0xFFFFFFFF  }
0xa7: {  	s28 =	simm.s32 $_size_execute0_lowered;
	s3 =	sadd.s32 s3, s5;
	[dreg:$0x0] =	wrdreg $0x0  }
0xa8: {  	s5 =	sshll.u32 s28, $0x1;
	[dreg:$0x2] =	wrdreg s3  }
0xa9: {  	[dreg:$0x3] =	wrdreg s5  }
0xaa: {  	[dreg:$0x4] =	wrdreg $0xC0  }
0xab: {  	_ =	task [dreg:s7], $0x5FFFF  }
0xac: {  	[dreg:$0x1] =	wrdreg $0xFFFFFFFF  }
0xad: {  	[dreg:$0x0] =	wrdreg $0x60  }
0xae: {  	[dreg:$0x2] =	wrdreg s2  }
0xaf: {  	[dreg:$0x3] =	wrdreg s24  }
0xb0: {  	[dreg:$0x4] =	wrdreg $0x9  }
0xb1: {  	_ =	task.clear_ibuf [dreg:s7], $0x5FFFF;
	_ =	strace $0x90000046  }
0xb2: {  	s29 =	simm.s32 $0x9;
	_ =	strace $0x80000048  }
0xb3: {  	_ =	swait.ge [sflag:s29], $0x1  }
0xb4: {  	[sflag:s29] =	ssyncadd.s32 $0xFFFFFFFF  }
0xb5: {  	_ =	strace $0x90000048  }
0xb6: {  	_ =	sfence  }
0xb7: {  	s30 =	sld [smem:$0x0];
	_ =	sdelay $0x2  }
0xb8: {  	s31 =	sshll.u32 s1, $0xD;
	s1 =	sshrl.u32 s1, $0x2  }
0xb9: {  	s3 =	sand.u32 $0x4000, s31;
	s1 =	sadd.s32 s1, s30  }
0xba: {  	s0 =	sor.u32 s3, s0;
	s1 =	sshll.u32 s1, $0x11  }
0xbb: {  	s0 =	sor.u32 s1, s0  }
0xbc: {  	s0 =	sadd.s32 $0x8F2B, s0  }
0xbd: {  	[sflag:s0] =	ssyncadd.remote.s32 $0x1  }
0xbe: {  	_ =	sfence.sel $0xFFFF  }
0xbf: {  	[dreg:$0x0] =	wrdreg $0xFFFFFFFF;
	(pc) =	sbr.abs _section_cstart, $3  }
0xc0: {  	[dreg:$0x1] =	wrdreg $0xFFFFFFFF  }
0xc1: {  	_ =	task.clear_ibuf [dreg:s7], $0x2FFFF;
	_ =	strace $0x9FFFFFFF  }
0xc2: {  	(tm) =	ssettm $0x7FFFFFFF  }
0xc3: {  	_ =	shalt  }
tec
execute0_lowered:
.L_overlay_start_1:
0x0: {  	(tag) =	ssettag $0x1  }
0x1: {  	s0 =	srdreg.scid  }
0x2: {  	s2 =	stileid.u32;
	s1 =	rddreg [dreg:$0x1];
	s3 =	simm.s32 $0x0  }
0x3: {  	s11 =	simm.s32 $0x3;
	s0 =	sand.u32 $0x1, s0;
	s2 =	sshll.u32 s2, $0x1  }
0x4: {  	s12 =	simm.s32 $0x1;
	s13 =	simm.s32 $0x58;
	s2 =	sor.u32 s0, s2  }
0x5: {  	s14 =	simm.s32 $0x18000;
	s15 =	simm.s32 $0x1AC00;
	s6 =	smul.u32 $0x1FF800, s2  }
0x6: {  	s16 =	simm.s32 $0x2;
	[smem:$0x7FF] =	sst s3;
	s5 =	smul.u32 $0x3FF0, s2  }
0x7: {  	s4 =	sadd.s32 $0x400, s1;
	s0 =	ssub.s32 $0x2, s0;
	s2 =	smul.u32 $0x3FF00, s2  }
.Ltmp0:
0x8: {  	_ =	strace $0x80000047;
	s30 =	sshrl.u32 s0, $0x1;
	(pc) =	sbr.rel .LBB2_1-.Ltmp0, $4  }
0x9: {  	s0 =	ssub.s32 s0, s30;
	s6 =	sshrl.u32 s6, $0x3;
	s2 =	sadd.s32 s4, s2  }
0xa: {  	s0 =	smax.u32 s0, $0x1;
	s31 =	sadd.s32 s4, s6;
	[dreg:$0x3] =	wrdreg s2  }
0xb: {  	s17 =	simm.s32 $0x0;
	[dreg:$0x5] =	wrdreg s0;
	s1 =	sadd.s32 $0x580, s31  }
0xc: {  	s8 =	sadd.s32 $0xB0, s5;
	s9 =	sadd.s32 $0x108, s5;
	[dreg:$0x4] =	wrdreg s1  }
.LBB2_77:
0xd: {  	_ =	swait.ge [sflag:s12], $0x2C00  }
0xe: {  	[sflag:s12] =	ssyncset.done $0x0  }
0xf: {  	[sflag:s12] =	ssyncadd.s32 $0xFFFFD400  }
0x10: {  	_ =	swait.ge [sflag:s16], $0x2C00  }
0x11: {  	s17 =	sadd.s32 $0x1, s17;
	s0 =	rddreg [dreg:$0x5]  }
0x12: {  	p0 =	sne.s32 s17, s0  }
.Ltmp1:
0x13: {  	_ = 	snop;
	(pc) =	sbr.rel @!p0 .LBB2_78-.Ltmp1, $3  }
0x14: {  	_ =	sdelay $0x1  }
0x15: {  	[sflag:s16] =	ssyncset.done $0x0  }
0x16: {  	[sflag:s16] =	ssyncadd.s32 $0xFFFFD400  }
.LBB2_1:
0x17: {  	s0 =	rddreg [dreg:$0x0];
	p0 =	por $0x0, $0x0;
	p1 =	slt.s32 s5, $0x3FF  }
0x18: {  	s1 =	simm.s32 $0x3FE;
	s6 =	simm.s32 $0x1;
	s2 =	simm.s32 $0x0  }
0x19: {  	[tilespmem:s3], [sflag:$0x3] =	stream.linear.gather [hbm4b:s0+s3], $0x18000, $0x38;
	[tilespmem:$0x1D800] =	vst v63  }
0x1a: {  	s0 =	simm.s32 $0x3FF;
	p0 =	por p1, p0;
	_ =	swait.ge [sflag:s11], $0x18000  }
0x1b: {  	p1 =	por !p0, !p0;
	s0 =	simm.s32 @p0 $0x0;
	[sflag:s11] =	ssyncset.done $0x0  }
0x1c: {  	s6 =	simm.s32 @!p1 $0x0;
	s0 =	ssub.s32 s5, s0;
	[sflag:s11] =	ssyncadd.s32 $0xFFFE8000  }
.LBB2_2:
0x1d: {  	p1 =	slt.s32 s0, s1  }
0x1e: {  	s2 =	sadd.s32 s6, s2;
	s7 =	smov.u32 s1;
	p2 =	sne.s32 s1, $0x0  }
.Ltmp2:
0x1f: {  	s1 =	sadd.s32 $0xFFFFFFFF, s1;
	(pc) =	sbr.rel @p2 .LBB2_2-.Ltmp2, $4  }
0x20: {  	_ = 	snop  }
0x21: {  	p0 =	por p1, p0  }
0x22: {  	s6 =	simm.s32 $0x1;
	p1 =	por !p0, !p0;
	s7 =	simm.s32 @p0 $0x0  }
0x23: {  	s6 =	simm.s32 @!p1 $0x0;
	s0 =	ssub.s32 s0, s7  }
0x24: {  	s20 =	sadd.s32 s6, s2  }
0x25: {  	s1 =	ssub.s32 $0x3F2, s20  }
0x26: {  	p0 =	sgt.s32 s1, $0x1  }
0x27: {  	s1 =	simm.s32 @!p0 $0x1  }
0x28: {  	(drf) =	sdiv.u32 s13, s1;
	_ =	sdelay $0x6  }
.Ltmp3:
0x29: {  	_ = 	snop;
	(pc) =	sbr.rel .LBB2_4-.Ltmp3, $4  }
0x2a: {  	_ = 	snop  }
0x2b: {  	s1 =	spop (drf)  }
0x2c: {  	s22 =	simm.s32 $0x0;
	s0 =	sadd.s32 s0, s20;
	s31 =	smin.u32 s1, $0xC  }
0x2d: {  	s23 =	simm.s32 $0x0;
	s18 =	sadd.s32 $0x1, s0;
	s21 =	sadd.s32 $0x2, s31  }
.LBB2_6:
0x2e: {  	s26 =	smov.u32 s19;
	s25 =	smov.u32 s30  }
.LBB2_19:
0x2f: {  	_ =	sdelay $0x1  }
0x30: {  	v8 =	vmul.f32 v8, v8;
	v3 =	vsub.f32 v9, v3  }
0x31: {  	v9 =	vshrl.u32 @p0 v11, $0x1  }
0x32: {  	v4 =	vadd.f32 v8, v4;
	v9 =	vsub.s32 @p0 $0x5F3759DF, v9;
	v3 =	vmul.f32 v3, v3  }
0x33: {  	v8 =	vmul.f32 @p0 v9, v11  }
0x34: {  	v3 =	vadd.f32 v3, v4  }
0x35: {  	v4 =	vmul.f32 @p0 v9, v8  }
0x36: {  	v53 =	vshrl.u32 v3, $0x1  }
0x37: {  	v4 =	vmul.f32 @p0 $5.000000000e-01, v4;
	v9 =	vsub.s32 $0x5F3759DF, v53  }
0x38: {  	s2 =	sadd.s32 @p2 $0x80, s26;
	s1 =	smov.u32 s19;
	v11 =	vmul.f32 @p1 v25, v14;
	v3 =	vmul.f32 v9, v3  }
0x39: {  	v13 =	vsub.f32 @p2 v24, v2;
	s1 =	smov.u32 @p2 s2;
	v4 =	vsub.f32 @p0 $1.500000000e+00, v4  }
0x3a: {  	v14 =	vmul.f32 @p2 v27, v27;
	[tilespmem:s1+$0xFFFFFFF0] =	vst @p1 v11;
	v9 =	vmul.f32 v9, v3  }
0x3b: {  	v11 =	vmul.f32 @p2 v13, v13;
	v8 =	vpsel p0, v8, v20;
	v13 =	vld @p1 [tilespmem:s6+$0xFFFFFFE0];
	v4 =	vpsel p0, v4, v23  }
0x3c: {  	v16 =	vsub.f32 @p2 v26, v1;
	s2 =	smov.u32 s19;
	s7 =	sadd.s32 @p1 $0x80, s1;
	v20 =	vld @p1 [tilespmem:s6+$0x0];
	v4 =	vmul.f32 @p0 v4, v8;
	v54 =	vmul.f32 $5.000000000e-01, v9  }
0x3d: {  	s2 =	smov.u32 @p1 s7;
	s7 =	smov.u32 @p0 s30  }
0x3e: {  	s28 =	smov.u32 @p0 s7;
	v9 =	vadd.f32 @p2 v11, v14;
	v11 =	vmul.f32 @p2 v16, v16;
	v14 =	vld @p1 [tilespmem:s6+$0x20];
	[tilespmem:s2+$0xFFFFFFF0] =	vst @p0 v4;
	v55 =	vsub.f32 $1.500000000e+00, v54  }
0x3f: {  	v8 =	vld @p0 [tilespmem:s28+$0xFFFFFFE0]  }
0x40: {  	s7 =	sadd.s32 @p0 $0x80, s2;
	v9 =	vadd.f32 @p2 v11, v9;
	v11 =	vld @p0 [tilespmem:s28+$0x0];
	v3 =	vmul.f32 v55, v3  }
0x41: {  	s6 =	smov.u32 s19;
	s19 =	smov.u32 @p0 s7;
	v4 =	vsub.f32 @p1 v13, v0;
	v13 =	vpsel p1, v20, v15  }
0x42: {  	v13 =	vsub.f32 @p1 v13, v2;
	v20 =	vld @p0 [tilespmem:s28+$0x20];
	[tilespmem:s19+$0xFFFFFFF0] =	vst v3  }
0x43: {  	v15 =	vmul.f32 @p3 v21, v22;
	v4 =	vpsel p1, v4, v19;
	v56 =	vld [tilespmem:s25+$0xFFFFFFE0]  }
0x44: {  	v4 =	vmul.f32 @p1 v4, v4;
	v13 =	vmul.f32 @p1 v13, v13;
	v14 =	vpsel p1, v14, v18;
	v57 =	vld [tilespmem:s25+$0x0]  }
0x45: {  	v14 =	vsub.f32 @p1 v14, v1;
	v8 =	vsub.f32 @p0 v8, v0;
	v5 =	vpsel p0, v11, v5  }
0x46: {  	v16 =	vshrl.u32 @p2 v9, $0x1;
	v4 =	vadd.f32 @p1 v13, v4;
	v58 =	vld [tilespmem:s25+$0x20];
	v5 =	vsub.f32 @p0 v5, v2  }
0x47: {  	v6 =	vpsel p0, v20, v6;
	v13 =	vmul.f32 @p1 v14, v14;
	v7 =	vpsel p0, v8, v7  }
0x48: {  	v6 =	vsub.f32 @p0 v6, v1;
	v7 =	vmul.f32 @p0 v7, v7;
	v5 =	vmul.f32 @p0 v5, v5  }
0x49: {  	v3 =	vsub.s32 @p2 $0x5F3759DF, v16;
	v59 =	vsub.f32 v56, v0;
	v60 =	vsub.f32 v57, v2  }
0x4a: {  	v4 =	vadd.f32 @p1 v13, v4;
	v6 =	vmul.f32 @p0 v6, v6;
	v5 =	vadd.f32 @p0 v5, v7  }
0x4b: {  	v61 =	vsub.f32 v58, v1;
	v0 =	vmul.f32 v59, v59;
	v2 =	vmul.f32 v60, v60  }
0x4c: {  	v9 =	vpsel p2, v9, v12;
	v3 =	vpsel p2, v3, v17;
	v5 =	vadd.f32 @p0 v6, v5  }
0x4d: {  	v6 =	vshrl.u32 @p1 v4, $0x1;
	v1 =	vmul.f32 v61, v61;
	v0 =	vadd.f32 v2, v0  }
0x4e: {  	v8 =	vmul.f32 @p2 v3, v9;
	v2 =	vsub.s32 @p1 $0x5F3759DF, v6;
	v6 =	vshrl.u32 @p0 v5, $0x1  }
0x4f: {  	v4 =	vpsel p1, v4, v0;
	v2 =	vpsel p1, v2, v0;
	v0 =	vadd.f32 v1, v0  }
0x50: {  	v3 =	vmul.f32 @p2 v3, v8;
	v7 =	vmul.f32 @p3 v21, v15;
	v6 =	vsub.s32 @p0 $0x5F3759DF, v6  }
0x51: {  	v1 =	vmul.f32 @p1 v2, v4;
	v4 =	vpsel p0, v5, v0;
	v5 =	vpsel p0, v6, v0  }
0x52: {  	v3 =	vmul.f32 @p2 $5.000000000e-01, v3;
	v62 =	vshrl.u32 v0, $0x1;
	v4 =	vmul.f32 @p0 v5, v4  }
0x53: {  	v6 =	vmul.f32 @p3 $5.000000000e-01, v7;
	v2 =	vmul.f32 @p1 v2, v1;
	v7 =	vsub.s32 $0x5F3759DF, v62  }
0x54: {  	v0 =	vmul.f32 v7, v0;
	v5 =	vmul.f32 @p0 v5, v4  }
0x55: {  	v6 =	vsub.f32 @p3 $1.500000000e+00, v6;
	v2 =	vmul.f32 @p1 $5.000000000e-01, v2  }
0x56: {  	v3 =	vsub.f32 @p2 $1.500000000e+00, v3;
	v7 =	vmul.f32 v7, v0;
	v5 =	vmul.f32 @p0 $5.000000000e-01, v5  }
0x57: {  	v6 =	vmul.f32 @p3 v6, v15;
	v2 =	vsub.f32 @p1 $1.500000000e+00, v2  }
0x58: {  	s7 =	smov.u32 @p2 s26;
	v3 =	vmul.f32 @p2 v3, v8;
	v7 =	vmul.f32 $5.000000000e-01, v7;
	v5 =	vsub.f32 @p0 $1.500000000e+00, v5  }
0x59: {  	s0 =	smov.u32 @p3 s0;
	[tilespmem:s29+$0x0] =	vst @p4 v10;
	s6 =	smov.u32 @p2 s7;
	v6 =	vpsel p3, v6, v0;
	v1 =	vmul.f32 @p1 v2, v1  }
0x5a: {  	s1 =	smov.u32 @p1 s1;
	s2 =	smov.u32 @p0 s2;
	[tilespmem:s0+$0x0] =	vst @p3 v6;
	v2 =	vpsel p2, v3, v0;
	s0 =	smov.u32 @p2 s6;
	v63 =	vsub.f32 $1.500000000e+00, v7;
	v3 =	vmul.f32 @p0 v5, v4  }
0x5b: {  	[tilespmem:s0+$0x0] =	vst @p2 v2;
	s0 =	smov.u32 @p1 s1;
	s1 =	smov.u32 @p0 s2;
	v1 =	vpsel p1, v1, v0  }
0x5c: {  	[tilespmem:s0+$0x0] =	vst @p1 v1;
	s0 =	smov.u32 @p0 s1;
	v1 =	vpsel p0, v3, v0;
	v0 =	vmul.f32 v63, v0  }
0x5d: {  	[tilespmem:s0+$0x0] =	vst @p0 v1  }
0x5e: {  	[tilespmem:s19+$0x0] =	vst v0  }
.LBB2_20:
0x5f: {  	p0 =	sgt.s32 s24, $0x0  }
0x60: {  	s24 =	simm.s32 @!p0 $0x0  }
0x61: {  	s18 =	sadd.s32 s18, s24  }
0x62: {  	s23 =	sadd.s32 $0x1, s23;
	p1 =	sgt.s32 s18, $0x3FF  }
0x63: {  	p0 =	por !p0, !p1;
	p1 =	slt.u32 s23, s21  }
.Ltmp4:
0x64: {  	_ = 	snop;
	(pc) =	sbr.rel @!p1 .LBB2_21-.Ltmp4, $4  }
0x65: {  	s0 =	simm.s32 $0x1;
	p0 =	por !p0, !p0  }
0x66: {  	s0 =	simm.s32 @!p0 $0x0  }
0x67: {  	s19 =	sadd.s32 s0, s20;
	s0 =	sadd.s32 $0x2, s20  }
0x68: {  	s22 =	sadd.s32 s22, s24;
	s18 =	smov.u32 @p0 s0;
	s20 =	smov.u32 s19  }
.LBB2_4:
0x69: {  	s0 =	ssub.s32 $0x400, s18;
	s24 =	ssub.s32 $0x58, s22  }
0x6a: {  	p0 =	slt.s32 s0, s24  }
0x6b: {  	s24 =	smov.u32 @p0 s0  }
0x6c: {  	p0 =	slt.s32 s24, $0x1  }
.Ltmp5:
0x6d: {  	_ = 	snop;
	(pc) =	sbr.rel @p0 .LBB2_20-.Ltmp5, $1  }
0x6e: {  	_ =	sdelay $0x3  }
0x6f: {  	s0 =	smul.u32 $0x180, s20  }
0x70: {  	s1 =	smul.u32 $0x180, s18  }
0x71: {  	s0 =	sshra.s32 s0, $0x2  }
0x72: {  	s1 =	sshra.s32 s1, $0x2;
	v13 =	vld [tilespmem:s0+$0x0]  }
0x73: {  	v16 =	vld [tilespmem:s0+$0x20];
	s30 =	sadd.s32 $0x30, s1  }
0x74: {  	v4 =	vld [tilespmem:s30+$0xFFFFFFD0]  }
0x75: {  	v2 =	vld [tilespmem:s0+$0x30]  }
0x76: {  	p5 =	seq.s32 s24, $0x1;
	v5 =	vld [tilespmem:s30+$0xFFFFFFF0]  }
.Ltmp6:
0x77: {  	v3 =	vld [tilespmem:s0+$0x40];
	(pc) =	sbr.rel @p5 .LBB2_6-.Ltmp6, $4  }
0x78: {  	s2 =	sshll.u32 s22, $0x9;
	v1 =	vld [tilespmem:s0+$0x50]  }
0x79: {  	p0 =	por $0x0, $0x0;
	p1 =	por $0x0, $0x0;
	p2 =	por $0x0, $0x0;
	v9 =	vld [tilespmem:s30+$0x10];
	v4 =	vsub.f32 v4, v13  }
0x7a: {  	p3 =	por $0x0, $0x0;
	p4 =	por $0x0, $0x0;
	s2 =	sshra.s32 s2, $0x2  }
0x7b: {  	s19 =	sadd.s32 $0x18010, s2;
	v0 =	vld [tilespmem:s0+$0x10];
	s0 =	sadd.s32 $0xFFFFFFFF, s24;
	s25 =	sadd.s32 $0x60, s30;
	v8 =	vsub.f32 v5, v16;
	v4 =	vmul.f32 v4, v4  }
0x7c: {  	v5 =	vld [tilespmem:s25+$0xFFFFFFD0];
	_ =	sdelay $0x1  }
0x7d: {  	v6 =	vld [tilespmem:s25+$0xFFFFFFF0];
	p5 =	seq.s32 s0, $0x1  }
.Ltmp7:
0x7e: {  	v7 =	vmul.f32 v8, v8;
	v8 =	vsub.f32 v9, v3;
	(pc) =	sbr.rel @p5 .LBB2_8-.Ltmp7, $3  }
0x7f: {  	_ = 	snop  }
0x80: {  	v9 =	vld [tilespmem:s25+$0x10];
	v7 =	vadd.f32 v7, v4;
	v10 =	vmul.f32 v8, v8;
	v5 =	vsub.f32 v5, v13;
	_ =	sdelay $0x1  }
0x81: {  	s28 =	sadd.s32 $0x60, s25;
	s0 =	sadd.s32 $0xFFFFFFFF, s0;
	p0 =	por $0x1, $0x1;
	v8 =	vsub.f32 v6, v16;
	v11 =	vadd.f32 v10, v7;
	v4 =	vmul.f32 v5, v5  }
0x82: {  	_ = 	snop  }
0x83: {  	v6 =	vshrl.u32 v11, $0x1  }
0x84: {  	v5 =	vld [tilespmem:s28+$0xFFFFFFD0];
	v6 =	vsub.s32 $0x5F3759DF, v6  }
0x85: {  	v7 =	vld [tilespmem:s28+$0xFFFFFFF0];
	v14 =	vmul.f32 v6, v11  }
0x86: {  	p5 =	seq.s32 s0, $0x1;
	v8 =	vmul.f32 v8, v8  }
.Ltmp8:
0x87: {  	v9 =	vsub.f32 v9, v3;
	v6 =	vmul.f32 v6, v14;
	(pc) =	sbr.rel @p5 .LBB2_10-.Ltmp8, $4  }
0x88: {  	v10 =	vadd.f32 v8, v4  }
0x89: {  	v11 =	vmul.f32 v9, v9;
	v9 =	vld [tilespmem:s28+$0x10];
	v5 =	vsub.f32 v5, v13;
	v6 =	vmul.f32 $5.000000000e-01, v6  }
0x8a: {  	v8 =	vsub.f32 v7, v16  }
0x8b: {  	s1 =	sadd.s32 $0x60, s28;
	s0 =	sadd.s32 $0xFFFFFFFF, s0;
	p1 =	por $0x1, $0x1;
	v11 =	vadd.f32 v11, v10;
	v4 =	vmul.f32 v5, v5;
	v25 =	vsub.f32 $1.500000000e+00, v6  }
0x8c: {  	_ = 	snop  }
0x8d: {  	v5 =	vshrl.u32 v11, $0x1;
	v6 =	vmul.f32 v25, v14  }
0x8e: {  	v7 =	vld [tilespmem:s1+$0xFFFFFFD0];
	v5 =	vsub.s32 $0x5F3759DF, v5  }
0x8f: {  	v10 =	vld [tilespmem:s1+$0xFFFFFFF0];
	v14 =	vmul.f32 v5, v11;
	[tilespmem:s19+$0xFFFFFFF0] =	vst v6  }
0x90: {  	p5 =	seq.s32 s0, $0x1;
	v6 =	vmul.f32 v8, v8;
	v8 =	vsub.f32 v9, v3;
	v12 =	vld [tilespmem:s30+$0xFFFFFFE0]  }
.Ltmp9:
0x91: {  	v9 =	vmul.f32 v5, v14;
	(pc) =	sbr.rel @p5 .LBB2_12-.Ltmp9, $4  }
0x92: {  	v4 =	vadd.f32 v6, v4;
	v11 =	vmul.f32 v8, v8  }
0x93: {  	v7 =	vsub.f32 v7, v13;
	v15 =	vmul.f32 $5.000000000e-01, v9;
	v9 =	vld [tilespmem:s1+$0x10]  }
0x94: {  	v5 =	vld [tilespmem:s30+$0x0];
	v8 =	vsub.f32 v10, v16;
	v11 =	vadd.f32 v11, v4  }
0x95: {  	s2 =	sadd.s32 $0x60, s1;
	s0 =	sadd.s32 $0xFFFFFFFF, s0;
	p2 =	por $0x1, $0x1;
	v6 =	vld [tilespmem:s30+$0x20];
	v4 =	vmul.f32 v7, v7;
	v25 =	vsub.f32 $1.500000000e+00, v15;
	v7 =	vsub.f32 v12, v0  }
0x96: {  	_ =	sdelay $0x2  }
0x97: {  	v10 =	vld [tilespmem:s2+$0xFFFFFFD0];
	v12 =	vshrl.u32 v11, $0x1;
	v15 =	vsub.f32 v5, v2  }
0x98: {  	v8 =	vmul.f32 v8, v8;
	v12 =	vsub.s32 $0x5F3759DF, v12;
	v14 =	vmul.f32 v25, v14  }
0x99: {  	s26 =	sadd.s32 $0x80, s19;
	v17 =	vmul.f32 v7, v7;
	v18 =	vsub.f32 v6, v1;
	v15 =	vmul.f32 v15, v15  }
0x9a: {  	v19 =	vld [tilespmem:s2+$0xFFFFFFF0];
	v20 =	vmul.f32 v12, v11;
	v9 =	vsub.f32 v9, v3;
	[tilespmem:s26+$0xFFFFFFF0] =	vst v14  }
0x9b: {  	p5 =	seq.s32 s0, $0x1;
	v21 =	vadd.f32 v8, v4;
	v14 =	vld [tilespmem:s25+$0xFFFFFFE0];
	v11 =	vadd.f32 v15, v17;
	v15 =	vmul.f32 v18, v18  }
.Ltmp10:
0x9c: {  	v9 =	vmul.f32 v9, v9;
	v10 =	vsub.f32 v10, v13;
	v17 =	vmul.f32 v12, v20;
	(pc) =	sbr.rel @p5 .LBB2_14-.Ltmp10, $4  }
0x9d: {  	v12 =	vadd.f32 v15, v11  }
0x9e: {  	v4 =	vmul.f32 v10, v10;
	v10 =	vmul.f32 $5.000000000e-01, v17;
	v11 =	vadd.f32 v9, v21;
	v9 =	vld [tilespmem:s2+$0x10]  }
0x9f: {  	v8 =	vsub.f32 v19, v16;
	v18 =	vld [tilespmem:s25+$0x20];
	v17 =	vshrl.u32 v12, $0x1  }
0xa0: {  	s7 =	sadd.s32 $0xFFFFFFFF, s0;
	p3 =	por $0x1, $0x1;
	v15 =	vld [tilespmem:s25+$0x0];
	s25 =	sadd.s32 $0x60, s2;
	v19 =	vsub.f32 v14, v0;
	v23 =	vsub.f32 $1.500000000e+00, v10;
	v17 =	vsub.s32 $0x5F3759DF, v17  }
0xa1: {  	_ =	sdelay $0x3  }
0xa2: {  	v14 =	vshrl.u32 v11, $0x1;
	v25 =	vmul.f32 v17, v12;
	v21 =	vsub.f32 v15, v2  }
0xa3: {  	v10 =	vld [tilespmem:s25+$0xFFFFFFD0];
	v22 =	vsub.s32 $0x5F3759DF, v14;
	v24 =	vmul.f32 v23, v20;
	v26 =	vmul.f32 v19, v19  }
0xa4: {  	v27 =	vld [tilespmem:s25+$0xFFFFFFF0];
	v29 =	vmul.f32 v17, v25;
	v28 =	vsub.f32 v18, v1;
	v21 =	vmul.f32 v21, v21  }
0xa5: {  	s6 =	sadd.s32 $0x80, s26;
	v8 =	vmul.f32 v8, v8;
	v9 =	vsub.f32 v9, v3;
	v14 =	vmul.f32 v22, v11  }
0xa6: {  	[tilespmem:s6+$0xFFFFFFF0] =	vst v24;
	v24 =	vmul.f32 $5.000000000e-01, v29;
	v11 =	vadd.f32 v21, v26;
	v21 =	vmul.f32 v28, v28  }
0xa7: {  	p5 =	seq.s32 s7, $0x1;
	v30 =	vld [tilespmem:s28+$0xFFFFFFE0];
	v28 =	vadd.f32 v8, v4;
	v26 =	vmul.f32 v22, v14  }
.Ltmp11:
0xa8: {  	v9 =	vmul.f32 v9, v9;
	v22 =	vadd.f32 v21, v11;
	v21 =	vsub.f32 $1.500000000e+00, v24;
	v24 =	vld [tilespmem:s28+$0x0];
	(pc) =	sbr.rel @p5 .LBB2_16-.Ltmp11, $4  }
0xa9: {  	v10 =	vsub.f32 v10, v13;
	v8 =	vsub.f32 v27, v16;
	v27 =	vmul.f32 $5.000000000e-01, v26;
	v26 =	vld [tilespmem:s28+$0x20]  }
0xaa: {  	v11 =	vadd.f32 v9, v28;
	v9 =	vld [tilespmem:s25+$0x10]  }
0xab: {  	s0 =	sadd.s32 $0x60, s25;
	v4 =	vmul.f32 v10, v10;
	v28 =	vshrl.u32 v22, $0x1;
	v10 =	vmul.f32 v21, v25  }
0xac: {  	s7 =	sadd.s32 $0xFFFFFFFF, s7;
	p4 =	por $0x1, $0x1;
	s29 =	smov.u32 s19;
	v25 =	vsub.f32 $1.500000000e+00, v27;
	v27 =	vsub.f32 v30, v0;
	v21 =	vsub.s32 $0x5F3759DF, v28  }
.LBB2_17:
0xad: {  	v28 =	vld [tilespmem:s0+$0xFFFFFFD0];
	p5 =	seq.s32 s7, $0x1;
	v29 =	vshrl.u32 v11, $0x1;
	v24 =	vsub.f32 v24, v2;
	v30 =	vmul.f32 v21, v22;
	[tilespmem:s29+$0x0] =	vst v10;
	s29 =	smov.u32 s26;
	s26 =	smov.u32 s6  }
0xae: {  	v10 =	vsub.s32 $0x5F3759DF, v29;
	v22 =	vmul.f32 v25, v14;
	v25 =	vmul.f32 v27, v27  }
0xaf: {  	s6 =	sadd.s32 $0x80, s6;
	v27 =	vld [tilespmem:s0+$0xFFFFFFF0];
	v24 =	vmul.f32 v24, v24;
	v26 =	vsub.f32 v26, v1;
	v21 =	vmul.f32 v21, v30  }
0xb0: {  	v8 =	vmul.f32 v8, v8;
	v14 =	vmul.f32 v10, v11;
	v9 =	vsub.f32 v9, v3;
	[tilespmem:s6+$0xFFFFFFF0] =	vst v22  }
0xb1: {  	v29 =	vld [tilespmem:s1+$0xFFFFFFE0];
	v11 =	vadd.f32 v24, v25;
	v22 =	vmul.f32 v26, v26;
	v21 =	vmul.f32 $5.000000000e-01, v21  }
.Ltmp12:
0xb2: {  	v10 =	vmul.f32 v10, v14;
	v25 =	vsub.f32 v28, v13;
	v28 =	vadd.f32 v8, v4;
	v24 =	vld [tilespmem:s1+$0x0];
	(pc) =	sbr.rel @!p5 .LBB2_17-.Ltmp12, $4  }
0xb3: {  	v31 =	vmul.f32 v9, v9;
	v22 =	vadd.f32 v22, v11;
	v21 =	vsub.f32 $1.500000000e+00, v21  }
0xb4: {  	v4 =	vmul.f32 v25, v25;
	v8 =	vsub.f32 v27, v16;
	v25 =	vmul.f32 $5.000000000e-01, v10;
	v26 =	vld [tilespmem:s1+$0x20];
	s1 =	smov.u32 s2;
	s2 =	smov.u32 s25;
	s25 =	smov.u32 s0  }
0xb5: {  	v11 =	vadd.f32 v31, v28;
	v9 =	vld [tilespmem:s0+$0x10];
	v28 =	vshrl.u32 v22, $0x1;
	v10 =	vmul.f32 v21, v30  }
0xb6: {  	s7 =	sadd.s32 $0xFFFFFFFF, s7;
	s0 =	sadd.s32 $0x60, s0;
	v25 =	vsub.f32 $1.500000000e+00, v25;
	v27 =	vsub.f32 v29, v0;
	v21 =	vsub.s32 $0x5F3759DF, v28  }
.Ltmp13:
0xb7: {  	(pc) =	sbr.rel .LBB2_19-.Ltmp13, $3  }
0xb8: {  	_ =	sdelay $0x1  }
0xb9: {  	s0 =	smov.u32 s26  }
0xba: {  	s26 =	smov.u32 s6;
	s6 =	smov.u32 s1;
	s30 =	smov.u32 s2  }
.LBB2_8:
.Ltmp14:
0xbb: {  	(pc) =	sbr.rel .LBB2_19-.Ltmp14, $2  }
0xbc: {  	_ =	sdelay $0x2  }
0xbd: {  	s26 =	smov.u32 s19  }
.LBB2_10:
.Ltmp15:
0xbe: {  	(pc) =	sbr.rel .LBB2_19-.Ltmp15, $3  }
0xbf: {  	_ =	sdelay $0x1  }
0xc0: {  	s6 =	smov.u32 s30  }
0xc1: {  	s30 =	smov.u32 s25;
	s25 =	smov.u32 s28;
	s26 =	smov.u32 s19  }
.LBB2_12:
.Ltmp16:
0xc2: {  	_ = 	snop;
	(pc) =	sbr.rel .LBB2_19-.Ltmp16, $3  }
0xc3: {  	_ =	sdelay $0x1  }
0xc4: {  	s6 =	smov.u32 s25  }
0xc5: {  	s30 =	smov.u32 s28;
	s26 =	smov.u32 s19;
	s25 =	smov.u32 s1;
	v27 =	vmov v7;
	v24 =	vmov v5;
	v26 =	vmov v6  }
.LBB2_14:
.Ltmp17:
0xc6: {  	_ = 	snop;
	(pc) =	sbr.rel .LBB2_19-.Ltmp17, $3  }
0xc7: {  	_ =	sdelay $0x1  }
0xc8: {  	v22 =	vmov v12;
	v21 =	vmov v17;
	s0 =	smov.u32 s19  }
0xc9: {  	v14 =	vmovc v20;
	s6 =	smov.u32 s28;
	s30 =	smov.u32 s1;
	s25 =	smov.u32 s2;
	v25 =	vmovc v23;
	v27 =	vmov v19;
	v26 =	vmov v18;
	v24 =	vmov v15  }
.LBB2_16:
.Ltmp18:
0xca: {  	(pc) =	sbr.rel .LBB2_19-.Ltmp18, $3  }
0xcb: {  	_ =	sdelay $0x1  }
0xcc: {  	s0 =	smov.u32 s26;
	s29 =	smov.u32 s19  }
0xcd: {  	s26 =	smov.u32 s6;
	s6 =	smov.u32 s1;
	s30 =	smov.u32 s2  }
.LBB2_21:
0xce: {  	s0 =	ssub.s32 $0x3F2, s19  }
0xcf: {  	p0 =	sgt.s32 s0, $0x1  }
0xd0: {  	s0 =	simm.s32 @!p0 $0x1  }
0xd1: {  	(drf) =	sdiv.u32 s13, s0;
	_ =	sdelay $0x6  }
.Ltmp19:
0xd2: {  	s22 =	simm.s32 $0x0;
	s30 =	rddreg [dreg:$0x3];
	(pc) =	sbr.rel .LBB2_22-.Ltmp19, $4  }
0xd3: {  	[hbm4b:s30+s22] =	stream.linear.scatter [tilespmem:s14], [sflag:$0x1], $0x2C00, $0x38;
	[tilespmem:$0x1D800] =	vst v63  }
0xd4: {  	s31 =	spop (drf)  }
0xd5: {  	s0 =	smin.u32 s31, $0xC  }
0xd6: {  	s23 =	simm.s32 $0x0;
	s21 =	sadd.s32 $0x1, s0  }
.LBB2_24:
0xd7: {  	s26 =	smov.u32 s20;
	s25 =	smov.u32 s30  }
.LBB2_37:
0xd8: {  	_ =	sdelay $0x1  }
0xd9: {  	v8 =	vmul.f32 v8, v8;
	v3 =	vsub.f32 v9, v3  }
0xda: {  	v9 =	vshrl.u32 @p0 v11, $0x1  }
0xdb: {  	v4 =	vadd.f32 v8, v4;
	v9 =	vsub.s32 @p0 $0x5F3759DF, v9;
	v3 =	vmul.f32 v3, v3  }
0xdc: {  	v8 =	vmul.f32 @p0 v9, v11  }
0xdd: {  	v3 =	vadd.f32 v3, v4  }
0xde: {  	v4 =	vmul.f32 @p0 v9, v8  }
0xdf: {  	v53 =	vshrl.u32 v3, $0x1  }
0xe0: {  	v4 =	vmul.f32 @p0 $5.000000000e-01, v4;
	v9 =	vsub.s32 $0x5F3759DF, v53  }
0xe1: {  	s2 =	sadd.s32 @p2 $0x80, s26;
	s1 =	smov.u32 s20;
	v11 =	vmul.f32 @p1 v25, v14;
	v3 =	vmul.f32 v9, v3  }
0xe2: {  	v13 =	vsub.f32 @p2 v24, v2;
	s1 =	smov.u32 @p2 s2;
	v4 =	vsub.f32 @p0 $1.500000000e+00, v4  }
0xe3: {  	v14 =	vmul.f32 @p2 v27, v27;
	[tilespmem:s1+$0xFFFFFFF0] =	vst @p1 v11;
	v9 =	vmul.f32 v9, v3  }
0xe4: {  	v11 =	vmul.f32 @p2 v13, v13;
	v8 =	vpsel p0, v8, v20;
	v13 =	vld @p1 [tilespmem:s6+$0xFFFFFFE0];
	v4 =	vpsel p0, v4, v23  }
0xe5: {  	v16 =	vsub.f32 @p2 v26, v1;
	s2 =	smov.u32 s20;
	s7 =	sadd.s32 @p1 $0x80, s1;
	v20 =	vld @p1 [tilespmem:s6+$0x0];
	v4 =	vmul.f32 @p0 v4, v8;
	v54 =	vmul.f32 $5.000000000e-01, v9  }
0xe6: {  	s2 =	smov.u32 @p1 s7;
	s7 =	smov.u32 @p0 s30  }
0xe7: {  	s28 =	smov.u32 @p0 s7;
	v9 =	vadd.f32 @p2 v11, v14;
	v11 =	vmul.f32 @p2 v16, v16;
	v14 =	vld @p1 [tilespmem:s6+$0x20];
	[tilespmem:s2+$0xFFFFFFF0] =	vst @p0 v4;
	v55 =	vsub.f32 $1.500000000e+00, v54  }
0xe8: {  	v8 =	vld @p0 [tilespmem:s28+$0xFFFFFFE0]  }
0xe9: {  	s7 =	sadd.s32 @p0 $0x80, s2;
	v9 =	vadd.f32 @p2 v11, v9;
	v11 =	vld @p0 [tilespmem:s28+$0x0];
	v3 =	vmul.f32 v55, v3  }
0xea: {  	s6 =	smov.u32 s20;
	s20 =	smov.u32 @p0 s7;
	v4 =	vsub.f32 @p1 v13, v0;
	v13 =	vpsel p1, v20, v15  }
0xeb: {  	v13 =	vsub.f32 @p1 v13, v2;
	v20 =	vld @p0 [tilespmem:s28+$0x20];
	[tilespmem:s20+$0xFFFFFFF0] =	vst v3  }
0xec: {  	v15 =	vmul.f32 @p3 v21, v22;
	v4 =	vpsel p1, v4, v19;
	v56 =	vld [tilespmem:s25+$0xFFFFFFE0]  }
0xed: {  	v4 =	vmul.f32 @p1 v4, v4;
	v13 =	vmul.f32 @p1 v13, v13;
	v14 =	vpsel p1, v14, v18;
	v57 =	vld [tilespmem:s25+$0x0]  }
0xee: {  	v14 =	vsub.f32 @p1 v14, v1;
	v8 =	vsub.f32 @p0 v8, v0;
	v5 =	vpsel p0, v11, v5  }
0xef: {  	v16 =	vshrl.u32 @p2 v9, $0x1;
	v4 =	vadd.f32 @p1 v13, v4;
	v58 =	vld [tilespmem:s25+$0x20];
	v5 =	vsub.f32 @p0 v5, v2  }
0xf0: {  	v6 =	vpsel p0, v20, v6;
	v13 =	vmul.f32 @p1 v14, v14;
	v7 =	vpsel p0, v8, v7  }
0xf1: {  	v6 =	vsub.f32 @p0 v6, v1;
	v7 =	vmul.f32 @p0 v7, v7;
	v5 =	vmul.f32 @p0 v5, v5  }
0xf2: {  	v3 =	vsub.s32 @p2 $0x5F3759DF, v16;
	v59 =	vsub.f32 v56, v0;
	v60 =	vsub.f32 v57, v2  }
0xf3: {  	v4 =	vadd.f32 @p1 v13, v4;
	v6 =	vmul.f32 @p0 v6, v6;
	v5 =	vadd.f32 @p0 v5, v7  }
0xf4: {  	v61 =	vsub.f32 v58, v1;
	v0 =	vmul.f32 v59, v59;
	v2 =	vmul.f32 v60, v60  }
0xf5: {  	v9 =	vpsel p2, v9, v12;
	v3 =	vpsel p2, v3, v17;
	v5 =	vadd.f32 @p0 v6, v5  }
0xf6: {  	v6 =	vshrl.u32 @p1 v4, $0x1;
	v1 =	vmul.f32 v61, v61;
	v0 =	vadd.f32 v2, v0  }
0xf7: {  	v8 =	vmul.f32 @p2 v3, v9;
	v2 =	vsub.s32 @p1 $0x5F3759DF, v6;
	v6 =	vshrl.u32 @p0 v5, $0x1  }
0xf8: {  	v4 =	vpsel p1, v4, v0;
	v2 =	vpsel p1, v2, v0;
	v0 =	vadd.f32 v1, v0  }
0xf9: {  	v3 =	vmul.f32 @p2 v3, v8;
	v7 =	vmul.f32 @p3 v21, v15;
	v6 =	vsub.s32 @p0 $0x5F3759DF, v6  }
0xfa: {  	v1 =	vmul.f32 @p1 v2, v4;
	v4 =	vpsel p0, v5, v0;
	v5 =	vpsel p0, v6, v0  }
0xfb: {  	v3 =	vmul.f32 @p2 $5.000000000e-01, v3;
	v62 =	vshrl.u32 v0, $0x1;
	v4 =	vmul.f32 @p0 v5, v4  }
0xfc: {  	v6 =	vmul.f32 @p3 $5.000000000e-01, v7;
	v2 =	vmul.f32 @p1 v2, v1;
	v7 =	vsub.s32 $0x5F3759DF, v62  }
0xfd: {  	v0 =	vmul.f32 v7, v0;
	v5 =	vmul.f32 @p0 v5, v4  }
0xfe: {  	v6 =	vsub.f32 @p3 $1.500000000e+00, v6;
	v2 =	vmul.f32 @p1 $5.000000000e-01, v2  }
0xff: {  	v3 =	vsub.f32 @p2 $1.500000000e+00, v3;
	v7 =	vmul.f32 v7, v0;
	v5 =	vmul.f32 @p0 $5.000000000e-01, v5  }
0x100: {  	v6 =	vmul.f32 @p3 v6, v15;
	v2 =	vsub.f32 @p1 $1.500000000e+00, v2  }
0x101: {  	s7 =	smov.u32 @p2 s26;
	v3 =	vmul.f32 @p2 v3, v8;
	v7 =	vmul.f32 $5.000000000e-01, v7;
	v5 =	vsub.f32 @p0 $1.500000000e+00, v5  }
0x102: {  	s0 =	smov.u32 @p3 s0;
	[tilespmem:s29+$0x0] =	vst @p4 v10;
	s6 =	smov.u32 @p2 s7;
	v6 =	vpsel p3, v6, v0;
	v1 =	vmul.f32 @p1 v2, v1  }
0x103: {  	s1 =	smov.u32 @p1 s1;
	s2 =	smov.u32 @p0 s2;
	[tilespmem:s0+$0x0] =	vst @p3 v6;
	v2 =	vpsel p2, v3, v0;
	s0 =	smov.u32 @p2 s6;
	v63 =	vsub.f32 $1.500000000e+00, v7;
	v3 =	vmul.f32 @p0 v5, v4  }
0x104: {  	[tilespmem:s0+$0x0] =	vst @p2 v2;
	s0 =	smov.u32 @p1 s1;
	s1 =	smov.u32 @p0 s2;
	v1 =	vpsel p1, v1, v0  }
0x105: {  	[tilespmem:s0+$0x0] =	vst @p1 v1;
	s0 =	smov.u32 @p0 s1;
	v1 =	vpsel p0, v3, v0;
	v0 =	vmul.f32 v63, v0  }
0x106: {  	[tilespmem:s0+$0x0] =	vst @p0 v1  }
0x107: {  	[tilespmem:s20+$0x0] =	vst v0  }
.LBB2_38:
0x108: {  	p0 =	sgt.s32 s24, $0x0  }
0x109: {  	s24 =	simm.s32 @!p0 $0x0  }
0x10a: {  	s18 =	sadd.s32 s18, s24  }
0x10b: {  	p1 =	sgt.s32 s18, $0x3FF  }
0x10c: {  	p0 =	por !p0, !p1;
	p1 =	seq.s32 s22, s21  }
.Ltmp20:
0x10d: {  	_ = 	snop;
	(pc) =	sbr.rel @p1 .LBB2_39-.Ltmp20, $4  }
0x10e: {  	s0 =	simm.s32 $0x1;
	p0 =	por !p0, !p0  }
0x10f: {  	s0 =	simm.s32 @!p0 $0x0  }
0x110: {  	s23 =	sadd.s32 s23, s24;
	s20 =	sadd.s32 s0, s19;
	s0 =	sadd.s32 $0x2, s19  }
0x111: {  	s22 =	sadd.s32 $0x1, s22;
	s18 =	smov.u32 @p0 s0;
	s19 =	smov.u32 s20  }
.LBB2_22:
0x112: {  	s0 =	ssub.s32 $0x400, s18;
	s24 =	ssub.s32 $0x58, s23  }
0x113: {  	p0 =	slt.s32 s0, s24  }
0x114: {  	s24 =	smov.u32 @p0 s0  }
0x115: {  	p0 =	slt.s32 s24, $0x1  }
.Ltmp21:
0x116: {  	_ = 	snop;
	(pc) =	sbr.rel @p0 .LBB2_38-.Ltmp21, $1  }
0x117: {  	_ =	sdelay $0x3  }
0x118: {  	s0 =	smul.u32 $0x180, s19  }
0x119: {  	s1 =	smul.u32 $0x180, s18  }
0x11a: {  	s0 =	sshra.s32 s0, $0x2  }
0x11b: {  	s1 =	sshra.s32 s1, $0x2;
	v13 =	vld [tilespmem:s0+$0x0]  }
0x11c: {  	v16 =	vld [tilespmem:s0+$0x20];
	s30 =	sadd.s32 $0x30, s1  }
0x11d: {  	v4 =	vld [tilespmem:s30+$0xFFFFFFD0]  }
0x11e: {  	v2 =	vld [tilespmem:s0+$0x30]  }
0x11f: {  	p5 =	seq.s32 s24, $0x1;
	v5 =	vld [tilespmem:s30+$0xFFFFFFF0]  }
.Ltmp22:
0x120: {  	v3 =	vld [tilespmem:s0+$0x40];
	(pc) =	sbr.rel @p5 .LBB2_24-.Ltmp22, $4  }
0x121: {  	s2 =	sshll.u32 s23, $0x9;
	v1 =	vld [tilespmem:s0+$0x50]  }
0x122: {  	p0 =	por $0x0, $0x0;
	p1 =	por $0x0, $0x0;
	p2 =	por $0x0, $0x0;
	v9 =	vld [tilespmem:s30+$0x10];
	v4 =	vsub.f32 v4, v13  }
0x123: {  	p3 =	por $0x0, $0x0;
	p4 =	por $0x0, $0x0;
	s2 =	sshra.s32 s2, $0x2  }
0x124: {  	s20 =	sadd.s32 $0x1AC10, s2;
	v0 =	vld [tilespmem:s0+$0x10];
	s0 =	sadd.s32 $0xFFFFFFFF, s24;
	s25 =	sadd.s32 $0x60, s30;
	v8 =	vsub.f32 v5, v16;
	v4 =	vmul.f32 v4, v4  }
0x125: {  	v5 =	vld [tilespmem:s25+$0xFFFFFFD0];
	_ =	sdelay $0x1  }
0x126: {  	v6 =	vld [tilespmem:s25+$0xFFFFFFF0];
	p5 =	seq.s32 s0, $0x1  }
.Ltmp23:
0x127: {  	v7 =	vmul.f32 v8, v8;
	v8 =	vsub.f32 v9, v3;
	(pc) =	sbr.rel @p5 .LBB2_26-.Ltmp23, $3  }
0x128: {  	_ = 	snop  }
0x129: {  	v9 =	vld [tilespmem:s25+$0x10];
	v7 =	vadd.f32 v7, v4;
	v10 =	vmul.f32 v8, v8;
	v5 =	vsub.f32 v5, v13;
	_ =	sdelay $0x1  }
0x12a: {  	s28 =	sadd.s32 $0x60, s25;
	s0 =	sadd.s32 $0xFFFFFFFF, s0;
	p0 =	por $0x1, $0x1;
	v8 =	vsub.f32 v6, v16;
	v11 =	vadd.f32 v10, v7;
	v4 =	vmul.f32 v5, v5  }
0x12b: {  	_ = 	snop  }
0x12c: {  	v6 =	vshrl.u32 v11, $0x1  }
0x12d: {  	v5 =	vld [tilespmem:s28+$0xFFFFFFD0];
	v6 =	vsub.s32 $0x5F3759DF, v6  }
0x12e: {  	v7 =	vld [tilespmem:s28+$0xFFFFFFF0];
	v14 =	vmul.f32 v6, v11  }
0x12f: {  	p5 =	seq.s32 s0, $0x1;
	v8 =	vmul.f32 v8, v8  }
.Ltmp24:
0x130: {  	v9 =	vsub.f32 v9, v3;
	v6 =	vmul.f32 v6, v14;
	(pc) =	sbr.rel @p5 .LBB2_28-.Ltmp24, $4  }
0x131: {  	v10 =	vadd.f32 v8, v4  }
0x132: {  	v11 =	vmul.f32 v9, v9;
	v9 =	vld [tilespmem:s28+$0x10];
	v5 =	vsub.f32 v5, v13;
	v6 =	vmul.f32 $5.000000000e-01, v6  }
0x133: {  	v8 =	vsub.f32 v7, v16  }
0x134: {  	s1 =	sadd.s32 $0x60, s28;
	s0 =	sadd.s32 $0xFFFFFFFF, s0;
	p1 =	por $0x1, $0x1;
	v11 =	vadd.f32 v11, v10;
	v4 =	vmul.f32 v5, v5;
	v25 =	vsub.f32 $1.500000000e+00, v6  }
0x135: {  	_ = 	snop  }
0x136: {  	v5 =	vshrl.u32 v11, $0x1;
	v6 =	vmul.f32 v25, v14  }
0x137: {  	v7 =	vld [tilespmem:s1+$0xFFFFFFD0];
	v5 =	vsub.s32 $0x5F3759DF, v5  }
0x138: {  	v10 =	vld [tilespmem:s1+$0xFFFFFFF0];
	v14 =	vmul.f32 v5, v11;
	[tilespmem:s20+$0xFFFFFFF0] =	vst v6  }
0x139: {  	p5 =	seq.s32 s0, $0x1;
	v6 =	vmul.f32 v8, v8;
	v8 =	vsub.f32 v9, v3;
	v12 =	vld [tilespmem:s30+$0xFFFFFFE0]  }
.Ltmp25:
0x13a: {  	v9 =	vmul.f32 v5, v14;
	(pc) =	sbr.rel @p5 .LBB2_30-.Ltmp25, $4  }
0x13b: {  	v4 =	vadd.f32 v6, v4;
	v11 =	vmul.f32 v8, v8  }
0x13c: {  	v7 =	vsub.f32 v7, v13;
	v15 =	vmul.f32 $5.000000000e-01, v9;
	v9 =	vld [tilespmem:s1+$0x10]  }
0x13d: {  	v5 =	vld [tilespmem:s30+$0x0];
	v8 =	vsub.f32 v10, v16;
	v11 =	vadd.f32 v11, v4  }
0x13e: {  	s2 =	sadd.s32 $0x60, s1;
	s0 =	sadd.s32 $0xFFFFFFFF, s0;
	p2 =	por $0x1, $0x1;
	v6 =	vld [tilespmem:s30+$0x20];
	v4 =	vmul.f32 v7, v7;
	v25 =	vsub.f32 $1.500000000e+00, v15;
	v7 =	vsub.f32 v12, v0  }
0x13f: {  	_ =	sdelay $0x2  }
0x140: {  	v10 =	vld [tilespmem:s2+$0xFFFFFFD0];
	v12 =	vshrl.u32 v11, $0x1;
	v15 =	vsub.f32 v5, v2  }
0x141: {  	v8 =	vmul.f32 v8, v8;
	v12 =	vsub.s32 $0x5F3759DF, v12;
	v14 =	vmul.f32 v25, v14  }
0x142: {  	s26 =	sadd.s32 $0x80, s20;
	v17 =	vmul.f32 v7, v7;
	v18 =	vsub.f32 v6, v1;
	v15 =	vmul.f32 v15, v15  }
0x143: {  	v19 =	vld [tilespmem:s2+$0xFFFFFFF0];
	v20 =	vmul.f32 v12, v11;
	v9 =	vsub.f32 v9, v3;
	[tilespmem:s26+$0xFFFFFFF0] =	vst v14  }
0x144: {  	p5 =	seq.s32 s0, $0x1;
	v21 =	vadd.f32 v8, v4;
	v14 =	vld [tilespmem:s25+$0xFFFFFFE0];
	v11 =	vadd.f32 v15, v17;
	v15 =	vmul.f32 v18, v18  }
.Ltmp26:
0x145: {  	v9 =	vmul.f32 v9, v9;
	v10 =	vsub.f32 v10, v13;
	v17 =	vmul.f32 v12, v20;
	(pc) =	sbr.rel @p5 .LBB2_32-.Ltmp26, $4  }
0x146: {  	v12 =	vadd.f32 v15, v11  }
0x147: {  	v4 =	vmul.f32 v10, v10;
	v10 =	vmul.f32 $5.000000000e-01, v17;
	v11 =	vadd.f32 v9, v21;
	v9 =	vld [tilespmem:s2+$0x10]  }
0x148: {  	v8 =	vsub.f32 v19, v16;
	v18 =	vld [tilespmem:s25+$0x20];
	v17 =	vshrl.u32 v12, $0x1  }
0x149: {  	s7 =	sadd.s32 $0xFFFFFFFF, s0;
	p3 =	por $0x1, $0x1;
	v15 =	vld [tilespmem:s25+$0x0];
	s25 =	sadd.s32 $0x60, s2;
	v19 =	vsub.f32 v14, v0;
	v23 =	vsub.f32 $1.500000000e+00, v10;
	v17 =	vsub.s32 $0x5F3759DF, v17  }
0x14a: {  	_ =	sdelay $0x3  }
0x14b: {  	v14 =	vshrl.u32 v11, $0x1;
	v25 =	vmul.f32 v17, v12;
	v21 =	vsub.f32 v15, v2  }
0x14c: {  	v10 =	vld [tilespmem:s25+$0xFFFFFFD0];
	v22 =	vsub.s32 $0x5F3759DF, v14;
	v24 =	vmul.f32 v23, v20;
	v26 =	vmul.f32 v19, v19  }
0x14d: {  	v27 =	vld [tilespmem:s25+$0xFFFFFFF0];
	v29 =	vmul.f32 v17, v25;
	v28 =	vsub.f32 v18, v1;
	v21 =	vmul.f32 v21, v21  }
0x14e: {  	s6 =	sadd.s32 $0x80, s26;
	v8 =	vmul.f32 v8, v8;
	v9 =	vsub.f32 v9, v3;
	v14 =	vmul.f32 v22, v11  }
0x14f: {  	[tilespmem:s6+$0xFFFFFFF0] =	vst v24;
	v24 =	vmul.f32 $5.000000000e-01, v29;
	v11 =	vadd.f32 v21, v26;
	v21 =	vmul.f32 v28, v28  }
0x150: {  	p5 =	seq.s32 s7, $0x1;
	v30 =	vld [tilespmem:s28+$0xFFFFFFE0];
	v28 =	vadd.f32 v8, v4;
	v26 =	vmul.f32 v22, v14  }
.Ltmp27:
0x151: {  	v9 =	vmul.f32 v9, v9;
	v22 =	vadd.f32 v21, v11;
	v21 =	vsub.f32 $1.500000000e+00, v24;
	v24 =	vld [tilespmem:s28+$0x0];
	(pc) =	sbr.rel @p5 .LBB2_34-.Ltmp27, $4  }
0x152: {  	v10 =	vsub.f32 v10, v13;
	v8 =	vsub.f32 v27, v16;
	v27 =	vmul.f32 $5.000000000e-01, v26;
	v26 =	vld [tilespmem:s28+$0x20]  }
0x153: {  	v11 =	vadd.f32 v9, v28;
	v9 =	vld [tilespmem:s25+$0x10]  }
0x154: {  	s0 =	sadd.s32 $0x60, s25;
	v4 =	vmul.f32 v10, v10;
	v28 =	vshrl.u32 v22, $0x1;
	v10 =	vmul.f32 v21, v25  }
0x155: {  	s7 =	sadd.s32 $0xFFFFFFFF, s7;
	p4 =	por $0x1, $0x1;
	s29 =	smov.u32 s20;
	v25 =	vsub.f32 $1.500000000e+00, v27;
	v27 =	vsub.f32 v30, v0;
	v21 =	vsub.s32 $0x5F3759DF, v28  }
.LBB2_35:
0x156: {  	v28 =	vld [tilespmem:s0+$0xFFFFFFD0];
	p5 =	seq.s32 s7, $0x1;
	v29 =	vshrl.u32 v11, $0x1;
	v24 =	vsub.f32 v24, v2;
	v30 =	vmul.f32 v21, v22;
	[tilespmem:s29+$0x0] =	vst v10;
	s29 =	smov.u32 s26;
	s26 =	smov.u32 s6  }
0x157: {  	v10 =	vsub.s32 $0x5F3759DF, v29;
	v22 =	vmul.f32 v25, v14;
	v25 =	vmul.f32 v27, v27  }
0x158: {  	s6 =	sadd.s32 $0x80, s6;
	v27 =	vld [tilespmem:s0+$0xFFFFFFF0];
	v24 =	vmul.f32 v24, v24;
	v26 =	vsub.f32 v26, v1;
	v21 =	vmul.f32 v21, v30  }
0x159: {  	v8 =	vmul.f32 v8, v8;
	v14 =	vmul.f32 v10, v11;
	v9 =	vsub.f32 v9, v3;
	[tilespmem:s6+$0xFFFFFFF0] =	vst v22  }
0x15a: {  	v29 =	vld [tilespmem:s1+$0xFFFFFFE0];
	v11 =	vadd.f32 v24, v25;
	v22 =	vmul.f32 v26, v26;
	v21 =	vmul.f32 $5.000000000e-01, v21  }
.Ltmp28:
0x15b: {  	v10 =	vmul.f32 v10, v14;
	v25 =	vsub.f32 v28, v13;
	v28 =	vadd.f32 v8, v4;
	v24 =	vld [tilespmem:s1+$0x0];
	(pc) =	sbr.rel @!p5 .LBB2_35-.Ltmp28, $4  }
0x15c: {  	v31 =	vmul.f32 v9, v9;
	v22 =	vadd.f32 v22, v11;
	v21 =	vsub.f32 $1.500000000e+00, v21  }
0x15d: {  	v4 =	vmul.f32 v25, v25;
	v8 =	vsub.f32 v27, v16;
	v25 =	vmul.f32 $5.000000000e-01, v10;
	v26 =	vld [tilespmem:s1+$0x20];
	s1 =	smov.u32 s2;
	s2 =	smov.u32 s25;
	s25 =	smov.u32 s0  }
0x15e: {  	v11 =	vadd.f32 v31, v28;
	v9 =	vld [tilespmem:s0+$0x10];
	v28 =	vshrl.u32 v22, $0x1;
	v10 =	vmul.f32 v21, v30  }
0x15f: {  	s7 =	sadd.s32 $0xFFFFFFFF, s7;
	s0 =	sadd.s32 $0x60, s0;
	v25 =	vsub.f32 $1.500000000e+00, v25;
	v27 =	vsub.f32 v29, v0;
	v21 =	vsub.s32 $0x5F3759DF, v28  }
.Ltmp29:
0x160: {  	(pc) =	sbr.rel .LBB2_37-.Ltmp29, $3  }
0x161: {  	_ =	sdelay $0x1  }
0x162: {  	s0 =	smov.u32 s26  }
0x163: {  	s26 =	smov.u32 s6;
	s6 =	smov.u32 s1;
	s30 =	smov.u32 s2  }
.LBB2_26:
.Ltmp30:
0x164: {  	(pc) =	sbr.rel .LBB2_37-.Ltmp30, $2  }
0x165: {  	_ =	sdelay $0x2  }
0x166: {  	s26 =	smov.u32 s20  }
.LBB2_28:
.Ltmp31:
0x167: {  	(pc) =	sbr.rel .LBB2_37-.Ltmp31, $3  }
0x168: {  	_ =	sdelay $0x1  }
0x169: {  	s6 =	smov.u32 s30  }
0x16a: {  	s30 =	smov.u32 s25;
	s25 =	smov.u32 s28;
	s26 =	smov.u32 s20  }
.LBB2_30:
.Ltmp32:
0x16b: {  	_ = 	snop;
	(pc) =	sbr.rel .LBB2_37-.Ltmp32, $3  }
0x16c: {  	_ =	sdelay $0x1  }
0x16d: {  	s6 =	smov.u32 s25  }
0x16e: {  	s30 =	smov.u32 s28;
	s26 =	smov.u32 s20;
	s25 =	smov.u32 s1;
	v27 =	vmov v7;
	v24 =	vmov v5;
	v26 =	vmov v6  }
.LBB2_32:
.Ltmp33:
0x16f: {  	_ = 	snop;
	(pc) =	sbr.rel .LBB2_37-.Ltmp33, $3  }
0x170: {  	_ =	sdelay $0x1  }
0x171: {  	v22 =	vmov v12;
	v21 =	vmov v17;
	s0 =	smov.u32 s20  }
0x172: {  	v14 =	vmovc v20;
	s6 =	smov.u32 s28;
	s30 =	smov.u32 s1;
	s25 =	smov.u32 s2;
	v25 =	vmovc v23;
	v27 =	vmov v19;
	v26 =	vmov v18;
	v24 =	vmov v15  }
.LBB2_34:
.Ltmp34:
0x173: {  	(pc) =	sbr.rel .LBB2_37-.Ltmp34, $3  }
0x174: {  	_ =	sdelay $0x1  }
0x175: {  	s0 =	smov.u32 s26;
	s29 =	smov.u32 s20  }
0x176: {  	s26 =	smov.u32 s6;
	s6 =	smov.u32 s1;
	s30 =	smov.u32 s2  }
.LBB2_39:
.Ltmp35:
0x177: {  	(pc) =	sbr.rel .LBB2_40-.Ltmp35, $3  }
0x178: {  	_ =	sdelay $0x1  }
0x179: {  	s19 =	simm.s32 $0x0;
	s0 =	rddreg [dreg:$0x4]  }
0x17a: {  	[hbm4b:s0+s19] =	stream.linear.scatter [tilespmem:s15], [sflag:$0x2], $0x2C00, $0x38;
	[tilespmem:$0x1D800] =	vst v63  }
.LBB2_76:
0x17b: {  	s19 =	sadd.s32 $0x1, s19  }
0x17c: {  	p0 =	sne.s32 s19, $0x5C  }
.Ltmp36:
0x17d: {  	_ = 	snop;
	(pc) =	sbr.rel @!p0 .LBB2_77-.Ltmp36, $4  }
0x17e: {  	s0 =	sadd.s32 s22, s9  }
0x17f: {  	s0 =	sshll.u32 s0, $0x4  }
0x180: {  	s0 =	sadd.s32 s4, s0  }
0x181: {  	[hbm4b:s0+s3] =	stream.linear.scatter [tilespmem:s15], [sflag:$0x2], $0x2C00, $0x38;
	[tilespmem:$0x1D800] =	vst v63  }
.LBB2_40:
0x182: {  	s0 =	ssub.s32 $0x3F2, s20  }
0x183: {  	p0 =	sgt.s32 s0, $0x1  }
0x184: {  	_ =	swait.ge [sflag:s12], $0x2C00;
	s0 =	simm.s32 @!p0 $0x1  }
0x185: {  	(drf) =	sdiv.u32 s13, s0;
	_ =	sdelay $0x6  }
.Ltmp37:
0x186: {  	_ = 	snop;
	(pc) =	sbr.rel .LBB2_41-.Ltmp37, $4  }
0x187: {  	_ = 	snop  }
0x188: {  	s0 =	spop (drf)  }
0x189: {  	s23 =	simm.s32 $0x0;
	[sflag:s12] =	ssyncset.done $0x0;
	s0 =	smin.u32 s0, $0xC  }
0x18a: {  	s24 =	simm.s32 $0x0;
	[sflag:s12] =	ssyncadd.s32 $0xFFFFD400;
	s22 =	sadd.s32 $0x2, s0  }
.LBB2_43:
0x18b: {  	s28 =	smov.u32 s21;
	s26 =	smov.u32 s31  }
.LBB2_56:
0x18c: {  	_ =	sdelay $0x1  }
0x18d: {  	v8 =	vmul.f32 v8, v8;
	v3 =	vsub.f32 v9, v3  }
0x18e: {  	v9 =	vshrl.u32 @p0 v11, $0x1  }
0x18f: {  	v4 =	vadd.f32 v8, v4;
	v9 =	vsub.s32 @p0 $0x5F3759DF, v9;
	v3 =	vmul.f32 v3, v3  }
0x190: {  	v8 =	vmul.f32 @p0 v9, v11  }
0x191: {  	v3 =	vadd.f32 v3, v4  }
0x192: {  	v4 =	vmul.f32 @p0 v9, v8  }
0x193: {  	v53 =	vshrl.u32 v3, $0x1  }
0x194: {  	v4 =	vmul.f32 @p0 $5.000000000e-01, v4;
	v9 =	vsub.s32 $0x5F3759DF, v53  }
0x195: {  	s2 =	sadd.s32 @p2 $0x80, s28;
	s1 =	smov.u32 s21;
	v11 =	vmul.f32 @p1 v25, v14;
	v3 =	vmul.f32 v9, v3  }
0x196: {  	v13 =	vsub.f32 @p2 v24, v2;
	s1 =	smov.u32 @p2 s2;
	v4 =	vsub.f32 @p0 $1.500000000e+00, v4  }
0x197: {  	v14 =	vmul.f32 @p2 v27, v27;
	[tilespmem:s1+$0xFFFFFFF0] =	vst @p1 v11;
	v9 =	vmul.f32 v9, v3  }
0x198: {  	v11 =	vmul.f32 @p2 v13, v13;
	v8 =	vpsel p0, v8, v20;
	v13 =	vld @p1 [tilespmem:s6+$0xFFFFFFE0];
	v4 =	vpsel p0, v4, v23  }
0x199: {  	v16 =	vsub.f32 @p2 v26, v1;
	s2 =	smov.u32 s21;
	s7 =	sadd.s32 @p1 $0x80, s1;
	v20 =	vld @p1 [tilespmem:s6+$0x0];
	v4 =	vmul.f32 @p0 v4, v8;
	v54 =	vmul.f32 $5.000000000e-01, v9  }
0x19a: {  	s2 =	smov.u32 @p1 s7;
	s7 =	smov.u32 @p0 s31  }
0x19b: {  	s29 =	smov.u32 @p0 s7;
	v9 =	vadd.f32 @p2 v11, v14;
	v11 =	vmul.f32 @p2 v16, v16;
	v14 =	vld @p1 [tilespmem:s6+$0x20];
	[tilespmem:s2+$0xFFFFFFF0] =	vst @p0 v4;
	v55 =	vsub.f32 $1.500000000e+00, v54  }
0x19c: {  	v8 =	vld @p0 [tilespmem:s29+$0xFFFFFFE0]  }
0x19d: {  	s7 =	sadd.s32 @p0 $0x80, s2;
	v9 =	vadd.f32 @p2 v11, v9;
	v11 =	vld @p0 [tilespmem:s29+$0x0];
	v3 =	vmul.f32 v55, v3  }
0x19e: {  	s6 =	smov.u32 s21;
	s21 =	smov.u32 @p0 s7;
	v4 =	vsub.f32 @p1 v13, v0;
	v13 =	vpsel p1, v20, v15  }
0x19f: {  	v13 =	vsub.f32 @p1 v13, v2;
	v20 =	vld @p0 [tilespmem:s29+$0x20];
	[tilespmem:s21+$0xFFFFFFF0] =	vst v3  }
0x1a0: {  	v15 =	vmul.f32 @p3 v21, v22;
	v4 =	vpsel p1, v4, v19;
	v56 =	vld [tilespmem:s26+$0xFFFFFFE0]  }
0x1a1: {  	v4 =	vmul.f32 @p1 v4, v4;
	v13 =	vmul.f32 @p1 v13, v13;
	v14 =	vpsel p1, v14, v18;
	v57 =	vld [tilespmem:s26+$0x0]  }
0x1a2: {  	v14 =	vsub.f32 @p1 v14, v1;
	v8 =	vsub.f32 @p0 v8, v0;
	v5 =	vpsel p0, v11, v5  }
0x1a3: {  	v16 =	vshrl.u32 @p2 v9, $0x1;
	v4 =	vadd.f32 @p1 v13, v4;
	v58 =	vld [tilespmem:s26+$0x20];
	v5 =	vsub.f32 @p0 v5, v2  }
0x1a4: {  	v6 =	vpsel p0, v20, v6;
	v13 =	vmul.f32 @p1 v14, v14;
	v7 =	vpsel p0, v8, v7  }
0x1a5: {  	v6 =	vsub.f32 @p0 v6, v1;
	v7 =	vmul.f32 @p0 v7, v7;
	v5 =	vmul.f32 @p0 v5, v5  }
0x1a6: {  	v3 =	vsub.s32 @p2 $0x5F3759DF, v16;
	v59 =	vsub.f32 v56, v0;
	v60 =	vsub.f32 v57, v2  }
0x1a7: {  	v4 =	vadd.f32 @p1 v13, v4;
	v6 =	vmul.f32 @p0 v6, v6;
	v5 =	vadd.f32 @p0 v5, v7  }
0x1a8: {  	v61 =	vsub.f32 v58, v1;
	v0 =	vmul.f32 v59, v59;
	v2 =	vmul.f32 v60, v60  }
0x1a9: {  	v9 =	vpsel p2, v9, v12;
	v3 =	vpsel p2, v3, v17;
	v5 =	vadd.f32 @p0 v6, v5  }
0x1aa: {  	v6 =	vshrl.u32 @p1 v4, $0x1;
	v1 =	vmul.f32 v61, v61;
	v0 =	vadd.f32 v2, v0  }
0x1ab: {  	v8 =	vmul.f32 @p2 v3, v9;
	v2 =	vsub.s32 @p1 $0x5F3759DF, v6;
	v6 =	vshrl.u32 @p0 v5, $0x1  }
0x1ac: {  	v4 =	vpsel p1, v4, v0;
	v2 =	vpsel p1, v2, v0;
	v0 =	vadd.f32 v1, v0  }
0x1ad: {  	v3 =	vmul.f32 @p2 v3, v8;
	v7 =	vmul.f32 @p3 v21, v15;
	v6 =	vsub.s32 @p0 $0x5F3759DF, v6  }
0x1ae: {  	v1 =	vmul.f32 @p1 v2, v4;
	v4 =	vpsel p0, v5, v0;
	v5 =	vpsel p0, v6, v0  }
0x1af: {  	v3 =	vmul.f32 @p2 $5.000000000e-01, v3;
	v62 =	vshrl.u32 v0, $0x1;
	v4 =	vmul.f32 @p0 v5, v4  }
0x1b0: {  	v6 =	vmul.f32 @p3 $5.000000000e-01, v7;
	v2 =	vmul.f32 @p1 v2, v1;
	v7 =	vsub.s32 $0x5F3759DF, v62  }
0x1b1: {  	v0 =	vmul.f32 v7, v0;
	v5 =	vmul.f32 @p0 v5, v4  }
0x1b2: {  	v6 =	vsub.f32 @p3 $1.500000000e+00, v6;
	v2 =	vmul.f32 @p1 $5.000000000e-01, v2  }
0x1b3: {  	v3 =	vsub.f32 @p2 $1.500000000e+00, v3;
	v7 =	vmul.f32 v7, v0;
	v5 =	vmul.f32 @p0 $5.000000000e-01, v5  }
0x1b4: {  	v6 =	vmul.f32 @p3 v6, v15;
	v2 =	vsub.f32 @p1 $1.500000000e+00, v2  }
0x1b5: {  	s7 =	smov.u32 @p2 s28;
	v3 =	vmul.f32 @p2 v3, v8;
	v7 =	vmul.f32 $5.000000000e-01, v7;
	v5 =	vsub.f32 @p0 $1.500000000e+00, v5  }
0x1b6: {  	s0 =	smov.u32 @p3 s0;
	[tilespmem:s30+$0x0] =	vst @p4 v10;
	s6 =	smov.u32 @p2 s7;
	v6 =	vpsel p3, v6, v0;
	v1 =	vmul.f32 @p1 v2, v1  }
0x1b7: {  	s1 =	smov.u32 @p1 s1;
	s2 =	smov.u32 @p0 s2;
	[tilespmem:s0+$0x0] =	vst @p3 v6;
	v2 =	vpsel p2, v3, v0;
	s0 =	smov.u32 @p2 s6;
	v63 =	vsub.f32 $1.500000000e+00, v7;
	v3 =	vmul.f32 @p0 v5, v4  }
0x1b8: {  	[tilespmem:s0+$0x0] =	vst @p2 v2;
	s0 =	smov.u32 @p1 s1;
	s1 =	smov.u32 @p0 s2;
	v1 =	vpsel p1, v1, v0  }
0x1b9: {  	[tilespmem:s0+$0x0] =	vst @p1 v1;
	s0 =	smov.u32 @p0 s1;
	v1 =	vpsel p0, v3, v0;
	v0 =	vmul.f32 v63, v0  }
0x1ba: {  	[tilespmem:s0+$0x0] =	vst @p0 v1  }
0x1bb: {  	[tilespmem:s21+$0x0] =	vst v0  }
.LBB2_57:
0x1bc: {  	p0 =	sgt.s32 s25, $0x0  }
0x1bd: {  	s25 =	simm.s32 @!p0 $0x0  }
0x1be: {  	s18 =	sadd.s32 s18, s25  }
0x1bf: {  	s24 =	sadd.s32 $0x1, s24;
	p1 =	sgt.s32 s18, $0x3FF  }
0x1c0: {  	p0 =	por !p0, !p1;
	p1 =	slt.u32 s24, s22  }
.Ltmp38:
0x1c1: {  	_ = 	snop;
	(pc) =	sbr.rel @!p1 .LBB2_58-.Ltmp38, $4  }
0x1c2: {  	s0 =	simm.s32 $0x1;
	p0 =	por !p0, !p0  }
0x1c3: {  	s0 =	simm.s32 @!p0 $0x0  }
0x1c4: {  	s21 =	sadd.s32 s0, s20;
	s0 =	sadd.s32 $0x2, s20  }
0x1c5: {  	s23 =	sadd.s32 s23, s25;
	s18 =	smov.u32 @p0 s0;
	s20 =	smov.u32 s21  }
.LBB2_41:
0x1c6: {  	s0 =	ssub.s32 $0x400, s18;
	s25 =	ssub.s32 $0x58, s23  }
0x1c7: {  	p0 =	slt.s32 s0, s25  }
0x1c8: {  	s25 =	smov.u32 @p0 s0  }
0x1c9: {  	p0 =	slt.s32 s25, $0x1  }
.Ltmp39:
0x1ca: {  	_ = 	snop;
	(pc) =	sbr.rel @p0 .LBB2_57-.Ltmp39, $1  }
0x1cb: {  	_ =	sdelay $0x3  }
0x1cc: {  	s0 =	smul.u32 $0x180, s20  }
0x1cd: {  	s1 =	smul.u32 $0x180, s18  }
0x1ce: {  	s0 =	sshra.s32 s0, $0x2  }
0x1cf: {  	s1 =	sshra.s32 s1, $0x2;
	v13 =	vld [tilespmem:s0+$0x0]  }
0x1d0: {  	v16 =	vld [tilespmem:s0+$0x20];
	s31 =	sadd.s32 $0x30, s1  }
0x1d1: {  	v4 =	vld [tilespmem:s31+$0xFFFFFFD0]  }
0x1d2: {  	v2 =	vld [tilespmem:s0+$0x30]  }
0x1d3: {  	p5 =	seq.s32 s25, $0x1;
	v5 =	vld [tilespmem:s31+$0xFFFFFFF0]  }
.Ltmp40:
0x1d4: {  	v3 =	vld [tilespmem:s0+$0x40];
	(pc) =	sbr.rel @p5 .LBB2_43-.Ltmp40, $4  }
0x1d5: {  	s2 =	sshll.u32 s23, $0x9;
	v1 =	vld [tilespmem:s0+$0x50]  }
0x1d6: {  	p0 =	por $0x0, $0x0;
	p1 =	por $0x0, $0x0;
	p2 =	por $0x0, $0x0;
	v9 =	vld [tilespmem:s31+$0x10];
	v4 =	vsub.f32 v4, v13  }
0x1d7: {  	p3 =	por $0x0, $0x0;
	p4 =	por $0x0, $0x0;
	s2 =	sshra.s32 s2, $0x2  }
0x1d8: {  	s21 =	sadd.s32 $0x18010, s2;
	v0 =	vld [tilespmem:s0+$0x10];
	s0 =	sadd.s32 $0xFFFFFFFF, s25;
	s26 =	sadd.s32 $0x60, s31;
	v8 =	vsub.f32 v5, v16;
	v4 =	vmul.f32 v4, v4  }
0x1d9: {  	v5 =	vld [tilespmem:s26+$0xFFFFFFD0];
	_ =	sdelay $0x1  }
0x1da: {  	v6 =	vld [tilespmem:s26+$0xFFFFFFF0];
	p5 =	seq.s32 s0, $0x1  }
.Ltmp41:
0x1db: {  	v7 =	vmul.f32 v8, v8;
	v8 =	vsub.f32 v9, v3;
	(pc) =	sbr.rel @p5 .LBB2_45-.Ltmp41, $3  }
0x1dc: {  	_ = 	snop  }
0x1dd: {  	v9 =	vld [tilespmem:s26+$0x10];
	v7 =	vadd.f32 v7, v4;
	v10 =	vmul.f32 v8, v8;
	v5 =	vsub.f32 v5, v13;
	_ =	sdelay $0x1  }
0x1de: {  	s29 =	sadd.s32 $0x60, s26;
	s0 =	sadd.s32 $0xFFFFFFFF, s0;
	p0 =	por $0x1, $0x1;
	v8 =	vsub.f32 v6, v16;
	v11 =	vadd.f32 v10, v7;
	v4 =	vmul.f32 v5, v5  }
0x1df: {  	_ = 	snop  }
0x1e0: {  	v6 =	vshrl.u32 v11, $0x1  }
0x1e1: {  	v5 =	vld [tilespmem:s29+$0xFFFFFFD0];
	v6 =	vsub.s32 $0x5F3759DF, v6  }
0x1e2: {  	v7 =	vld [tilespmem:s29+$0xFFFFFFF0];
	v14 =	vmul.f32 v6, v11  }
0x1e3: {  	p5 =	seq.s32 s0, $0x1;
	v8 =	vmul.f32 v8, v8  }
.Ltmp42:
0x1e4: {  	v9 =	vsub.f32 v9, v3;
	v6 =	vmul.f32 v6, v14;
	(pc) =	sbr.rel @p5 .LBB2_47-.Ltmp42, $4  }
0x1e5: {  	v10 =	vadd.f32 v8, v4  }
0x1e6: {  	v11 =	vmul.f32 v9, v9;
	v9 =	vld [tilespmem:s29+$0x10];
	v5 =	vsub.f32 v5, v13;
	v6 =	vmul.f32 $5.000000000e-01, v6  }
0x1e7: {  	v8 =	vsub.f32 v7, v16  }
0x1e8: {  	s1 =	sadd.s32 $0x60, s29;
	s0 =	sadd.s32 $0xFFFFFFFF, s0;
	p1 =	por $0x1, $0x1;
	v11 =	vadd.f32 v11, v10;
	v4 =	vmul.f32 v5, v5;
	v25 =	vsub.f32 $1.500000000e+00, v6  }
0x1e9: {  	_ = 	snop  }
0x1ea: {  	v5 =	vshrl.u32 v11, $0x1;
	v6 =	vmul.f32 v25, v14  }
0x1eb: {  	v7 =	vld [tilespmem:s1+$0xFFFFFFD0];
	v5 =	vsub.s32 $0x5F3759DF, v5  }
0x1ec: {  	v10 =	vld [tilespmem:s1+$0xFFFFFFF0];
	v14 =	vmul.f32 v5, v11;
	[tilespmem:s21+$0xFFFFFFF0] =	vst v6  }
0x1ed: {  	p5 =	seq.s32 s0, $0x1;
	v6 =	vmul.f32 v8, v8;
	v8 =	vsub.f32 v9, v3;
	v12 =	vld [tilespmem:s31+$0xFFFFFFE0]  }
.Ltmp43:
0x1ee: {  	v9 =	vmul.f32 v5, v14;
	(pc) =	sbr.rel @p5 .LBB2_49-.Ltmp43, $4  }
0x1ef: {  	v4 =	vadd.f32 v6, v4;
	v11 =	vmul.f32 v8, v8  }
0x1f0: {  	v7 =	vsub.f32 v7, v13;
	v15 =	vmul.f32 $5.000000000e-01, v9;
	v9 =	vld [tilespmem:s1+$0x10]  }
0x1f1: {  	v5 =	vld [tilespmem:s31+$0x0];
	v8 =	vsub.f32 v10, v16;
	v11 =	vadd.f32 v11, v4  }
0x1f2: {  	s2 =	sadd.s32 $0x60, s1;
	s0 =	sadd.s32 $0xFFFFFFFF, s0;
	p2 =	por $0x1, $0x1;
	v6 =	vld [tilespmem:s31+$0x20];
	v4 =	vmul.f32 v7, v7;
	v25 =	vsub.f32 $1.500000000e+00, v15;
	v7 =	vsub.f32 v12, v0  }
0x1f3: {  	_ =	sdelay $0x2  }
0x1f4: {  	v10 =	vld [tilespmem:s2+$0xFFFFFFD0];
	v12 =	vshrl.u32 v11, $0x1;
	v15 =	vsub.f32 v5, v2  }
0x1f5: {  	v8 =	vmul.f32 v8, v8;
	v12 =	vsub.s32 $0x5F3759DF, v12;
	v14 =	vmul.f32 v25, v14  }
0x1f6: {  	s28 =	sadd.s32 $0x80, s21;
	v17 =	vmul.f32 v7, v7;
	v18 =	vsub.f32 v6, v1;
	v15 =	vmul.f32 v15, v15  }
0x1f7: {  	v19 =	vld [tilespmem:s2+$0xFFFFFFF0];
	v20 =	vmul.f32 v12, v11;
	v9 =	vsub.f32 v9, v3;
	[tilespmem:s28+$0xFFFFFFF0] =	vst v14  }
0x1f8: {  	p5 =	seq.s32 s0, $0x1;
	v21 =	vadd.f32 v8, v4;
	v14 =	vld [tilespmem:s26+$0xFFFFFFE0];
	v11 =	vadd.f32 v15, v17;
	v15 =	vmul.f32 v18, v18  }
.Ltmp44:
0x1f9: {  	v9 =	vmul.f32 v9, v9;
	v10 =	vsub.f32 v10, v13;
	v17 =	vmul.f32 v12, v20;
	(pc) =	sbr.rel @p5 .LBB2_51-.Ltmp44, $4  }
0x1fa: {  	v12 =	vadd.f32 v15, v11  }
0x1fb: {  	v4 =	vmul.f32 v10, v10;
	v10 =	vmul.f32 $5.000000000e-01, v17;
	v11 =	vadd.f32 v9, v21;
	v9 =	vld [tilespmem:s2+$0x10]  }
0x1fc: {  	v8 =	vsub.f32 v19, v16;
	v18 =	vld [tilespmem:s26+$0x20];
	v17 =	vshrl.u32 v12, $0x1  }
0x1fd: {  	s7 =	sadd.s32 $0xFFFFFFFF, s0;
	p3 =	por $0x1, $0x1;
	v15 =	vld [tilespmem:s26+$0x0];
	s26 =	sadd.s32 $0x60, s2;
	v19 =	vsub.f32 v14, v0;
	v23 =	vsub.f32 $1.500000000e+00, v10;
	v17 =	vsub.s32 $0x5F3759DF, v17  }
0x1fe: {  	_ =	sdelay $0x3  }
0x1ff: {  	v14 =	vshrl.u32 v11, $0x1;
	v25 =	vmul.f32 v17, v12;
	v21 =	vsub.f32 v15, v2  }
0x200: {  	v10 =	vld [tilespmem:s26+$0xFFFFFFD0];
	v22 =	vsub.s32 $0x5F3759DF, v14;
	v24 =	vmul.f32 v23, v20;
	v26 =	vmul.f32 v19, v19  }
0x201: {  	v27 =	vld [tilespmem:s26+$0xFFFFFFF0];
	v29 =	vmul.f32 v17, v25;
	v28 =	vsub.f32 v18, v1;
	v21 =	vmul.f32 v21, v21  }
0x202: {  	s6 =	sadd.s32 $0x80, s28;
	v8 =	vmul.f32 v8, v8;
	v9 =	vsub.f32 v9, v3;
	v14 =	vmul.f32 v22, v11  }
0x203: {  	[tilespmem:s6+$0xFFFFFFF0] =	vst v24;
	v24 =	vmul.f32 $5.000000000e-01, v29;
	v11 =	vadd.f32 v21, v26;
	v21 =	vmul.f32 v28, v28  }
0x204: {  	p5 =	seq.s32 s7, $0x1;
	v30 =	vld [tilespmem:s29+$0xFFFFFFE0];
	v28 =	vadd.f32 v8, v4;
	v26 =	vmul.f32 v22, v14  }
.Ltmp45:
0x205: {  	v9 =	vmul.f32 v9, v9;
	v22 =	vadd.f32 v21, v11;
	v21 =	vsub.f32 $1.500000000e+00, v24;
	v24 =	vld [tilespmem:s29+$0x0];
	(pc) =	sbr.rel @p5 .LBB2_53-.Ltmp45, $4  }
0x206: {  	v10 =	vsub.f32 v10, v13;
	v8 =	vsub.f32 v27, v16;
	v27 =	vmul.f32 $5.000000000e-01, v26;
	v26 =	vld [tilespmem:s29+$0x20]  }
0x207: {  	v11 =	vadd.f32 v9, v28;
	v9 =	vld [tilespmem:s26+$0x10]  }
0x208: {  	s0 =	sadd.s32 $0x60, s26;
	v4 =	vmul.f32 v10, v10;
	v28 =	vshrl.u32 v22, $0x1;
	v10 =	vmul.f32 v21, v25  }
0x209: {  	s7 =	sadd.s32 $0xFFFFFFFF, s7;
	p4 =	por $0x1, $0x1;
	s30 =	smov.u32 s21;
	v25 =	vsub.f32 $1.500000000e+00, v27;
	v27 =	vsub.f32 v30, v0;
	v21 =	vsub.s32 $0x5F3759DF, v28  }
.LBB2_54:
0x20a: {  	v28 =	vld [tilespmem:s0+$0xFFFFFFD0];
	p5 =	seq.s32 s7, $0x1;
	v29 =	vshrl.u32 v11, $0x1;
	v24 =	vsub.f32 v24, v2;
	v30 =	vmul.f32 v21, v22;
	[tilespmem:s30+$0x0] =	vst v10;
	s30 =	smov.u32 s28;
	s28 =	smov.u32 s6  }
0x20b: {  	v10 =	vsub.s32 $0x5F3759DF, v29;
	v22 =	vmul.f32 v25, v14;
	v25 =	vmul.f32 v27, v27  }
0x20c: {  	s6 =	sadd.s32 $0x80, s6;
	v27 =	vld [tilespmem:s0+$0xFFFFFFF0];
	v24 =	vmul.f32 v24, v24;
	v26 =	vsub.f32 v26, v1;
	v21 =	vmul.f32 v21, v30  }
0x20d: {  	v8 =	vmul.f32 v8, v8;
	v14 =	vmul.f32 v10, v11;
	v9 =	vsub.f32 v9, v3;
	[tilespmem:s6+$0xFFFFFFF0] =	vst v22  }
0x20e: {  	v29 =	vld [tilespmem:s1+$0xFFFFFFE0];
	v11 =	vadd.f32 v24, v25;
	v22 =	vmul.f32 v26, v26;
	v21 =	vmul.f32 $5.000000000e-01, v21  }
.Ltmp46:
0x20f: {  	v10 =	vmul.f32 v10, v14;
	v25 =	vsub.f32 v28, v13;
	v28 =	vadd.f32 v8, v4;
	v24 =	vld [tilespmem:s1+$0x0];
	(pc) =	sbr.rel @!p5 .LBB2_54-.Ltmp46, $4  }
0x210: {  	v31 =	vmul.f32 v9, v9;
	v22 =	vadd.f32 v22, v11;
	v21 =	vsub.f32 $1.500000000e+00, v21  }
0x211: {  	v4 =	vmul.f32 v25, v25;
	v8 =	vsub.f32 v27, v16;
	v25 =	vmul.f32 $5.000000000e-01, v10;
	v26 =	vld [tilespmem:s1+$0x20];
	s1 =	smov.u32 s2;
	s2 =	smov.u32 s26;
	s26 =	smov.u32 s0  }
0x212: {  	v11 =	vadd.f32 v31, v28;
	v9 =	vld [tilespmem:s0+$0x10];
	v28 =	vshrl.u32 v22, $0x1;
	v10 =	vmul.f32 v21, v30  }
0x213: {  	s7 =	sadd.s32 $0xFFFFFFFF, s7;
	s0 =	sadd.s32 $0x60, s0;
	v25 =	vsub.f32 $1.500000000e+00, v25;
	v27 =	vsub.f32 v29, v0;
	v21 =	vsub.s32 $0x5F3759DF, v28  }
.Ltmp47:
0x214: {  	(pc) =	sbr.rel .LBB2_56-.Ltmp47, $3  }
0x215: {  	_ =	sdelay $0x1  }
0x216: {  	s0 =	smov.u32 s28  }
0x217: {  	s28 =	smov.u32 s6;
	s6 =	smov.u32 s1;
	s31 =	smov.u32 s2  }
.LBB2_45:
.Ltmp48:
0x218: {  	(pc) =	sbr.rel .LBB2_56-.Ltmp48, $2  }
0x219: {  	_ =	sdelay $0x2  }
0x21a: {  	s28 =	smov.u32 s21  }
.LBB2_47:
.Ltmp49:
0x21b: {  	(pc) =	sbr.rel .LBB2_56-.Ltmp49, $3  }
0x21c: {  	_ =	sdelay $0x1  }
0x21d: {  	s6 =	smov.u32 s31  }
0x21e: {  	s31 =	smov.u32 s26;
	s26 =	smov.u32 s29;
	s28 =	smov.u32 s21  }
.LBB2_49:
.Ltmp50:
0x21f: {  	_ = 	snop;
	(pc) =	sbr.rel .LBB2_56-.Ltmp50, $3  }
0x220: {  	_ =	sdelay $0x1  }
0x221: {  	s6 =	smov.u32 s26  }
0x222: {  	s31 =	smov.u32 s29;
	s28 =	smov.u32 s21;
	s26 =	smov.u32 s1;
	v27 =	vmov v7;
	v24 =	vmov v5;
	v26 =	vmov v6  }
.LBB2_51:
.Ltmp51:
0x223: {  	_ = 	snop;
	(pc) =	sbr.rel .LBB2_56-.Ltmp51, $3  }
0x224: {  	_ =	sdelay $0x1  }
0x225: {  	v22 =	vmov v12;
	v21 =	vmov v17;
	s0 =	smov.u32 s21  }
0x226: {  	v14 =	vmovc v20;
	s6 =	smov.u32 s29;
	s31 =	smov.u32 s1;
	s26 =	smov.u32 s2;
	v25 =	vmovc v23;
	v27 =	vmov v19;
	v26 =	vmov v18;
	v24 =	vmov v15  }
.LBB2_53:
.Ltmp52:
0x227: {  	(pc) =	sbr.rel .LBB2_56-.Ltmp52, $3  }
0x228: {  	_ =	sdelay $0x1  }
0x229: {  	s0 =	smov.u32 s28;
	s30 =	smov.u32 s21  }
0x22a: {  	s28 =	smov.u32 s6;
	s6 =	smov.u32 s1;
	s31 =	smov.u32 s2  }
.LBB2_58:
0x22b: {  	s22 =	smul.u32 $0xB0, s19;
	_ =	sdelay $0x1  }
0x22c: {  	s0 =	sadd.s32 s22, s8  }
0x22d: {  	s0 =	sshll.u32 s0, $0x4  }
0x22e: {  	s23 =	simm.s32 $0x0;
	s0 =	sadd.s32 s4, s0  }
0x22f: {  	[hbm4b:s0+s23] =	stream.linear.scatter [tilespmem:s14], [sflag:$0x1], $0x2C00, $0x38;
	[tilespmem:$0x1D800] =	vst v63  }
0x230: {  	s0 =	ssub.s32 $0x3F2, s21  }
0x231: {  	p0 =	sgt.s32 s0, $0x1  }
0x232: {  	_ =	swait.ge [sflag:s16], $0x2C00;
	s0 =	simm.s32 @!p0 $0x1  }
0x233: {  	(drf) =	sdiv.u32 s13, s0;
	_ =	sdelay $0x6  }
.Ltmp53:
0x234: {  	_ = 	snop;
	(pc) =	sbr.rel .LBB2_59-.Ltmp53, $4  }
0x235: {  	_ = 	snop  }
0x236: {  	s0 =	spop (drf)  }
0x237: {  	[sflag:s16] =	ssyncset.done $0x0;
	s0 =	smin.u32 s0, $0xC  }
0x238: {  	s25 =	simm.s32 $0x0;
	[sflag:s16] =	ssyncadd.s32 $0xFFFFD400;
	s24 =	sadd.s32 $0x1, s0  }
.LBB2_61:
0x239: {  	s29 =	smov.u32 s20;
	s30 =	smov.u32 s0  }
.LBB2_74:
0x23a: {  	_ =	sdelay $0x1  }
0x23b: {  	v8 =	vmul.f32 v8, v8;
	v3 =	vsub.f32 v9, v3  }
0x23c: {  	v9 =	vshrl.u32 @p0 v11, $0x1  }
0x23d: {  	v4 =	vadd.f32 v8, v4;
	v9 =	vsub.s32 @p0 $0x5F3759DF, v9;
	v3 =	vmul.f32 v3, v3  }
0x23e: {  	v8 =	vmul.f32 @p0 v9, v11  }
0x23f: {  	v3 =	vadd.f32 v3, v4  }
0x240: {  	v4 =	vmul.f32 @p0 v9, v8  }
0x241: {  	v53 =	vshrl.u32 v3, $0x1  }
0x242: {  	v4 =	vmul.f32 @p0 $5.000000000e-01, v4;
	v9 =	vsub.s32 $0x5F3759DF, v53  }
0x243: {  	s28 =	sadd.s32 @p2 $0x80, s29;
	s1 =	smov.u32 s20;
	v11 =	vmul.f32 @p1 v25, v14;
	v3 =	vmul.f32 v9, v3  }
0x244: {  	v13 =	vsub.f32 @p2 v24, v2;
	s1 =	smov.u32 @p2 s28;
	v4 =	vsub.f32 @p0 $1.500000000e+00, v4  }
0x245: {  	v14 =	vmul.f32 @p2 v27, v27;
	[tilespmem:s1+$0xFFFFFFF0] =	vst @p1 v11;
	v9 =	vmul.f32 v9, v3  }
0x246: {  	v11 =	vmul.f32 @p2 v13, v13;
	v8 =	vpsel p0, v8, v20;
	v13 =	vld @p1 [tilespmem:s7+$0xFFFFFFE0];
	v4 =	vpsel p0, v4, v23  }
0x247: {  	v16 =	vsub.f32 @p2 v26, v1;
	s28 =	smov.u32 s20;
	s10 =	sadd.s32 @p1 $0x80, s1;
	v20 =	vld @p1 [tilespmem:s7+$0x0];
	v4 =	vmul.f32 @p0 v4, v8;
	v54 =	vmul.f32 $5.000000000e-01, v9  }
0x248: {  	s28 =	smov.u32 @p1 s10  }
0x249: {  	s6 =	smov.u32 @p0 s0;
	v9 =	vadd.f32 @p2 v11, v14;
	v11 =	vmul.f32 @p2 v16, v16;
	v14 =	vld @p1 [tilespmem:s7+$0x20];
	[tilespmem:s28+$0xFFFFFFF0] =	vst @p0 v4;
	v55 =	vsub.f32 $1.500000000e+00, v54  }
0x24a: {  	v8 =	vld @p0 [tilespmem:s6+$0xFFFFFFE0]  }
0x24b: {  	s7 =	sadd.s32 @p0 $0x80, s28;
	v9 =	vadd.f32 @p2 v11, v9;
	v11 =	vld @p0 [tilespmem:s6+$0x0];
	v3 =	vmul.f32 v55, v3  }
0x24c: {  	s0 =	smov.u32 s20;
	s20 =	smov.u32 @p0 s7;
	v4 =	vsub.f32 @p1 v13, v0;
	v13 =	vpsel p1, v20, v15  }
0x24d: {  	v13 =	vsub.f32 @p1 v13, v2;
	v20 =	vld @p0 [tilespmem:s6+$0x20];
	[tilespmem:s20+$0xFFFFFFF0] =	vst v3  }
0x24e: {  	v15 =	vmul.f32 @p3 v21, v22;
	v4 =	vpsel p1, v4, v19;
	v56 =	vld [tilespmem:s30+$0xFFFFFFE0]  }
0x24f: {  	v4 =	vmul.f32 @p1 v4, v4;
	v13 =	vmul.f32 @p1 v13, v13;
	v14 =	vpsel p1, v14, v18;
	v57 =	vld [tilespmem:s30+$0x0]  }
0x250: {  	v14 =	vsub.f32 @p1 v14, v1;
	v8 =	vsub.f32 @p0 v8, v0;
	v5 =	vpsel p0, v11, v5  }
0x251: {  	v16 =	vshrl.u32 @p2 v9, $0x1;
	v4 =	vadd.f32 @p1 v13, v4;
	v58 =	vld [tilespmem:s30+$0x20];
	v5 =	vsub.f32 @p0 v5, v2  }
0x252: {  	v6 =	vpsel p0, v20, v6;
	v13 =	vmul.f32 @p1 v14, v14;
	v7 =	vpsel p0, v8, v7  }
0x253: {  	v6 =	vsub.f32 @p0 v6, v1;
	v7 =	vmul.f32 @p0 v7, v7;
	v5 =	vmul.f32 @p0 v5, v5  }
0x254: {  	v3 =	vsub.s32 @p2 $0x5F3759DF, v16;
	v59 =	vsub.f32 v56, v0;
	v60 =	vsub.f32 v57, v2  }
0x255: {  	v4 =	vadd.f32 @p1 v13, v4;
	v6 =	vmul.f32 @p0 v6, v6;
	v5 =	vadd.f32 @p0 v5, v7  }
0x256: {  	v61 =	vsub.f32 v58, v1;
	v0 =	vmul.f32 v59, v59;
	v2 =	vmul.f32 v60, v60  }
0x257: {  	v9 =	vpsel p2, v9, v12;
	v3 =	vpsel p2, v3, v17;
	v5 =	vadd.f32 @p0 v6, v5  }
0x258: {  	v6 =	vshrl.u32 @p1 v4, $0x1;
	v1 =	vmul.f32 v61, v61;
	v0 =	vadd.f32 v2, v0  }
0x259: {  	v8 =	vmul.f32 @p2 v3, v9;
	v2 =	vsub.s32 @p1 $0x5F3759DF, v6;
	v6 =	vshrl.u32 @p0 v5, $0x1  }
0x25a: {  	v4 =	vpsel p1, v4, v0;
	v2 =	vpsel p1, v2, v0;
	v0 =	vadd.f32 v1, v0  }
0x25b: {  	v3 =	vmul.f32 @p2 v3, v8;
	v7 =	vmul.f32 @p3 v21, v15;
	v6 =	vsub.s32 @p0 $0x5F3759DF, v6  }
0x25c: {  	v1 =	vmul.f32 @p1 v2, v4;
	v4 =	vpsel p0, v5, v0;
	v5 =	vpsel p0, v6, v0  }
0x25d: {  	v3 =	vmul.f32 @p2 $5.000000000e-01, v3;
	v62 =	vshrl.u32 v0, $0x1;
	v4 =	vmul.f32 @p0 v5, v4  }
0x25e: {  	v6 =	vmul.f32 @p3 $5.000000000e-01, v7;
	v2 =	vmul.f32 @p1 v2, v1;
	v7 =	vsub.s32 $0x5F3759DF, v62  }
0x25f: {  	v0 =	vmul.f32 v7, v0;
	v5 =	vmul.f32 @p0 v5, v4  }
0x260: {  	v6 =	vsub.f32 @p3 $1.500000000e+00, v6;
	v2 =	vmul.f32 @p1 $5.000000000e-01, v2  }
0x261: {  	v3 =	vsub.f32 @p2 $1.500000000e+00, v3;
	v7 =	vmul.f32 v7, v0;
	v5 =	vmul.f32 @p0 $5.000000000e-01, v5  }
0x262: {  	v6 =	vmul.f32 @p3 v6, v15;
	v2 =	vsub.f32 @p1 $1.500000000e+00, v2  }
0x263: {  	s6 =	smov.u32 @p2 s29;
	v3 =	vmul.f32 @p2 v3, v8;
	v7 =	vmul.f32 $5.000000000e-01, v7;
	v5 =	vsub.f32 @p0 $1.500000000e+00, v5  }
0x264: {  	s2 =	smov.u32 @p3 s2;
	[tilespmem:s31+$0x0] =	vst @p4 v10;
	s0 =	smov.u32 @p2 s6;
	s6 =	smov.u32 @p0 s28;
	v6 =	vpsel p3, v6, v0;
	v1 =	vmul.f32 @p1 v2, v1  }
0x265: {  	s1 =	smov.u32 @p1 s1;
	s0 =	smov.u32 @p2 s0;
	[tilespmem:s2+$0x0] =	vst @p3 v6;
	v2 =	vpsel p2, v3, v0;
	s2 =	smov.u32 @p0 s6;
	v63 =	vsub.f32 $1.500000000e+00, v7;
	v3 =	vmul.f32 @p0 v5, v4  }
0x266: {  	[tilespmem:s0+$0x0] =	vst @p2 v2;
	s0 =	smov.u32 @p1 s1;
	s1 =	smov.u32 @p0 s2;
	v1 =	vpsel p1, v1, v0  }
0x267: {  	[tilespmem:s0+$0x0] =	vst @p1 v1;
	s0 =	smov.u32 @p0 s1;
	v1 =	vpsel p0, v3, v0;
	v0 =	vmul.f32 v63, v0  }
0x268: {  	[tilespmem:s0+$0x0] =	vst @p0 v1  }
0x269: {  	[tilespmem:s20+$0x0] =	vst v0  }
.LBB2_75:
0x26a: {  	p0 =	sgt.s32 s26, $0x0  }
0x26b: {  	s26 =	simm.s32 @!p0 $0x0  }
0x26c: {  	s18 =	sadd.s32 s18, s26  }
0x26d: {  	p1 =	sgt.s32 s18, $0x3FF  }
0x26e: {  	p0 =	por !p0, !p1;
	p1 =	seq.s32 s23, s24  }
.Ltmp54:
0x26f: {  	_ = 	snop;
	(pc) =	sbr.rel @p1 .LBB2_76-.Ltmp54, $4  }
0x270: {  	s0 =	simm.s32 $0x1;
	p0 =	por !p0, !p0  }
0x271: {  	s0 =	simm.s32 @!p0 $0x0  }
0x272: {  	s25 =	sadd.s32 s25, s26;
	s20 =	sadd.s32 s0, s21;
	s0 =	sadd.s32 $0x2, s21  }
0x273: {  	s23 =	sadd.s32 $0x1, s23;
	s18 =	smov.u32 @p0 s0;
	s21 =	smov.u32 s20  }
.LBB2_59:
0x274: {  	s0 =	ssub.s32 $0x400, s18;
	s26 =	ssub.s32 $0x58, s25  }
0x275: {  	p0 =	slt.s32 s0, s26  }
0x276: {  	s26 =	smov.u32 @p0 s0  }
0x277: {  	p0 =	slt.s32 s26, $0x1  }
.Ltmp55:
0x278: {  	_ = 	snop;
	(pc) =	sbr.rel @p0 .LBB2_75-.Ltmp55, $1  }
0x279: {  	_ =	sdelay $0x3  }
0x27a: {  	s0 =	smul.u32 $0x180, s21;
	_ =	sdelay $0x1  }
0x27b: {  	s0 =	sshra.s32 s0, $0x2  }
0x27c: {  	v13 =	vld [tilespmem:s0+$0x0]  }
0x27d: {  	v0 =	vld [tilespmem:s0+$0x10]  }
0x27e: {  	s1 =	smul.u32 $0x180, s18;
	v16 =	vld [tilespmem:s0+$0x20]  }
0x27f: {  	v2 =	vld [tilespmem:s0+$0x30]  }
0x280: {  	s1 =	sshra.s32 s1, $0x2;
	v3 =	vld [tilespmem:s0+$0x40]  }
0x281: {  	v1 =	vld [tilespmem:s0+$0x50];
	s0 =	sadd.s32 $0x30, s1  }
0x282: {  	v4 =	vld [tilespmem:s0+$0xFFFFFFD0];
	_ =	sdelay $0x1  }
0x283: {  	p5 =	seq.s32 s26, $0x1;
	v5 =	vld [tilespmem:s0+$0xFFFFFFF0]  }
.Ltmp56:
0x284: {  	_ = 	snop;
	(pc) =	sbr.rel @p5 .LBB2_61-.Ltmp56, $4  }
0x285: {  	s2 =	sshll.u32 s25, $0x9  }
0x286: {  	p0 =	por $0x0, $0x0;
	p1 =	por $0x0, $0x0;
	p2 =	por $0x0, $0x0;
	v9 =	vld [tilespmem:s0+$0x10];
	v4 =	vsub.f32 v4, v13  }
0x287: {  	p3 =	por $0x0, $0x0;
	p4 =	por $0x0, $0x0;
	s2 =	sshra.s32 s2, $0x2  }
0x288: {  	s20 =	sadd.s32 $0x1AC10, s2;
	s1 =	sadd.s32 $0xFFFFFFFF, s26;
	s30 =	sadd.s32 $0x60, s0;
	v8 =	vsub.f32 v5, v16;
	v4 =	vmul.f32 v4, v4  }
0x289: {  	v5 =	vld [tilespmem:s30+$0xFFFFFFD0];
	_ =	sdelay $0x1  }
0x28a: {  	v6 =	vld [tilespmem:s30+$0xFFFFFFF0];
	p5 =	seq.s32 s1, $0x1  }
.Ltmp57:
0x28b: {  	v7 =	vmul.f32 v8, v8;
	v8 =	vsub.f32 v9, v3;
	(pc) =	sbr.rel @p5 .LBB2_63-.Ltmp57, $3  }
0x28c: {  	_ = 	snop  }
0x28d: {  	v9 =	vld [tilespmem:s30+$0x10];
	v7 =	vadd.f32 v7, v4;
	v10 =	vmul.f32 v8, v8;
	v5 =	vsub.f32 v5, v13;
	_ =	sdelay $0x1  }
0x28e: {  	s6 =	sadd.s32 $0x60, s30;
	s1 =	sadd.s32 $0xFFFFFFFF, s1;
	p0 =	por $0x1, $0x1;
	v8 =	vsub.f32 v6, v16;
	v11 =	vadd.f32 v10, v7;
	v4 =	vmul.f32 v5, v5  }
0x28f: {  	_ = 	snop  }
0x290: {  	v6 =	vshrl.u32 v11, $0x1  }
0x291: {  	v5 =	vld [tilespmem:s6+$0xFFFFFFD0];
	v6 =	vsub.s32 $0x5F3759DF, v6  }
0x292: {  	v7 =	vld [tilespmem:s6+$0xFFFFFFF0];
	v14 =	vmul.f32 v6, v11  }
0x293: {  	p5 =	seq.s32 s1, $0x1;
	v8 =	vmul.f32 v8, v8  }
.Ltmp58:
0x294: {  	v9 =	vsub.f32 v9, v3;
	v6 =	vmul.f32 v6, v14;
	(pc) =	sbr.rel @p5 .LBB2_65-.Ltmp58, $4  }
0x295: {  	v10 =	vadd.f32 v8, v4  }
0x296: {  	v11 =	vmul.f32 v9, v9;
	v9 =	vld [tilespmem:s6+$0x10];
	v5 =	vsub.f32 v5, v13;
	v6 =	vmul.f32 $5.000000000e-01, v6  }
0x297: {  	v8 =	vsub.f32 v7, v16  }
0x298: {  	s28 =	sadd.s32 $0x60, s6;
	s2 =	sadd.s32 $0xFFFFFFFF, s1;
	p1 =	por $0x1, $0x1;
	v11 =	vadd.f32 v11, v10;
	v4 =	vmul.f32 v5, v5;
	v25 =	vsub.f32 $1.500000000e+00, v6  }
0x299: {  	_ = 	snop  }
0x29a: {  	v5 =	vshrl.u32 v11, $0x1;
	v6 =	vmul.f32 v25, v14  }
0x29b: {  	v7 =	vld [tilespmem:s28+$0xFFFFFFD0];
	v5 =	vsub.s32 $0x5F3759DF, v5  }
0x29c: {  	v10 =	vld [tilespmem:s28+$0xFFFFFFF0];
	v14 =	vmul.f32 v5, v11;
	[tilespmem:s20+$0xFFFFFFF0] =	vst v6  }
0x29d: {  	p5 =	seq.s32 s2, $0x1;
	v6 =	vmul.f32 v8, v8;
	v8 =	vsub.f32 v9, v3;
	v12 =	vld [tilespmem:s0+$0xFFFFFFE0]  }
.Ltmp59:
0x29e: {  	v9 =	vmul.f32 v5, v14;
	(pc) =	sbr.rel @p5 .LBB2_67-.Ltmp59, $4  }
0x29f: {  	v4 =	vadd.f32 v6, v4;
	v11 =	vmul.f32 v8, v8  }
0x2a0: {  	v7 =	vsub.f32 v7, v13;
	v15 =	vmul.f32 $5.000000000e-01, v9;
	v9 =	vld [tilespmem:s28+$0x10]  }
0x2a1: {  	v5 =	vld [tilespmem:s0+$0x0];
	v8 =	vsub.f32 v10, v16;
	v11 =	vadd.f32 v11, v4  }
0x2a2: {  	s1 =	sadd.s32 $0x60, s28;
	p2 =	por $0x1, $0x1;
	v6 =	vld [tilespmem:s0+$0x20];
	s0 =	sadd.s32 $0xFFFFFFFF, s2;
	v4 =	vmul.f32 v7, v7;
	v25 =	vsub.f32 $1.500000000e+00, v15;
	v7 =	vsub.f32 v12, v0  }
0x2a3: {  	_ =	sdelay $0x2  }
0x2a4: {  	v10 =	vld [tilespmem:s1+$0xFFFFFFD0];
	v12 =	vshrl.u32 v11, $0x1;
	v15 =	vsub.f32 v5, v2  }
0x2a5: {  	v8 =	vmul.f32 v8, v8;
	v12 =	vsub.s32 $0x5F3759DF, v12;
	v14 =	vmul.f32 v25, v14  }
0x2a6: {  	s29 =	sadd.s32 $0x80, s20;
	v17 =	vmul.f32 v7, v7;
	v18 =	vsub.f32 v6, v1;
	v15 =	vmul.f32 v15, v15  }
0x2a7: {  	v19 =	vld [tilespmem:s1+$0xFFFFFFF0];
	v20 =	vmul.f32 v12, v11;
	v9 =	vsub.f32 v9, v3;
	[tilespmem:s29+$0xFFFFFFF0] =	vst v14  }
0x2a8: {  	p5 =	seq.s32 s0, $0x1;
	v21 =	vadd.f32 v8, v4;
	v14 =	vld [tilespmem:s30+$0xFFFFFFE0];
	v11 =	vadd.f32 v15, v17;
	v15 =	vmul.f32 v18, v18  }
.Ltmp60:
0x2a9: {  	v9 =	vmul.f32 v9, v9;
	v10 =	vsub.f32 v10, v13;
	v17 =	vmul.f32 v12, v20;
	(pc) =	sbr.rel @p5 .LBB2_69-.Ltmp60, $4  }
0x2aa: {  	v12 =	vadd.f32 v15, v11  }
0x2ab: {  	v4 =	vmul.f32 v10, v10;
	v10 =	vmul.f32 $5.000000000e-01, v17;
	v11 =	vadd.f32 v9, v21;
	v9 =	vld [tilespmem:s1+$0x10]  }
0x2ac: {  	v8 =	vsub.f32 v19, v16;
	v18 =	vld [tilespmem:s30+$0x20];
	v17 =	vshrl.u32 v12, $0x1  }
0x2ad: {  	s7 =	sadd.s32 $0xFFFFFFFF, s0;
	p3 =	por $0x1, $0x1;
	v15 =	vld [tilespmem:s30+$0x0];
	s30 =	sadd.s32 $0x60, s1;
	v19 =	vsub.f32 v14, v0;
	v23 =	vsub.f32 $1.500000000e+00, v10;
	v17 =	vsub.s32 $0x5F3759DF, v17  }
0x2ae: {  	_ =	sdelay $0x3  }
0x2af: {  	v14 =	vshrl.u32 v11, $0x1;
	v25 =	vmul.f32 v17, v12;
	v21 =	vsub.f32 v15, v2  }
0x2b0: {  	v10 =	vld [tilespmem:s30+$0xFFFFFFD0];
	v22 =	vsub.s32 $0x5F3759DF, v14;
	v24 =	vmul.f32 v23, v20;
	v26 =	vmul.f32 v19, v19  }
0x2b1: {  	v27 =	vld [tilespmem:s30+$0xFFFFFFF0];
	v29 =	vmul.f32 v17, v25;
	v28 =	vsub.f32 v18, v1;
	v21 =	vmul.f32 v21, v21  }
0x2b2: {  	s0 =	sadd.s32 $0x80, s29;
	v8 =	vmul.f32 v8, v8;
	v9 =	vsub.f32 v9, v3;
	v14 =	vmul.f32 v22, v11  }
0x2b3: {  	[tilespmem:s0+$0xFFFFFFF0] =	vst v24;
	v24 =	vmul.f32 $5.000000000e-01, v29;
	v11 =	vadd.f32 v21, v26;
	v21 =	vmul.f32 v28, v28  }
0x2b4: {  	p5 =	seq.s32 s7, $0x1;
	v30 =	vld [tilespmem:s6+$0xFFFFFFE0];
	v28 =	vadd.f32 v8, v4;
	v26 =	vmul.f32 v22, v14  }
.Ltmp61:
0x2b5: {  	v9 =	vmul.f32 v9, v9;
	v22 =	vadd.f32 v21, v11;
	v21 =	vsub.f32 $1.500000000e+00, v24;
	v24 =	vld [tilespmem:s6+$0x0];
	(pc) =	sbr.rel @p5 .LBB2_71-.Ltmp61, $4  }
0x2b6: {  	v10 =	vsub.f32 v10, v13;
	v8 =	vsub.f32 v27, v16;
	v27 =	vmul.f32 $5.000000000e-01, v26;
	v26 =	vld [tilespmem:s6+$0x20]  }
0x2b7: {  	v11 =	vadd.f32 v9, v28;
	v9 =	vld [tilespmem:s30+$0x10]  }
0x2b8: {  	s2 =	sadd.s32 $0x60, s30;
	v4 =	vmul.f32 v10, v10;
	v28 =	vshrl.u32 v22, $0x1;
	v10 =	vmul.f32 v21, v25  }
0x2b9: {  	s7 =	sadd.s32 $0xFFFFFFFF, s7;
	p4 =	por $0x1, $0x1;
	s31 =	smov.u32 s20;
	v25 =	vsub.f32 $1.500000000e+00, v27;
	v27 =	vsub.f32 v30, v0;
	v21 =	vsub.s32 $0x5F3759DF, v28  }
.LBB2_72:
0x2ba: {  	v28 =	vld [tilespmem:s2+$0xFFFFFFD0];
	p5 =	seq.s32 s7, $0x1;
	v29 =	vshrl.u32 v11, $0x1;
	v24 =	vsub.f32 v24, v2;
	v30 =	vmul.f32 v21, v22;
	[tilespmem:s31+$0x0] =	vst v10;
	s31 =	smov.u32 s29;
	s29 =	smov.u32 s0  }
0x2bb: {  	v10 =	vsub.s32 $0x5F3759DF, v29;
	v22 =	vmul.f32 v25, v14;
	v25 =	vmul.f32 v27, v27  }
0x2bc: {  	s0 =	sadd.s32 $0x80, s0;
	v27 =	vld [tilespmem:s2+$0xFFFFFFF0];
	v24 =	vmul.f32 v24, v24;
	v26 =	vsub.f32 v26, v1;
	v21 =	vmul.f32 v21, v30  }
0x2bd: {  	v8 =	vmul.f32 v8, v8;
	v14 =	vmul.f32 v10, v11;
	v9 =	vsub.f32 v9, v3;
	[tilespmem:s0+$0xFFFFFFF0] =	vst v22  }
0x2be: {  	v29 =	vld [tilespmem:s28+$0xFFFFFFE0];
	v11 =	vadd.f32 v24, v25;
	v22 =	vmul.f32 v26, v26;
	v21 =	vmul.f32 $5.000000000e-01, v21  }
.Ltmp62:
0x2bf: {  	v10 =	vmul.f32 v10, v14;
	v25 =	vsub.f32 v28, v13;
	v28 =	vadd.f32 v8, v4;
	v24 =	vld [tilespmem:s28+$0x0];
	(pc) =	sbr.rel @!p5 .LBB2_72-.Ltmp62, $4  }
0x2c0: {  	v31 =	vmul.f32 v9, v9;
	v22 =	vadd.f32 v22, v11;
	v21 =	vsub.f32 $1.500000000e+00, v21  }
0x2c1: {  	v4 =	vmul.f32 v25, v25;
	v8 =	vsub.f32 v27, v16;
	v25 =	vmul.f32 $5.000000000e-01, v10;
	v26 =	vld [tilespmem:s28+$0x20];
	s28 =	smov.u32 s1;
	s1 =	smov.u32 s30;
	s30 =	smov.u32 s2  }
0x2c2: {  	v11 =	vadd.f32 v31, v28;
	v9 =	vld [tilespmem:s2+$0x10];
	v28 =	vshrl.u32 v22, $0x1;
	v10 =	vmul.f32 v21, v30  }
0x2c3: {  	s7 =	sadd.s32 $0xFFFFFFFF, s7;
	s2 =	sadd.s32 $0x60, s2;
	v25 =	vsub.f32 $1.500000000e+00, v25;
	v27 =	vsub.f32 v29, v0;
	v21 =	vsub.s32 $0x5F3759DF, v28  }
.Ltmp63:
0x2c4: {  	(pc) =	sbr.rel .LBB2_74-.Ltmp63, $3  }
0x2c5: {  	_ =	sdelay $0x1  }
0x2c6: {  	s2 =	smov.u32 s29  }
0x2c7: {  	s29 =	smov.u32 s0;
	s7 =	smov.u32 s28;
	s0 =	smov.u32 s1  }
.LBB2_63:
.Ltmp64:
0x2c8: {  	(pc) =	sbr.rel .LBB2_74-.Ltmp64, $2  }
0x2c9: {  	_ =	sdelay $0x2  }
0x2ca: {  	s29 =	smov.u32 s20  }
.LBB2_65:
.Ltmp65:
0x2cb: {  	(pc) =	sbr.rel .LBB2_74-.Ltmp65, $3  }
0x2cc: {  	_ =	sdelay $0x1  }
0x2cd: {  	s7 =	smov.u32 s0  }
0x2ce: {  	s0 =	smov.u32 s30;
	s30 =	smov.u32 s6;
	s29 =	smov.u32 s20  }
.LBB2_67:
.Ltmp66:
0x2cf: {  	_ = 	snop;
	(pc) =	sbr.rel .LBB2_74-.Ltmp66, $3  }
0x2d0: {  	_ =	sdelay $0x1  }
0x2d1: {  	s7 =	smov.u32 s30  }
0x2d2: {  	s0 =	smov.u32 s6;
	s29 =	smov.u32 s20;
	s30 =	smov.u32 s28;
	v27 =	vmov v7;
	v24 =	vmov v5;
	v26 =	vmov v6  }
.LBB2_69:
.Ltmp67:
0x2d3: {  	_ = 	snop;
	(pc) =	sbr.rel .LBB2_74-.Ltmp67, $3  }
0x2d4: {  	_ =	sdelay $0x1  }
0x2d5: {  	v22 =	vmov v12;
	v21 =	vmov v17;
	s2 =	smov.u32 s20  }
0x2d6: {  	v14 =	vmovc v20;
	s7 =	smov.u32 s6;
	s0 =	smov.u32 s28;
	s30 =	smov.u32 s1;
	v25 =	vmovc v23;
	v27 =	vmov v19;
	v26 =	vmov v18;
	v24 =	vmov v15  }
.LBB2_71:
.Ltmp68:
0x2d7: {  	(pc) =	sbr.rel .LBB2_74-.Ltmp68, $3  }
0x2d8: {  	_ =	sdelay $0x1  }
0x2d9: {  	s2 =	smov.u32 s29;
	s31 =	smov.u32 s20  }
0x2da: {  	s29 =	smov.u32 s0;
	s7 =	smov.u32 s28;
	s0 =	smov.u32 s1  }
.LBB2_78:
0x2db: {  	_ =	sfence.sel $0x180000  }
0x2dc: {  	[bflag:$0x0] =	sbarrier.arrive $0xFFFF  }
0x2dd: {  	_ =	strace $0x90000047  }
0x2de: {  	s0 =	stileid.u32;
	[bflag:$0x2] =	sbarrier.arrive $0xFFFF  }
0x2df: {  	p0 =	sne.s32 s0, $0x0;
	s0 =	rddreg [dreg:$0x2]  }
0x2e0: {  	s0 =	sadd.s32 @!p0 $0x100000, s0  }
0x2e1: {  	[sflag:s0] =	ssyncadd.tile.s32 @!p0 $0x1;
	_ =	shalt  }
.Lfunc_end2:
_tile_overlayer_lowered:
.L_overlay_start_2:
0x2e2: {  	(tag) =	ssettag $0x2  }
0x2e3: {  	s0 =	rddreg [dreg:$0x0];
	s2 =	stileid.u32  }
0x2e4: {  	s1 =	rddreg [dreg:$0x1];
	p0 =	sne.s32 s2, $0x0  }
0x2e5: {  	s3 =	rddreg [dreg:$0x2];
	[bflag:$0x3] =	sbarrier.arrive $0xFFFF;
	s2 =	simm.s32 @!p0 $0x1C03  }
0x2e6: {  	[timem:s3], [sflag:s2] =	dma.local @!p0 [hbm:s0], s1  }
0x2e7: {  	s0 =	simm.s32 @!p0 $0x3  }
0x2e8: {  	_ =	swait.ge @!p0 [sflag:s0], s1  }
0x2e9: {  	s1 =	ssub.s32 @!p0 $0x0, s1;
	[sflag:s0] =	ssyncset.done @!p0 $0x0  }
0x2ea: {  	[sflag:s0] =	ssyncadd.s32 @!p0 s1  }
0x2eb: {  	[bflag:$0x3] =	sbarrier.arrive $0xFFFF  }
0x2ec: {  	_ =	shalt  }

</sc_bundles>
